<compile_context>
chip_gen: v7x
topology: tpu7x:2x2x1
jax: 0.10.2.dev20260603
libtpu: 0.0.44.dev20260713+nightly
codegen_flags: <defaults>
</compile_context>

<pallas_src>
import functools

import jax
import jax.numpy as jnp
import numpy as np
from jax import lax
from jax.experimental import pallas as pl
from jax.experimental.pallas import tpu as pltpu
from jax.experimental.pallas import tpu_sc as plsc

N_LABELS = 1000
NBINS = 1024
NC, NS, L = 2, 16, 16
NW = NC * NS
TOTAL = 64 * 512 * 512
PER_W = TOTAL // NW
CHUNK = 32768
NCHUNK = PER_W // CHUNK

ROWS = 64
IMG_PER_W = 64 // NW
CH_PER_IMG = 512 // ROWS


@functools.cache
def _get_sc_hist():
    mesh = plsc.VectorSubcoreMesh(core_axis_name="c", subcore_axis_name="s")
    return functools.partial(
        pl.kernel,
        mesh=mesh,
        compiler_params=pltpu.CompilerParams(needs_layout_passes=False),
        out_type=jax.ShapeDtypeStruct((NW, NBINS), jnp.int32),
        scratch_types=[
            pltpu.VMEM((ROWS, 512), jnp.int32),
            pltpu.VMEM((ROWS, 512), jnp.int32),
            pltpu.VMEM((NBINS * L,), jnp.int32),
            pltpu.VMEM((NBINS,), jnp.int32),
            pltpu.SemaphoreType.DMA,
            pltpu.SemaphoreType.DMA,
        ],
    )(_sc_hist_body)


def _sc_hist_body(masks_hbm, out_hbm, buf0, buf1, hist, hist1d, sem0, sem1):
    wid = lax.axis_index("s") * NC + lax.axis_index("c")
    img0 = wid * IMG_PER_W

    zeros = jnp.zeros((L,), jnp.int32)

    @plsc.parallel_loop(0, NBINS, unroll=8)
    def _zero(i):
        hist[pl.ds(i * L, L)] = zeros

    lane = lax.iota(jnp.int32, L)
    ones = jnp.ones((L,), jnp.int32)

    def _src(c):
        img = img0 + c // CH_PER_IMG
        r0 = (c % CH_PER_IMG) * ROWS
        return masks_hbm.at[img, pl.ds(r0, ROWS)]

    bufs = (buf0, buf1)
    sems = (sem0, sem1)
    cps = [None, None]
    cps[0] = pltpu.async_copy(_src(0), buf0, sem0)
    for c in range(NCHUNK):
        b = c & 1
        if c + 1 < NCHUNK:
            cps[1 - b] = pltpu.async_copy(_src(c + 1), bufs[1 - b],
                                          sems[1 - b])
        cps[b].wait()
        row = bufs[b]

        @plsc.parallel_loop(0, CHUNK // L, unroll=16)
        def _body(i):
            v = row[i // (512 // L), pl.ds((i % (512 // L)) * L, L)]
            plsc.addupdate_scatter(hist, [v * L + lane], ones)

    lane0 = lane == 0

    @plsc.parallel_loop(0, NBINS, unroll=4)
    def _fold(r):
        s = jnp.sum(hist[pl.ds(r * L, L)])
        plsc.store_scatter(hist1d, [jnp.full((L,), r, jnp.int32)],
                           jnp.full((L,), s, jnp.int32), mask=lane0)
    pltpu.sync_copy(hist1d, out_hbm.at[wid])


def _tc_style(styles_ref, A_ref, smean_ref, ym_ref, dm_ref, ds_ref):
    x = styles_ref[...] - smean_ref[...]
    d = lax.dot_general(x, A_ref[...], (((1,), (0,)), ((), ())),
                        precision=lax.Precision.HIGHEST,
                        preferred_element_type=jnp.float32)
    ds = jnp.exp(d + jnp.log(dm_ref[0, 0]) + ym_ref[0, 0])
    ds_ref[...] = jnp.maximum(jnp.float32(5.0), ds)


def _tc_finish(part_ref, md_ref, sq_ref):
    part = part_ref[...]
    counts = jnp.sum(part, axis=0, keepdims=True)

    idx = lax.broadcasted_iota(jnp.int32, (1, NBINS), 1)
    valid = (idx >= 1) & (idx < N_LABELS)
    cf = jnp.where(valid, counts, jnp.int32(1 << 30))

    half = (N_LABELS - 1) // 2 + 1

    def _bs(_, lohi):
        lo, hi = lohi
        mid = (lo + hi) // 2
        cnt = jnp.sum(jnp.where(cf <= mid, 1, 0))
        pred = cnt >= half
        return (jnp.where(pred, lo, mid + 1), jnp.where(pred, mid, hi))

    lo, hi = lax.fori_loop(0, 25, _bs,
                           (jnp.int32(0), jnp.int32(1 << 24)))
    md = jnp.sqrt(lo.astype(jnp.float32)) / np.float32(np.sqrt(np.pi) / 2.0)
    md_ref[...] = jnp.full((1, 1), md, jnp.float32)

    sq_ref[...] = jnp.sqrt(counts.astype(jnp.float32))


def kernel(styles, masks, A, smean, ymean, diam_mean):
    part = _get_sc_hist()(masks)

    ds = pl.pallas_call(
        _tc_style,
        out_shape=jax.ShapeDtypeStruct((64, 1), jnp.float32),
    )(styles, A.reshape(256, 1), smean.reshape(1, 256),
      ymean.reshape(1, 1), diam_mean.reshape(1, 1))

    md2, sq_full = pl.pallas_call(
        _tc_finish,
        out_shape=[
            jax.ShapeDtypeStruct((1, 1), jnp.float32),
            jax.ShapeDtypeStruct((1, NBINS), jnp.float32),
        ],
    )(part)

    md = md2.reshape(())
    sq = sq_full.reshape(-1)[1:N_LABELS]
    return (md, sq, ds.reshape(-1))

# --- scband reference (transcript-rebuilt; emitter-appended) ---
"""Pipeline reference for scband-size-model-71803263254929 (READ-ONLY COPY).

The authoritative reference and input builder live on the scoring server;
editing this copy changes nothing except your own understanding.
"""

import jax, jax.numpy as jnp
import numpy as np

N_LABELS = 1000

def setup_inputs(seed: int = 0) -> dict:
    key = jax.random.key(seed)
    k1, k2 = jax.random.split(key, 2)
    styles = jax.random.normal(k1, (64, 256), dtype=jnp.float32)
    masks = jax.random.randint(k2, (64, 512, 512), 0, N_LABELS, dtype=jnp.int32)
    A = 0.01 * jnp.ones((256,), dtype=jnp.float32)
    smean = jnp.zeros((256,), dtype=jnp.float32)
    ymean = jnp.asarray(0.5, dtype=jnp.float32)
    diam_mean = jnp.asarray(30.0, dtype=jnp.float32)
    return {"styles": styles, "masks": masks, "A": A, "smean": smean, "ymean": ymean, "diam_mean": diam_mean}

def reference(styles, masks, A, smean, ymean, diam_mean):
    # _size_estimation: linear regression from style to log-size
    diam_style = jnp.exp(A @ (styles - smean).T + jnp.log(diam_mean) + ymean)
    diam_style = jnp.maximum(jnp.asarray(5.0, diam_style.dtype), diam_style)
    # _diameters: torch.unique(masks, return_counts=True) with counts[1:].
    # With dense labels in [0, N_LABELS) over 16.7M elements all labels occur,
    # so unique-counts == bincount; counts[1:] drops the background label 0.
    counts = jnp.bincount(masks.ravel(), length=N_LABELS)
    counts = counts[1:]
    sq = counts.astype(jnp.float32) ** 0.5
    md = jnp.median(sq)
    md = jnp.where(jnp.isnan(md), jnp.asarray(0.0, sq.dtype), md)
    md = md / (jnp.pi ** 0.5 / 2.0)
    return (md, sq, diam_style)

if __name__ == "__main__":
    import jax
    _d = setup_inputs()
    print(jax.jit(kernel)(*tuple(_d.values())))

</pallas_src>

<mosaic_0001>
#map = affine_map<(d0, d1) -> (0, 0, 0)>
#map1 = affine_map<(d0, d1) -> (0, 0)>
module attributes {stable_mosaic.version = 14 : i64} {
  func.func @_sc_hist_body(%arg0: i32, %arg1: i32, %arg2: memref<64x512x512xi32, #tpu.memory_space<hbm>>, %arg3: memref<32x1024xi32, #tpu.memory_space<hbm>>, %arg4: memref<64x512xi32, #tpu.memory_space<vmem>>, %arg5: memref<64x512xi32, #tpu.memory_space<vmem>>, %arg6: memref<16384xi32, #tpu.memory_space<vmem>>, %arg7: memref<1024xi32, #tpu.memory_space<vmem>>, %arg8: memref<!tpu.dma_semaphore, #tpu.memory_space<semaphore_mem>>, %arg9: memref<!tpu.dma_semaphore, #tpu.memory_space<semaphore_mem>>) attributes {dimension_semantics = [#tpu.dimension_semantics<core_parallel>, #tpu.dimension_semantics<subcore_parallel>], iteration_bounds = array<i64: 2, 16>, scalar_prefetch = 0 : i64, scratch_operands = 6 : i64, tpu.core_type = #tpu.core_type<sc_vector_subcore>, window_params = [{transform_indices = #map}, {transform_indices = #map1}]} {
    %mul3A = arith.constant 2 : i32
    %mul3A_0 = arith.muli %arg1, %mul3A : i32
    %add3A = arith.addi %mul3A_0, %arg0 : i32
    %mul3A_1 = arith.constant 2 : i32
    %mul3A_2 = arith.muli %add3A, %mul3A_1 : i32
    %broadcast_in_dim3A = arith.constant 0 : i32
    %broadcast_in_dim3A_3 = vector.broadcast %broadcast_in_dim3A : i32 to vector<16xi32>
    %parallel_loop3A = arith.constant 0 : i32
    %parallel_loop3A_4 = arith.constant 1024 : i32
    %parallel_loop3A_5 = arith.constant 1 : i32
    scf.for %parallel_loop3A_347 = %parallel_loop3A to %parallel_loop3A_4 step %parallel_loop3A_5  : i32 {
      %parallel_loop3A_348 = arith.constant 16 : i32
      %parallel_loop3A_349 = arith.muli %parallel_loop3A_347, %parallel_loop3A_348 : i32
      %parallel_loop3A_350 = arith.index_cast %parallel_loop3A_349 : i32 to index
      %parallel_loop3A_351 = tpu.vector_load %arg6[%parallel_loop3A_350] {strides = array<i32>} : memref<16384xi32, #tpu.memory_space<vmem>>, vector<16xi32>,
      tpu.vector_store %arg6[%parallel_loop3A_350], %broadcast_in_dim3A_3 {strides = array<i32>} : memref<16384xi32, #tpu.memory_space<vmem>>, vector<16xi32>,
    } {sc.loop_unroll_factor = 8 : i64, sc.parallel_access}
    %iota3A = tpu.iota {dimensions = array<i32: 0>} : vector<16xi32>
    %broadcast_in_dim3A_6 = arith.constant 1 : i32
    %broadcast_in_dim3A_7 = vector.broadcast %broadcast_in_dim3A_6 : i32 to vector<16xi32>
    %add3A_8 = arith.constant 0 : i32
    %add3A_9 = arith.addi %mul3A_2, %add3A_8 : i32
    %dma_start3A = arith.constant 0 : i32
    %dma_start3A_10 = arith.constant 0 : i32
    %dma_start3A_11 = tpu.memref_slice %arg2[%add3A_9, %dma_start3A, %dma_start3A_10] : memref<64x512x512xi32, #tpu.memory_space<hbm>> -> memref<1x64x512xi32, #tpu.memory_space<hbm>>
    %dma_start3A_12 = tpu.memref_squeeze %dma_start3A_11 : memref<1x64x512xi32, #tpu.memory_space<hbm>> -> memref<64x512xi32, #tpu.memory_space<hbm>>
    %dma_start3A_13 = arith.constant 0 : i32
    %dma_start3A_14 = arith.constant 0 : i32
    %dma_start3A_15 = tpu.memref_slice %arg2[%add3A_9, %dma_start3A_13, %dma_start3A_14] : memref<64x512x512xi32, #tpu.memory_space<hbm>> -> memref<1x64x512xi32, #tpu.memory_space<hbm>>
    %dma_start3A_16 = tpu.memref_squeeze %dma_start3A_15 : memref<1x64x512xi32, #tpu.memory_space<hbm>> -> memref<64x512xi32, #tpu.memory_space<hbm>>
    tpu.enqueue_dma source(%dma_start3A_16 : memref<64x512xi32, #tpu.memory_space<hbm>>) target(%arg4 : memref<64x512xi32, #tpu.memory_space<vmem>>) target_semaphore(%arg8 : memref<!tpu.dma_semaphore, #tpu.memory_space<semaphore_mem>>)
    %add3A_17 = arith.constant 0 : i32
    %add3A_18 = arith.addi %mul3A_2, %add3A_17 : i32
    %dma_start3A_19 = arith.constant 64 : i32
    %dma_start3A_20 = arith.constant 0 : i32
    %dma_start3A_21 = tpu.memref_slice %arg2[%add3A_18, %dma_start3A_19, %dma_start3A_20] : memref<64x512x512xi32, #tpu.memory_space<hbm>> -> memref<1x64x512xi32, #tpu.memory_space<hbm>>
    %dma_start3A_22 = tpu.memref_squeeze %dma_start3A_21 : memref<1x64x512xi32, #tpu.memory_space<hbm>> -> memref<64x512xi32, #tpu.memory_space<hbm>>
    %dma_start3A_23 = arith.constant 64 : i32
    %dma_start3A_24 = arith.constant 0 : i32
    %dma_start3A_25 = tpu.memref_slice %arg2[%add3A_18, %dma_start3A_23, %dma_start3A_24] : memref<64x512x512xi32, #tpu.memory_space<hbm>> -> memref<1x64x512xi32, #tpu.memory_space<hbm>>
    %dma_start3A_26 = tpu.memref_squeeze %dma_start3A_25 : memref<1x64x512xi32, #tpu.memory_space<hbm>> -> memref<64x512xi32, #tpu.memory_space<hbm>>
    tpu.enqueue_dma source(%dma_start3A_26 : memref<64x512xi32, #tpu.memory_space<hbm>>) target(%arg5 : memref<64x512xi32, #tpu.memory_space<vmem>>) target_semaphore(%arg9 : memref<!tpu.dma_semaphore, #tpu.memory_space<semaphore_mem>>)
    %dma_wait3A = arith.constant 0 : i32
    %dma_wait3A_27 = arith.constant 0 : i32
    %dma_wait3A_28 = tpu.memref_slice %arg2[%add3A_9, %dma_wait3A, %dma_wait3A_27] : memref<64x512x512xi32, #tpu.memory_space<hbm>> -> memref<1x64x512xi32, #tpu.memory_space<hbm>>
    %dma_wait3A_29 = tpu.memref_squeeze %dma_wait3A_28 : memref<1x64x512xi32, #tpu.memory_space<hbm>> -> memref<64x512xi32, #tpu.memory_space<hbm>>
    %dma_wait3A_30 = arith.constant 0 : i32
    %dma_wait3A_31 = arith.constant 0 : i32
    %dma_wait3A_32 = tpu.memref_slice %arg2[%add3A_9, %dma_wait3A_30, %dma_wait3A_31] : memref<64x512x512xi32, #tpu.memory_space<hbm>> -> memref<1x64x512xi32, #tpu.memory_space<hbm>>
    %dma_wait3A_33 = tpu.memref_squeeze %dma_wait3A_32 : memref<1x64x512xi32, #tpu.memory_space<hbm>> -> memref<64x512xi32, #tpu.memory_space<hbm>>
    tpu.wait_dma2 semaphore(%arg8 : memref<!tpu.dma_semaphore, #tpu.memory_space<semaphore_mem>>) src(%dma_wait3A_33 : memref<64x512xi32, #tpu.memory_space<hbm>>) dst(%arg4 : memref<64x512xi32, #tpu.memory_space<vmem>>)
    %parallel_loop3A_34 = arith.constant 0 : i32
    %parallel_loop3A_35 = arith.constant 2048 : i32
    %parallel_loop3A_36 = arith.constant 1 : i32
    scf.for %parallel_loop3A_347 = %parallel_loop3A_34 to %parallel_loop3A_35 step %parallel_loop3A_36  : i32 {
      %parallel_loop3A_348 = arith.constant 32 : i32
      %parallel_loop3A_349 = arith.divsi %parallel_loop3A_347, %parallel_loop3A_348 : i32
      %parallel_loop3A_350 = arith.constant 0 : i32
      %parallel_loop3A_351 = arith.cmpi sgt, %parallel_loop3A_347, %parallel_loop3A_350 : i32
      %parallel_loop3A_352 = arith.extui %parallel_loop3A_351 : i1 to i32
      %parallel_loop3A_353 = arith.constant 0 : i32
      %parallel_loop3A_354 = arith.cmpi slt, %parallel_loop3A_347, %parallel_loop3A_353 : i32
      %parallel_loop3A_355 = arith.extui %parallel_loop3A_354 : i1 to i32
      %parallel_loop3A_356 = arith.subi %parallel_loop3A_352, %parallel_loop3A_355 : i32
      %parallel_loop3A_357 = arith.constant 0 : i32
      %parallel_loop3A_358 = arith.cmpi sgt, %parallel_loop3A_348, %parallel_loop3A_357 : i32
      %parallel_loop3A_359 = arith.extui %parallel_loop3A_358 : i1 to i32
      %parallel_loop3A_360 = arith.constant 0 : i32
      %parallel_loop3A_361 = arith.cmpi slt, %parallel_loop3A_348, %parallel_loop3A_360 : i32
      %parallel_loop3A_362 = arith.extui %parallel_loop3A_361 : i1 to i32
      %parallel_loop3A_363 = arith.subi %parallel_loop3A_359, %parallel_loop3A_362 : i32
      %parallel_loop3A_364 = arith.cmpi ne, %parallel_loop3A_356, %parallel_loop3A_363 : i32
      %parallel_loop3A_365 = arith.remsi %parallel_loop3A_347, %parallel_loop3A_348 : i32
      %parallel_loop3A_366 = arith.constant 0 : i32
      %parallel_loop3A_367 = arith.cmpi ne, %parallel_loop3A_365, %parallel_loop3A_366 : i32
      %parallel_loop3A_368 = arith.andi %parallel_loop3A_364, %parallel_loop3A_367 : i1
      %parallel_loop3A_369 = arith.constant 1 : i32
      %parallel_loop3A_370 = arith.subi %parallel_loop3A_349, %parallel_loop3A_369 : i32
      %parallel_loop3A_371 = arith.select %parallel_loop3A_368, %parallel_loop3A_370, %parallel_loop3A_349 : i32
      %parallel_loop3A_372 = arith.constant 32 : i32
      %parallel_loop3A_373 = arith.constant 0 : i32
      %parallel_loop3A_374 = arith.cmpi eq, %parallel_loop3A_372, %parallel_loop3A_373 : i32
      %parallel_loop3A_375 = arith.constant 1 : i32
      %parallel_loop3A_376 = arith.select %parallel_loop3A_374, %parallel_loop3A_375, %parallel_loop3A_372 : i32
      %parallel_loop3A_377 = arith.remsi %parallel_loop3A_347, %parallel_loop3A_376 : i32
      %parallel_loop3A_378 = arith.constant 0 : i32
      %parallel_loop3A_379 = arith.cmpi ne, %parallel_loop3A_377, %parallel_loop3A_378 : i32
      %parallel_loop3A_380 = arith.constant 0 : i32
      %parallel_loop3A_381 = arith.cmpi slt, %parallel_loop3A_377, %parallel_loop3A_380 : i32
      %parallel_loop3A_382 = arith.constant 0 : i32
      %parallel_loop3A_383 = arith.cmpi slt, %parallel_loop3A_376, %parallel_loop3A_382 : i32
      %parallel_loop3A_384 = arith.xori %parallel_loop3A_381, %parallel_loop3A_383 : i1
      %parallel_loop3A_385 = arith.andi %parallel_loop3A_384, %parallel_loop3A_379 : i1
      %parallel_loop3A_386 = arith.addi %parallel_loop3A_377, %parallel_loop3A_376 : i32
      %parallel_loop3A_387 = arith.select %parallel_loop3A_385, %parallel_loop3A_386, %parallel_loop3A_377 : i32
      %parallel_loop3A_388 = arith.constant 16 : i32
      %parallel_loop3A_389 = arith.muli %parallel_loop3A_387, %parallel_loop3A_388 : i32
      %parallel_loop3A_390 = arith.index_cast %parallel_loop3A_371 : i32 to index
      %parallel_loop3A_391 = arith.index_cast %parallel_loop3A_389 : i32 to index
      %parallel_loop3A_392 = tpu.vector_load %arg4[%parallel_loop3A_390, %parallel_loop3A_391] {strides = array<i32>} : memref<64x512xi32, #tpu.memory_space<vmem>>, vector<16xi32>,
      %parallel_loop3A_393 = arith.constant 16 : i32
      %parallel_loop3A_394 = vector.broadcast %parallel_loop3A_393 : i32 to vector<16xi32>
      %parallel_loop3A_395 = arith.muli %parallel_loop3A_392, %parallel_loop3A_394 : vector<16xi32>
      %parallel_loop3A_396 = arith.addi %parallel_loop3A_395, %iota3A : vector<16xi32>
      tpu.vector_store_idx %arg6[%parallel_loop3A_396], %broadcast_in_dim3A_7 {add = true} : memref<16384xi32, #tpu.memory_space<vmem>>[vector<16xi32>], vector<16xi32>,
    } {sc.loop_unroll_factor = 16 : i64, sc.parallel_access}
    %add3A_37 = arith.constant 0 : i32
    %add3A_38 = arith.addi %mul3A_2, %add3A_37 : i32
    %dma_start3A_39 = arith.constant 128 : i32
    %dma_start3A_40 = arith.constant 0 : i32
    %dma_start3A_41 = tpu.memref_slice %arg2[%add3A_38, %dma_start3A_39, %dma_start3A_40] : memref<64x512x512xi32, #tpu.memory_space<hbm>> -> memref<1x64x512xi32, #tpu.memory_space<hbm>>
    %dma_start3A_42 = tpu.memref_squeeze %dma_start3A_41 : memref<1x64x512xi32, #tpu.memory_space<hbm>> -> memref<64x512xi32, #tpu.memory_space<hbm>>
    %dma_start3A_43 = arith.constant 128 : i32
    %dma_start3A_44 = arith.constant 0 : i32
    %dma_start3A_45 = tpu.memref_slice %arg2[%add3A_38, %dma_start3A_43, %dma_start3A_44] : memref<64x512x512xi32, #tpu.memory_space<hbm>> -> memref<1x64x512xi32, #tpu.memory_space<hbm>>
    %dma_start3A_46 = tpu.memref_squeeze %dma_start3A_45 : memref<1x64x512xi32, #tpu.memory_space<hbm>> -> memref<64x512xi32, #tpu.memory_space<hbm>>
    tpu.enqueue_dma source(%dma_start3A_46 : memref<64x512xi32, #tpu.memory_space<hbm>>) target(%arg4 : memref<64x512xi32, #tpu.memory_space<vmem>>) target_semaphore(%arg8 : memref<!tpu.dma_semaphore, #tpu.memory_space<semaphore_mem>>)
    %dma_wait3A_47 = arith.constant 64 : i32
    %dma_wait3A_48 = arith.constant 0 : i32
    %dma_wait3A_49 = tpu.memref_slice %arg2[%add3A_18, %dma_wait3A_47, %dma_wait3A_48] : memref<64x512x512xi32, #tpu.memory_space<hbm>> -> memref<1x64x512xi32, #tpu.memory_space<hbm>>
    %dma_wait3A_50 = tpu.memref_squeeze %dma_wait3A_49 : memref<1x64x512xi32, #tpu.memory_space<hbm>> -> memref<64x512xi32, #tpu.memory_space<hbm>>
    %dma_wait3A_51 = arith.constant 64 : i32
    %dma_wait3A_52 = arith.constant 0 : i32
    %dma_wait3A_53 = tpu.memref_slice %arg2[%add3A_18, %dma_wait3A_51, %dma_wait3A_52] : memref<64x512x512xi32, #tpu.memory_space<hbm>> -> memref<1x64x512xi32, #tpu.memory_space<hbm>>
    %dma_wait3A_54 = tpu.memref_squeeze %dma_wait3A_53 : memref<1x64x512xi32, #tpu.memory_space<hbm>> -> memref<64x512xi32, #tpu.memory_space<hbm>>
    tpu.wait_dma2 semaphore(%arg9 : memref<!tpu.dma_semaphore, #tpu.memory_space<semaphore_mem>>) src(%dma_wait3A_54 : memref<64x512xi32, #tpu.memory_space<hbm>>) dst(%arg5 : memref<64x512xi32, #tpu.memory_space<vmem>>)
    %parallel_loop3A_55 = arith.constant 0 : i32
    %parallel_loop3A_56 = arith.constant 2048 : i32
    %parallel_loop3A_57 = arith.constant 1 : i32
    scf.for %parallel_loop3A_347 = %parallel_loop3A_55 to %parallel_loop3A_56 step %parallel_loop3A_57  : i32 {
      %parallel_loop3A_348 = arith.constant 32 : i32
      %parallel_loop3A_349 = arith.divsi %parallel_loop3A_347, %parallel_loop3A_348 : i32
      %parallel_loop3A_350 = arith.constant 0 : i32
      %parallel_loop3A_351 = arith.cmpi sgt, %parallel_loop3A_347, %parallel_loop3A_350 : i32
      %parallel_loop3A_352 = arith.extui %parallel_loop3A_351 : i1 to i32
      %parallel_loop3A_353 = arith.constant 0 : i32
      %parallel_loop3A_354 = arith.cmpi slt, %parallel_loop3A_347, %parallel_loop3A_353 : i32
      %parallel_loop3A_355 = arith.extui %parallel_loop3A_354 : i1 to i32
      %parallel_loop3A_356 = arith.subi %parallel_loop3A_352, %parallel_loop3A_355 : i32
      %parallel_loop3A_357 = arith.constant 0 : i32
      %parallel_loop3A_358 = arith.cmpi sgt, %parallel_loop3A_348, %parallel_loop3A_357 : i32
      %parallel_loop3A_359 = arith.extui %parallel_loop3A_358 : i1 to i32
      %parallel_loop3A_360 = arith.constant 0 : i32
      %parallel_loop3A_361 = arith.cmpi slt, %parallel_loop3A_348, %parallel_loop3A_360 : i32
      %parallel_loop3A_362 = arith.extui %parallel_loop3A_361 : i1 to i32
      %parallel_loop3A_363 = arith.subi %parallel_loop3A_359, %parallel_loop3A_362 : i32
      %parallel_loop3A_364 = arith.cmpi ne, %parallel_loop3A_356, %parallel_loop3A_363 : i32
      %parallel_loop3A_365 = arith.remsi %parallel_loop3A_347, %parallel_loop3A_348 : i32
      %parallel_loop3A_366 = arith.constant 0 : i32
      %parallel_loop3A_367 = arith.cmpi ne, %parallel_loop3A_365, %parallel_loop3A_366 : i32
      %parallel_loop3A_368 = arith.andi %parallel_loop3A_364, %parallel_loop3A_367 : i1
      %parallel_loop3A_369 = arith.constant 1 : i32
      %parallel_loop3A_370 = arith.subi %parallel_loop3A_349, %parallel_loop3A_369 : i32
      %parallel_loop3A_371 = arith.select %parallel_loop3A_368, %parallel_loop3A_370, %parallel_loop3A_349 : i32
      %parallel_loop3A_372 = arith.constant 32 : i32
      %parallel_loop3A_373 = arith.constant 0 : i32
      %parallel_loop3A_374 = arith.cmpi eq, %parallel_loop3A_372, %parallel_loop3A_373 : i32
      %parallel_loop3A_375 = arith.constant 1 : i32
      %parallel_loop3A_376 = arith.select %parallel_loop3A_374, %parallel_loop3A_375, %parallel_loop3A_372 : i32
      %parallel_loop3A_377 = arith.remsi %parallel_loop3A_347, %parallel_loop3A_376 : i32
      %parallel_loop3A_378 = arith.constant 0 : i32
      %parallel_loop3A_379 = arith.cmpi ne, %parallel_loop3A_377, %parallel_loop3A_378 : i32
      %parallel_loop3A_380 = arith.constant 0 : i32
      %parallel_loop3A_381 = arith.cmpi slt, %parallel_loop3A_377, %parallel_loop3A_380 : i32
      %parallel_loop3A_382 = arith.constant 0 : i32
      %parallel_loop3A_383 = arith.cmpi slt, %parallel_loop3A_376, %parallel_loop3A_382 : i32
      %parallel_loop3A_384 = arith.xori %parallel_loop3A_381, %parallel_loop3A_383 : i1
      %parallel_loop3A_385 = arith.andi %parallel_loop3A_384, %parallel_loop3A_379 : i1
      %parallel_loop3A_386 = arith.addi %parallel_loop3A_377, %parallel_loop3A_376 : i32
      %parallel_loop3A_387 = arith.select %parallel_loop3A_385, %parallel_loop3A_386, %parallel_loop3A_377 : i32
      %parallel_loop3A_388 = arith.constant 16 : i32
      %parallel_loop3A_389 = arith.muli %parallel_loop3A_387, %parallel_loop3A_388 : i32
      %parallel_loop3A_390 = arith.index_cast %parallel_loop3A_371 : i32 to index
      %parallel_loop3A_391 = arith.index_cast %parallel_loop3A_389 : i32 to index
      %parallel_loop3A_392 = tpu.vector_load %arg5[%parallel_loop3A_390, %parallel_loop3A_391] {strides = array<i32>} : memref<64x512xi32, #tpu.memory_space<vmem>>, vector<16xi32>,
      %parallel_loop3A_393 = arith.constant 16 : i32
      %parallel_loop3A_394 = vector.broadcast %parallel_loop3A_393 : i32 to vector<16xi32>
      %parallel_loop3A_395 = arith.muli %parallel_loop3A_392, %parallel_loop3A_394 : vector<16xi32>
      %parallel_loop3A_396 = arith.addi %parallel_loop3A_395, %iota3A : vector<16xi32>
      tpu.vector_store_idx %arg6[%parallel_loop3A_396], %broadcast_in_dim3A_7 {add = true} : memref<16384xi32, #tpu.memory_space<vmem>>[vector<16xi32>], vector<16xi32>,
    } {sc.loop_unroll_factor = 16 : i64, sc.parallel_access}
    %add3A_58 = arith.constant 0 : i32
    %add3A_59 = arith.addi %mul3A_2, %add3A_58 : i32
    %dma_start3A_60 = arith.constant 192 : i32
    %dma_start3A_61 = arith.constant 0 : i32
    %dma_start3A_62 = tpu.memref_slice %arg2[%add3A_59, %dma_start3A_60, %dma_start3A_61] : memref<64x512x512xi32, #tpu.memory_space<hbm>> -> memref<1x64x512xi32, #tpu.memory_space<hbm>>
    %dma_start3A_63 = tpu.memref_squeeze %dma_start3A_62 : memref<1x64x512xi32, #tpu.memory_space<hbm>> -> memref<64x512xi32, #tpu.memory_space<hbm>>
    %dma_start3A_64 = arith.constant 192 : i32
    %dma_start3A_65 = arith.constant 0 : i32
    %dma_start3A_66 = tpu.memref_slice %arg2[%add3A_59, %dma_start3A_64, %dma_start3A_65] : memref<64x512x512xi32, #tpu.memory_space<hbm>> -> memref<1x64x512xi32, #tpu.memory_space<hbm>>
    %dma_start3A_67 = tpu.memref_squeeze %dma_start3A_66 : memref<1x64x512xi32, #tpu.memory_space<hbm>> -> memref<64x512xi32, #tpu.memory_space<hbm>>
    tpu.enqueue_dma source(%dma_start3A_67 : memref<64x512xi32, #tpu.memory_space<hbm>>) target(%arg5 : memref<64x512xi32, #tpu.memory_space<vmem>>) target_semaphore(%arg9 : memref<!tpu.dma_semaphore, #tpu.memory_space<semaphore_mem>>)
    %dma_wait3A_68 = arith.constant 128 : i32
    %dma_wait3A_69 = arith.constant 0 : i32
    %dma_wait3A_70 = tpu.memref_slice %arg2[%add3A_38, %dma_wait3A_68, %dma_wait3A_69] : memref<64x512x512xi32, #tpu.memory_space<hbm>> -> memref<1x64x512xi32, #tpu.memory_space<hbm>>
    %dma_wait3A_71 = tpu.memref_squeeze %dma_wait3A_70 : memref<1x64x512xi32, #tpu.memory_space<hbm>> -> memref<64x512xi32, #tpu.memory_space<hbm>>
    %dma_wait3A_72 = arith.constant 128 : i32
    %dma_wait3A_73 = arith.constant 0 : i32
    %dma_wait3A_74 = tpu.memref_slice %arg2[%add3A_38, %dma_wait3A_72, %dma_wait3A_73] : memref<64x512x512xi32, #tpu.memory_space<hbm>> -> memref<1x64x512xi32, #tpu.memory_space<hbm>>
    %dma_wait3A_75 = tpu.memref_squeeze %dma_wait3A_74 : memref<1x64x512xi32, #tpu.memory_space<hbm>> -> memref<64x512xi32, #tpu.memory_space<hbm>>
    tpu.wait_dma2 semaphore(%arg8 : memref<!tpu.dma_semaphore, #tpu.memory_space<semaphore_mem>>) src(%dma_wait3A_75 : memref<64x512xi32, #tpu.memory_space<hbm>>) dst(%arg4 : memref<64x512xi32, #tpu.memory_space<vmem>>)
    %parallel_loop3A_76 = arith.constant 0 : i32
    %parallel_loop3A_77 = arith.constant 2048 : i32
    %parallel_loop3A_78 = arith.constant 1 : i32
    scf.for %parallel_loop3A_347 = %parallel_loop3A_76 to %parallel_loop3A_77 step %parallel_loop3A_78  : i32 {
      %parallel_loop3A_348 = arith.constant 32 : i32
      %parallel_loop3A_349 = arith.divsi %parallel_loop3A_347, %parallel_loop3A_348 : i32
      %parallel_loop3A_350 = arith.constant 0 : i32
      %parallel_loop3A_351 = arith.cmpi sgt, %parallel_loop3A_347, %parallel_loop3A_350 : i32
      %parallel_loop3A_352 = arith.extui %parallel_loop3A_351 : i1 to i32
      %parallel_loop3A_353 = arith.constant 0 : i32
      %parallel_loop3A_354 = arith.cmpi slt, %parallel_loop3A_347, %parallel_loop3A_353 : i32
      %parallel_loop3A_355 = arith.extui %parallel_loop3A_354 : i1 to i32
      %parallel_loop3A_356 = arith.subi %parallel_loop3A_352, %parallel_loop3A_355 : i32
      %parallel_loop3A_357 = arith.constant 0 : i32
      %parallel_loop3A_358 = arith.cmpi sgt, %parallel_loop3A_348, %parallel_loop3A_357 : i32
      %parallel_loop3A_359 = arith.extui %parallel_loop3A_358 : i1 to i32
      %parallel_loop3A_360 = arith.constant 0 : i32
      %parallel_loop3A_361 = arith.cmpi slt, %parallel_loop3A_348, %parallel_loop3A_360 : i32
      %parallel_loop3A_362 = arith.extui %parallel_loop3A_361 : i1 to i32
      %parallel_loop3A_363 = arith.subi %parallel_loop3A_359, %parallel_loop3A_362 : i32
      %parallel_loop3A_364 = arith.cmpi ne, %parallel_loop3A_356, %parallel_loop3A_363 : i32
      %parallel_loop3A_365 = arith.remsi %parallel_loop3A_347, %parallel_loop3A_348 : i32
      %parallel_loop3A_366 = arith.constant 0 : i32
      %parallel_loop3A_367 = arith.cmpi ne, %parallel_loop3A_365, %parallel_loop3A_366 : i32
      %parallel_loop3A_368 = arith.andi %parallel_loop3A_364, %parallel_loop3A_367 : i1
      %parallel_loop3A_369 = arith.constant 1 : i32
      %parallel_loop3A_370 = arith.subi %parallel_loop3A_349, %parallel_loop3A_369 : i32
      %parallel_loop3A_371 = arith.select %parallel_loop3A_368, %parallel_loop3A_370, %parallel_loop3A_349 : i32
      %parallel_loop3A_372 = arith.constant 32 : i32
      %parallel_loop3A_373 = arith.constant 0 : i32
      %parallel_loop3A_374 = arith.cmpi eq, %parallel_loop3A_372, %parallel_loop3A_373 : i32
      %parallel_loop3A_375 = arith.constant 1 : i32
      %parallel_loop3A_376 = arith.select %parallel_loop3A_374, %parallel_loop3A_375, %parallel_loop3A_372 : i32
      %parallel_loop3A_377 = arith.remsi %parallel_loop3A_347, %parallel_loop3A_376 : i32
      %parallel_loop3A_378 = arith.constant 0 : i32
      %parallel_loop3A_379 = arith.cmpi ne, %parallel_loop3A_377, %parallel_loop3A_378 : i32
      %parallel_loop3A_380 = arith.constant 0 : i32
      %parallel_loop3A_381 = arith.cmpi slt, %parallel_loop3A_377, %parallel_loop3A_380 : i32
      %parallel_loop3A_382 = arith.constant 0 : i32
      %parallel_loop3A_383 = arith.cmpi slt, %parallel_loop3A_376, %parallel_loop3A_382 : i32
      %parallel_loop3A_384 = arith.xori %parallel_loop3A_381, %parallel_loop3A_383 : i1
      %parallel_loop3A_385 = arith.andi %parallel_loop3A_384, %parallel_loop3A_379 : i1
      %parallel_loop3A_386 = arith.addi %parallel_loop3A_377, %parallel_loop3A_376 : i32
      %parallel_loop3A_387 = arith.select %parallel_loop3A_385, %parallel_loop3A_386, %parallel_loop3A_377 : i32
      %parallel_loop3A_388 = arith.constant 16 : i32
      %parallel_loop3A_389 = arith.muli %parallel_loop3A_387, %parallel_loop3A_388 : i32
      %parallel_loop3A_390 = arith.index_cast %parallel_loop3A_371 : i32 to index
      %parallel_loop3A_391 = arith.index_cast %parallel_loop3A_389 : i32 to index
      %parallel_loop3A_392 = tpu.vector_load %arg4[%parallel_loop3A_390, %parallel_loop3A_391] {strides = array<i32>} : memref<64x512xi32, #tpu.memory_space<vmem>>, vector<16xi32>,
      %parallel_loop3A_393 = arith.constant 16 : i32
      %parallel_loop3A_394 = vector.broadcast %parallel_loop3A_393 : i32 to vector<16xi32>
      %parallel_loop3A_395 = arith.muli %parallel_loop3A_392, %parallel_loop3A_394 : vector<16xi32>
      %parallel_loop3A_396 = arith.addi %parallel_loop3A_395, %iota3A : vector<16xi32>
      tpu.vector_store_idx %arg6[%parallel_loop3A_396], %broadcast_in_dim3A_7 {add = true} : memref<16384xi32, #tpu.memory_space<vmem>>[vector<16xi32>], vector<16xi32>,
    } {sc.loop_unroll_factor = 16 : i64, sc.parallel_access}
    %add3A_79 = arith.constant 0 : i32
    %add3A_80 = arith.addi %mul3A_2, %add3A_79 : i32
    %dma_start3A_81 = arith.constant 256 : i32
    %dma_start3A_82 = arith.constant 0 : i32
    %dma_start3A_83 = tpu.memref_slice %arg2[%add3A_80, %dma_start3A_81, %dma_start3A_82] : memref<64x512x512xi32, #tpu.memory_space<hbm>> -> memref<1x64x512xi32, #tpu.memory_space<hbm>>
    %dma_start3A_84 = tpu.memref_squeeze %dma_start3A_83 : memref<1x64x512xi32, #tpu.memory_space<hbm>> -> memref<64x512xi32, #tpu.memory_space<hbm>>
    %dma_start3A_85 = arith.constant 256 : i32
    %dma_start3A_86 = arith.constant 0 : i32
    %dma_start3A_87 = tpu.memref_slice %arg2[%add3A_80, %dma_start3A_85, %dma_start3A_86] : memref<64x512x512xi32, #tpu.memory_space<hbm>> -> memref<1x64x512xi32, #tpu.memory_space<hbm>>
    %dma_start3A_88 = tpu.memref_squeeze %dma_start3A_87 : memref<1x64x512xi32, #tpu.memory_space<hbm>> -> memref<64x512xi32, #tpu.memory_space<hbm>>
    tpu.enqueue_dma source(%dma_start3A_88 : memref<64x512xi32, #tpu.memory_space<hbm>>) target(%arg4 : memref<64x512xi32, #tpu.memory_space<vmem>>) target_semaphore(%arg8 : memref<!tpu.dma_semaphore, #tpu.memory_space<semaphore_mem>>)
    %dma_wait3A_89 = arith.constant 192 : i32
    %dma_wait3A_90 = arith.constant 0 : i32
    %dma_wait3A_91 = tpu.memref_slice %arg2[%add3A_59, %dma_wait3A_89, %dma_wait3A_90] : memref<64x512x512xi32, #tpu.memory_space<hbm>> -> memref<1x64x512xi32, #tpu.memory_space<hbm>>
    %dma_wait3A_92 = tpu.memref_squeeze %dma_wait3A_91 : memref<1x64x512xi32, #tpu.memory_space<hbm>> -> memref<64x512xi32, #tpu.memory_space<hbm>>
    %dma_wait3A_93 = arith.constant 192 : i32
    %dma_wait3A_94 = arith.constant 0 : i32
    %dma_wait3A_95 = tpu.memref_slice %arg2[%add3A_59, %dma_wait3A_93, %dma_wait3A_94] : memref<64x512x512xi32, #tpu.memory_space<hbm>> -> memref<1x64x512xi32, #tpu.memory_space<hbm>>
    %dma_wait3A_96 = tpu.memref_squeeze %dma_wait3A_95 : memref<1x64x512xi32, #tpu.memory_space<hbm>> -> memref<64x512xi32, #tpu.memory_space<hbm>>
    tpu.wait_dma2 semaphore(%arg9 : memref<!tpu.dma_semaphore, #tpu.memory_space<semaphore_mem>>) src(%dma_wait3A_96 : memref<64x512xi32, #tpu.memory_space<hbm>>) dst(%arg5 : memref<64x512xi32, #tpu.memory_space<vmem>>)
    %parallel_loop3A_97 = arith.constant 0 : i32
    %parallel_loop3A_98 = arith.constant 2048 : i32
    %parallel_loop3A_99 = arith.constant 1 : i32
    scf.for %parallel_loop3A_347 = %parallel_loop3A_97 to %parallel_loop3A_98 step %parallel_loop3A_99  : i32 {
      %parallel_loop3A_348 = arith.constant 32 : i32
      %parallel_loop3A_349 = arith.divsi %parallel_loop3A_347, %parallel_loop3A_348 : i32
      %parallel_loop3A_350 = arith.constant 0 : i32
      %parallel_loop3A_351 = arith.cmpi sgt, %parallel_loop3A_347, %parallel_loop3A_350 : i32
      %parallel_loop3A_352 = arith.extui %parallel_loop3A_351 : i1 to i32
      %parallel_loop3A_353 = arith.constant 0 : i32
      %parallel_loop3A_354 = arith.cmpi slt, %parallel_loop3A_347, %parallel_loop3A_353 : i32
      %parallel_loop3A_355 = arith.extui %parallel_loop3A_354 : i1 to i32
      %parallel_loop3A_356 = arith.subi %parallel_loop3A_352, %parallel_loop3A_355 : i32
      %parallel_loop3A_357 = arith.constant 0 : i32
      %parallel_loop3A_358 = arith.cmpi sgt, %parallel_loop3A_348, %parallel_loop3A_357 : i32
      %parallel_loop3A_359 = arith.extui %parallel_loop3A_358 : i1 to i32
      %parallel_loop3A_360 = arith.constant 0 : i32
      %parallel_loop3A_361 = arith.cmpi slt, %parallel_loop3A_348, %parallel_loop3A_360 : i32
      %parallel_loop3A_362 = arith.extui %parallel_loop3A_361 : i1 to i32
      %parallel_loop3A_363 = arith.subi %parallel_loop3A_359, %parallel_loop3A_362 : i32
      %parallel_loop3A_364 = arith.cmpi ne, %parallel_loop3A_356, %parallel_loop3A_363 : i32
      %parallel_loop3A_365 = arith.remsi %parallel_loop3A_347, %parallel_loop3A_348 : i32
      %parallel_loop3A_366 = arith.constant 0 : i32
      %parallel_loop3A_367 = arith.cmpi ne, %parallel_loop3A_365, %parallel_loop3A_366 : i32
      %parallel_loop3A_368 = arith.andi %parallel_loop3A_364, %parallel_loop3A_367 : i1
      %parallel_loop3A_369 = arith.constant 1 : i32
      %parallel_loop3A_370 = arith.subi %parallel_loop3A_349, %parallel_loop3A_369 : i32
      %parallel_loop3A_371 = arith.select %parallel_loop3A_368, %parallel_loop3A_370, %parallel_loop3A_349 : i32
      %parallel_loop3A_372 = arith.constant 32 : i32
      %parallel_loop3A_373 = arith.constant 0 : i32
      %parallel_loop3A_374 = arith.cmpi eq, %parallel_loop3A_372, %parallel_loop3A_373 : i32
      %parallel_loop3A_375 = arith.constant 1 : i32
      %parallel_loop3A_376 = arith.select %parallel_loop3A_374, %parallel_loop3A_375, %parallel_loop3A_372 : i32
      %parallel_loop3A_377 = arith.remsi %parallel_loop3A_347, %parallel_loop3A_376 : i32
      %parallel_loop3A_378 = arith.constant 0 : i32
      %parallel_loop3A_379 = arith.cmpi ne, %parallel_loop3A_377, %parallel_loop3A_378 : i32
      %parallel_loop3A_380 = arith.constant 0 : i32
      %parallel_loop3A_381 = arith.cmpi slt, %parallel_loop3A_377, %parallel_loop3A_380 : i32
      %parallel_loop3A_382 = arith.constant 0 : i32
      %parallel_loop3A_383 = arith.cmpi slt, %parallel_loop3A_376, %parallel_loop3A_382 : i32
      %parallel_loop3A_384 = arith.xori %parallel_loop3A_381, %parallel_loop3A_383 : i1
      %parallel_loop3A_385 = arith.andi %parallel_loop3A_384, %parallel_loop3A_379 : i1
      %parallel_loop3A_386 = arith.addi %parallel_loop3A_377, %parallel_loop3A_376 : i32
      %parallel_loop3A_387 = arith.select %parallel_loop3A_385, %parallel_loop3A_386, %parallel_loop3A_377 : i32
      %parallel_loop3A_388 = arith.constant 16 : i32
      %parallel_loop3A_389 = arith.muli %parallel_loop3A_387, %parallel_loop3A_388 : i32
      %parallel_loop3A_390 = arith.index_cast %parallel_loop3A_371 : i32 to index
      %parallel_loop3A_391 = arith.index_cast %parallel_loop3A_389 : i32 to index
      %parallel_loop3A_392 = tpu.vector_load %arg5[%parallel_loop3A_390, %parallel_loop3A_391] {strides = array<i32>} : memref<64x512xi32, #tpu.memory_space<vmem>>, vector<16xi32>,
      %parallel_loop3A_393 = arith.constant 16 : i32
      %parallel_loop3A_394 = vector.broadcast %parallel_loop3A_393 : i32 to vector<16xi32>
      %parallel_loop3A_395 = arith.muli %parallel_loop3A_392, %parallel_loop3A_394 : vector<16xi32>
      %parallel_loop3A_396 = arith.addi %parallel_loop3A_395, %iota3A : vector<16xi32>
      tpu.vector_store_idx %arg6[%parallel_loop3A_396], %broadcast_in_dim3A_7 {add = true} : memref<16384xi32, #tpu.memory_space<vmem>>[vector<16xi32>], vector<16xi32>,
    } {sc.loop_unroll_factor = 16 : i64, sc.parallel_access}
    %add3A_100 = arith.constant 0 : i32
    %add3A_101 = arith.addi %mul3A_2, %add3A_100 : i32
    %dma_start3A_102 = arith.constant 320 : i32
    %dma_start3A_103 = arith.constant 0 : i32
    %dma_start3A_104 = tpu.memref_slice %arg2[%add3A_101, %dma_start3A_102, %dma_start3A_103] : memref<64x512x512xi32, #tpu.memory_space<hbm>> -> memref<1x64x512xi32, #tpu.memory_space<hbm>>
    %dma_start3A_105 = tpu.memref_squeeze %dma_start3A_104 : memref<1x64x512xi32, #tpu.memory_space<hbm>> -> memref<64x512xi32, #tpu.memory_space<hbm>>
    %dma_start3A_106 = arith.constant 320 : i32
    %dma_start3A_107 = arith.constant 0 : i32
    %dma_start3A_108 = tpu.memref_slice %arg2[%add3A_101, %dma_start3A_106, %dma_start3A_107] : memref<64x512x512xi32, #tpu.memory_space<hbm>> -> memref<1x64x512xi32, #tpu.memory_space<hbm>>
    %dma_start3A_109 = tpu.memref_squeeze %dma_start3A_108 : memref<1x64x512xi32, #tpu.memory_space<hbm>> -> memref<64x512xi32, #tpu.memory_space<hbm>>
    tpu.enqueue_dma source(%dma_start3A_109 : memref<64x512xi32, #tpu.memory_space<hbm>>) target(%arg5 : memref<64x512xi32, #tpu.memory_space<vmem>>) target_semaphore(%arg9 : memref<!tpu.dma_semaphore, #tpu.memory_space<semaphore_mem>>)
    %dma_wait3A_110 = arith.constant 256 : i32
    %dma_wait3A_111 = arith.constant 0 : i32
    %dma_wait3A_112 = tpu.memref_slice %arg2[%add3A_80, %dma_wait3A_110, %dma_wait3A_111] : memref<64x512x512xi32, #tpu.memory_space<hbm>> -> memref<1x64x512xi32, #tpu.memory_space<hbm>>
    %dma_wait3A_113 = tpu.memref_squeeze %dma_wait3A_112 : memref<1x64x512xi32, #tpu.memory_space<hbm>> -> memref<64x512xi32, #tpu.memory_space<hbm>>
    %dma_wait3A_114 = arith.constant 256 : i32
    %dma_wait3A_115 = arith.constant 0 : i32
    %dma_wait3A_116 = tpu.memref_slice %arg2[%add3A_80, %dma_wait3A_114, %dma_wait3A_115] : memref<64x512x512xi32, #tpu.memory_space<hbm>> -> memref<1x64x512xi32, #tpu.memory_space<hbm>>
    %dma_wait3A_117 = tpu.memref_squeeze %dma_wait3A_116 : memref<1x64x512xi32, #tpu.memory_space<hbm>> -> memref<64x512xi32, #tpu.memory_space<hbm>>
    tpu.wait_dma2 semaphore(%arg8 : memref<!tpu.dma_semaphore, #tpu.memory_space<semaphore_mem>>) src(%dma_wait3A_117 : memref<64x512xi32, #tpu.memory_space<hbm>>) dst(%arg4 : memref<64x512xi32, #tpu.memory_space<vmem>>)
    %parallel_loop3A_118 = arith.constant 0 : i32
    %parallel_loop3A_119 = arith.constant 2048 : i32
    %parallel_loop3A_120 = arith.constant 1 : i32
    scf.for %parallel_loop3A_347 = %parallel_loop3A_118 to %parallel_loop3A_119 step %parallel_loop3A_120  : i32 {
      %parallel_loop3A_348 = arith.constant 32 : i32
      %parallel_loop3A_349 = arith.divsi %parallel_loop3A_347, %parallel_loop3A_348 : i32
      %parallel_loop3A_350 = arith.constant 0 : i32
      %parallel_loop3A_351 = arith.cmpi sgt, %parallel_loop3A_347, %parallel_loop3A_350 : i32
      %parallel_loop3A_352 = arith.extui %parallel_loop3A_351 : i1 to i32
      %parallel_loop3A_353 = arith.constant 0 : i32
      %parallel_loop3A_354 = arith.cmpi slt, %parallel_loop3A_347, %parallel_loop3A_353 : i32
      %parallel_loop3A_355 = arith.extui %parallel_loop3A_354 : i1 to i32
      %parallel_loop3A_356 = arith.subi %parallel_loop3A_352, %parallel_loop3A_355 : i32
      %parallel_loop3A_357 = arith.constant 0 : i32
      %parallel_loop3A_358 = arith.cmpi sgt, %parallel_loop3A_348, %parallel_loop3A_357 : i32
      %parallel_loop3A_359 = arith.extui %parallel_loop3A_358 : i1 to i32
      %parallel_loop3A_360 = arith.constant 0 : i32
      %parallel_loop3A_361 = arith.cmpi slt, %parallel_loop3A_348, %parallel_loop3A_360 : i32
      %parallel_loop3A_362 = arith.extui %parallel_loop3A_361 : i1 to i32
      %parallel_loop3A_363 = arith.subi %parallel_loop3A_359, %parallel_loop3A_362 : i32
      %parallel_loop3A_364 = arith.cmpi ne, %parallel_loop3A_356, %parallel_loop3A_363 : i32
      %parallel_loop3A_365 = arith.remsi %parallel_loop3A_347, %parallel_loop3A_348 : i32
      %parallel_loop3A_366 = arith.constant 0 : i32
      %parallel_loop3A_367 = arith.cmpi ne, %parallel_loop3A_365, %parallel_loop3A_366 : i32
      %parallel_loop3A_368 = arith.andi %parallel_loop3A_364, %parallel_loop3A_367 : i1
      %parallel_loop3A_369 = arith.constant 1 : i32
      %parallel_loop3A_370 = arith.subi %parallel_loop3A_349, %parallel_loop3A_369 : i32
      %parallel_loop3A_371 = arith.select %parallel_loop3A_368, %parallel_loop3A_370, %parallel_loop3A_349 : i32
      %parallel_loop3A_372 = arith.constant 32 : i32
      %parallel_loop3A_373 = arith.constant 0 : i32
      %parallel_loop3A_374 = arith.cmpi eq, %parallel_loop3A_372, %parallel_loop3A_373 : i32
      %parallel_loop3A_375 = arith.constant 1 : i32
      %parallel_loop3A_376 = arith.select %parallel_loop3A_374, %parallel_loop3A_375, %parallel_loop3A_372 : i32
      %parallel_loop3A_377 = arith.remsi %parallel_loop3A_347, %parallel_loop3A_376 : i32
      %parallel_loop3A_378 = arith.constant 0 : i32
      %parallel_loop3A_379 = arith.cmpi ne, %parallel_loop3A_377, %parallel_loop3A_378 : i32
      %parallel_loop3A_380 = arith.constant 0 : i32
      %parallel_loop3A_381 = arith.cmpi slt, %parallel_loop3A_377, %parallel_loop3A_380 : i32
      %parallel_loop3A_382 = arith.constant 0 : i32
      %parallel_loop3A_383 = arith.cmpi slt, %parallel_loop3A_376, %parallel_loop3A_382 : i32
      %parallel_loop3A_384 = arith.xori %parallel_loop3A_381, %parallel_loop3A_383 : i1
      %parallel_loop3A_385 = arith.andi %parallel_loop3A_384, %parallel_loop3A_379 : i1
      %parallel_loop3A_386 = arith.addi %parallel_loop3A_377, %parallel_loop3A_376 : i32
      %parallel_loop3A_387 = arith.select %parallel_loop3A_385, %parallel_loop3A_386, %parallel_loop3A_377 : i32
      %parallel_loop3A_388 = arith.constant 16 : i32
      %parallel_loop3A_389 = arith.muli %parallel_loop3A_387, %parallel_loop3A_388 : i32
      %parallel_loop3A_390 = arith.index_cast %parallel_loop3A_371 : i32 to index
      %parallel_loop3A_391 = arith.index_cast %parallel_loop3A_389 : i32 to index
      %parallel_loop3A_392 = tpu.vector_load %arg4[%parallel_loop3A_390, %parallel_loop3A_391] {strides = array<i32>} : memref<64x512xi32, #tpu.memory_space<vmem>>, vector<16xi32>,
      %parallel_loop3A_393 = arith.constant 16 : i32
      %parallel_loop3A_394 = vector.broadcast %parallel_loop3A_393 : i32 to vector<16xi32>
      %parallel_loop3A_395 = arith.muli %parallel_loop3A_392, %parallel_loop3A_394 : vector<16xi32>
      %parallel_loop3A_396 = arith.addi %parallel_loop3A_395, %iota3A : vector<16xi32>
      tpu.vector_store_idx %arg6[%parallel_loop3A_396], %broadcast_in_dim3A_7 {add = true} : memref<16384xi32, #tpu.memory_space<vmem>>[vector<16xi32>], vector<16xi32>,
    } {sc.loop_unroll_factor = 16 : i64, sc.parallel_access}
    %add3A_121 = arith.constant 0 : i32
    %add3A_122 = arith.addi %mul3A_2, %add3A_121 : i32
    %dma_start3A_123 = arith.constant 384 : i32
    %dma_start3A_124 = arith.constant 0 : i32
    %dma_start3A_125 = tpu.memref_slice %arg2[%add3A_122, %dma_start3A_123, %dma_start3A_124] : memref<64x512x512xi32, #tpu.memory_space<hbm>> -> memref<1x64x512xi32, #tpu.memory_space<hbm>>
    %dma_start3A_126 = tpu.memref_squeeze %dma_start3A_125 : memref<1x64x512xi32, #tpu.memory_space<hbm>> -> memref<64x512xi32, #tpu.memory_space<hbm>>
    %dma_start3A_127 = arith.constant 384 : i32
    %dma_start3A_128 = arith.constant 0 : i32
    %dma_start3A_129 = tpu.memref_slice %arg2[%add3A_122, %dma_start3A_127, %dma_start3A_128] : memref<64x512x512xi32, #tpu.memory_space<hbm>> -> memref<1x64x512xi32, #tpu.memory_space<hbm>>
    %dma_start3A_130 = tpu.memref_squeeze %dma_start3A_129 : memref<1x64x512xi32, #tpu.memory_space<hbm>> -> memref<64x512xi32, #tpu.memory_space<hbm>>
    tpu.enqueue_dma source(%dma_start3A_130 : memref<64x512xi32, #tpu.memory_space<hbm>>) target(%arg4 : memref<64x512xi32, #tpu.memory_space<vmem>>) target_semaphore(%arg8 : memref<!tpu.dma_semaphore, #tpu.memory_space<semaphore_mem>>)
    %dma_wait3A_131 = arith.constant 320 : i32
    %dma_wait3A_132 = arith.constant 0 : i32
    %dma_wait3A_133 = tpu.memref_slice %arg2[%add3A_101, %dma_wait3A_131, %dma_wait3A_132] : memref<64x512x512xi32, #tpu.memory_space<hbm>> -> memref<1x64x512xi32, #tpu.memory_space<hbm>>
    %dma_wait3A_134 = tpu.memref_squeeze %dma_wait3A_133 : memref<1x64x512xi32, #tpu.memory_space<hbm>> -> memref<64x512xi32, #tpu.memory_space<hbm>>
    %dma_wait3A_135 = arith.constant 320 : i32
    %dma_wait3A_136 = arith.constant 0 : i32
    %dma_wait3A_137 = tpu.memref_slice %arg2[%add3A_101, %dma_wait3A_135, %dma_wait3A_136] : memref<64x512x512xi32, #tpu.memory_space<hbm>> -> memref<1x64x512xi32, #tpu.memory_space<hbm>>
    %dma_wait3A_138 = tpu.memref_squeeze %dma_wait3A_137 : memref<1x64x512xi32, #tpu.memory_space<hbm>> -> memref<64x512xi32, #tpu.memory_space<hbm>>
    tpu.wait_dma2 semaphore(%arg9 : memref<!tpu.dma_semaphore, #tpu.memory_space<semaphore_mem>>) src(%dma_wait3A_138 : memref<64x512xi32, #tpu.memory_space<hbm>>) dst(%arg5 : memref<64x512xi32, #tpu.memory_space<vmem>>)
    %parallel_loop3A_139 = arith.constant 0 : i32
    %parallel_loop3A_140 = arith.constant 2048 : i32
    %parallel_loop3A_141 = arith.constant 1 : i32
    scf.for %parallel_loop3A_347 = %parallel_loop3A_139 to %parallel_loop3A_140 step %parallel_loop3A_141  : i32 {
      %parallel_loop3A_348 = arith.constant 32 : i32
      %parallel_loop3A_349 = arith.divsi %parallel_loop3A_347, %parallel_loop3A_348 : i32
      %parallel_loop3A_350 = arith.constant 0 : i32
      %parallel_loop3A_351 = arith.cmpi sgt, %parallel_loop3A_347, %parallel_loop3A_350 : i32
      %parallel_loop3A_352 = arith.extui %parallel_loop3A_351 : i1 to i32
      %parallel_loop3A_353 = arith.constant 0 : i32
      %parallel_loop3A_354 = arith.cmpi slt, %parallel_loop3A_347, %parallel_loop3A_353 : i32
      %parallel_loop3A_355 = arith.extui %parallel_loop3A_354 : i1 to i32
      %parallel_loop3A_356 = arith.subi %parallel_loop3A_352, %parallel_loop3A_355 : i32
      %parallel_loop3A_357 = arith.constant 0 : i32
      %parallel_loop3A_358 = arith.cmpi sgt, %parallel_loop3A_348, %parallel_loop3A_357 : i32
      %parallel_loop3A_359 = arith.extui %parallel_loop3A_358 : i1 to i32
      %parallel_loop3A_360 = arith.constant 0 : i32
      %parallel_loop3A_361 = arith.cmpi slt, %parallel_loop3A_348, %parallel_loop3A_360 : i32
      %parallel_loop3A_362 = arith.extui %parallel_loop3A_361 : i1 to i32
      %parallel_loop3A_363 = arith.subi %parallel_loop3A_359, %parallel_loop3A_362 : i32
      %parallel_loop3A_364 = arith.cmpi ne, %parallel_loop3A_356, %parallel_loop3A_363 : i32
      %parallel_loop3A_365 = arith.remsi %parallel_loop3A_347, %parallel_loop3A_348 : i32
      %parallel_loop3A_366 = arith.constant 0 : i32
      %parallel_loop3A_367 = arith.cmpi ne, %parallel_loop3A_365, %parallel_loop3A_366 : i32
      %parallel_loop3A_368 = arith.andi %parallel_loop3A_364, %parallel_loop3A_367 : i1
      %parallel_loop3A_369 = arith.constant 1 : i32
      %parallel_loop3A_370 = arith.subi %parallel_loop3A_349, %parallel_loop3A_369 : i32
      %parallel_loop3A_371 = arith.select %parallel_loop3A_368, %parallel_loop3A_370, %parallel_loop3A_349 : i32
      %parallel_loop3A_372 = arith.constant 32 : i32
      %parallel_loop3A_373 = arith.constant 0 : i32
      %parallel_loop3A_374 = arith.cmpi eq, %parallel_loop3A_372, %parallel_loop3A_373 : i32
      %parallel_loop3A_375 = arith.constant 1 : i32
      %parallel_loop3A_376 = arith.select %parallel_loop3A_374, %parallel_loop3A_375, %parallel_loop3A_372 : i32
      %parallel_loop3A_377 = arith.remsi %parallel_loop3A_347, %parallel_loop3A_376 : i32
      %parallel_loop3A_378 = arith.constant 0 : i32
      %parallel_loop3A_379 = arith.cmpi ne, %parallel_loop3A_377, %parallel_loop3A_378 : i32
      %parallel_loop3A_380 = arith.constant 0 : i32
      %parallel_loop3A_381 = arith.cmpi slt, %parallel_loop3A_377, %parallel_loop3A_380 : i32
      %parallel_loop3A_382 = arith.constant 0 : i32
      %parallel_loop3A_383 = arith.cmpi slt, %parallel_loop3A_376, %parallel_loop3A_382 : i32
      %parallel_loop3A_384 = arith.xori %parallel_loop3A_381, %parallel_loop3A_383 : i1
      %parallel_loop3A_385 = arith.andi %parallel_loop3A_384, %parallel_loop3A_379 : i1
      %parallel_loop3A_386 = arith.addi %parallel_loop3A_377, %parallel_loop3A_376 : i32
      %parallel_loop3A_387 = arith.select %parallel_loop3A_385, %parallel_loop3A_386, %parallel_loop3A_377 : i32
      %parallel_loop3A_388 = arith.constant 16 : i32
      %parallel_loop3A_389 = arith.muli %parallel_loop3A_387, %parallel_loop3A_388 : i32
      %parallel_loop3A_390 = arith.index_cast %parallel_loop3A_371 : i32 to index
      %parallel_loop3A_391 = arith.index_cast %parallel_loop3A_389 : i32 to index
      %parallel_loop3A_392 = tpu.vector_load %arg5[%parallel_loop3A_390, %parallel_loop3A_391] {strides = array<i32>} : memref<64x512xi32, #tpu.memory_space<vmem>>, vector<16xi32>,
      %parallel_loop3A_393 = arith.constant 16 : i32
      %parallel_loop3A_394 = vector.broadcast %parallel_loop3A_393 : i32 to vector<16xi32>
      %parallel_loop3A_395 = arith.muli %parallel_loop3A_392, %parallel_loop3A_394 : vector<16xi32>
      %parallel_loop3A_396 = arith.addi %parallel_loop3A_395, %iota3A : vector<16xi32>
      tpu.vector_store_idx %arg6[%parallel_loop3A_396], %broadcast_in_dim3A_7 {add = true} : memref<16384xi32, #tpu.memory_space<vmem>>[vector<16xi32>], vector<16xi32>,
    } {sc.loop_unroll_factor = 16 : i64, sc.parallel_access}
    %add3A_142 = arith.constant 0 : i32
    %add3A_143 = arith.addi %mul3A_2, %add3A_142 : i32
    %dma_start3A_144 = arith.constant 448 : i32
    %dma_start3A_145 = arith.constant 0 : i32
    %dma_start3A_146 = tpu.memref_slice %arg2[%add3A_143, %dma_start3A_144, %dma_start3A_145] : memref<64x512x512xi32, #tpu.memory_space<hbm>> -> memref<1x64x512xi32, #tpu.memory_space<hbm>>
    %dma_start3A_147 = tpu.memref_squeeze %dma_start3A_146 : memref<1x64x512xi32, #tpu.memory_space<hbm>> -> memref<64x512xi32, #tpu.memory_space<hbm>>
    %dma_start3A_148 = arith.constant 448 : i32
    %dma_start3A_149 = arith.constant 0 : i32
    %dma_start3A_150 = tpu.memref_slice %arg2[%add3A_143, %dma_start3A_148, %dma_start3A_149] : memref<64x512x512xi32, #tpu.memory_space<hbm>> -> memref<1x64x512xi32, #tpu.memory_space<hbm>>
    %dma_start3A_151 = tpu.memref_squeeze %dma_start3A_150 : memref<1x64x512xi32, #tpu.memory_space<hbm>> -> memref<64x512xi32, #tpu.memory_space<hbm>>
    tpu.enqueue_dma source(%dma_start3A_151 : memref<64x512xi32, #tpu.memory_space<hbm>>) target(%arg5 : memref<64x512xi32, #tpu.memory_space<vmem>>) target_semaphore(%arg9 : memref<!tpu.dma_semaphore, #tpu.memory_space<semaphore_mem>>)
    %dma_wait3A_152 = arith.constant 384 : i32
    %dma_wait3A_153 = arith.constant 0 : i32
    %dma_wait3A_154 = tpu.memref_slice %arg2[%add3A_122, %dma_wait3A_152, %dma_wait3A_153] : memref<64x512x512xi32, #tpu.memory_space<hbm>> -> memref<1x64x512xi32, #tpu.memory_space<hbm>>
    %dma_wait3A_155 = tpu.memref_squeeze %dma_wait3A_154 : memref<1x64x512xi32, #tpu.memory_space<hbm>> -> memref<64x512xi32, #tpu.memory_space<hbm>>
    %dma_wait3A_156 = arith.constant 384 : i32
    %dma_wait3A_157 = arith.constant 0 : i32
    %dma_wait3A_158 = tpu.memref_slice %arg2[%add3A_122, %dma_wait3A_156, %dma_wait3A_157] : memref<64x512x512xi32, #tpu.memory_space<hbm>> -> memref<1x64x512xi32, #tpu.memory_space<hbm>>
    %dma_wait3A_159 = tpu.memref_squeeze %dma_wait3A_158 : memref<1x64x512xi32, #tpu.memory_space<hbm>> -> memref<64x512xi32, #tpu.memory_space<hbm>>
    tpu.wait_dma2 semaphore(%arg8 : memref<!tpu.dma_semaphore, #tpu.memory_space<semaphore_mem>>) src(%dma_wait3A_159 : memref<64x512xi32, #tpu.memory_space<hbm>>) dst(%arg4 : memref<64x512xi32, #tpu.memory_space<vmem>>)
    %parallel_loop3A_160 = arith.constant 0 : i32
    %parallel_loop3A_161 = arith.constant 2048 : i32
    %parallel_loop3A_162 = arith.constant 1 : i32
    scf.for %parallel_loop3A_347 = %parallel_loop3A_160 to %parallel_loop3A_161 step %parallel_loop3A_162  : i32 {
      %parallel_loop3A_348 = arith.constant 32 : i32
      %parallel_loop3A_349 = arith.divsi %parallel_loop3A_347, %parallel_loop3A_348 : i32
      %parallel_loop3A_350 = arith.constant 0 : i32
      %parallel_loop3A_351 = arith.cmpi sgt, %parallel_loop3A_347, %parallel_loop3A_350 : i32
      %parallel_loop3A_352 = arith.extui %parallel_loop3A_351 : i1 to i32
      %parallel_loop3A_353 = arith.constant 0 : i32
      %parallel_loop3A_354 = arith.cmpi slt, %parallel_loop3A_347, %parallel_loop3A_353 : i32
      %parallel_loop3A_355 = arith.extui %parallel_loop3A_354 : i1 to i32
      %parallel_loop3A_356 = arith.subi %parallel_loop3A_352, %parallel_loop3A_355 : i32
      %parallel_loop3A_357 = arith.constant 0 : i32
      %parallel_loop3A_358 = arith.cmpi sgt, %parallel_loop3A_348, %parallel_loop3A_357 : i32
      %parallel_loop3A_359 = arith.extui %parallel_loop3A_358 : i1 to i32
      %parallel_loop3A_360 = arith.constant 0 : i32
      %parallel_loop3A_361 = arith.cmpi slt, %parallel_loop3A_348, %parallel_loop3A_360 : i32
      %parallel_loop3A_362 = arith.extui %parallel_loop3A_361 : i1 to i32
      %parallel_loop3A_363 = arith.subi %parallel_loop3A_359, %parallel_loop3A_362 : i32
      %parallel_loop3A_364 = arith.cmpi ne, %parallel_loop3A_356, %parallel_loop3A_363 : i32
      %parallel_loop3A_365 = arith.remsi %parallel_loop3A_347, %parallel_loop3A_348 : i32
      %parallel_loop3A_366 = arith.constant 0 : i32
      %parallel_loop3A_367 = arith.cmpi ne, %parallel_loop3A_365, %parallel_loop3A_366 : i32
      %parallel_loop3A_368 = arith.andi %parallel_loop3A_364, %parallel_loop3A_367 : i1
      %parallel_loop3A_369 = arith.constant 1 : i32
      %parallel_loop3A_370 = arith.subi %parallel_loop3A_349, %parallel_loop3A_369 : i32
      %parallel_loop3A_371 = arith.select %parallel_loop3A_368, %parallel_loop3A_370, %parallel_loop3A_349 : i32
      %parallel_loop3A_372 = arith.constant 32 : i32
      %parallel_loop3A_373 = arith.constant 0 : i32
      %parallel_loop3A_374 = arith.cmpi eq, %parallel_loop3A_372, %parallel_loop3A_373 : i32
      %parallel_loop3A_375 = arith.constant 1 : i32
      %parallel_loop3A_376 = arith.select %parallel_loop3A_374, %parallel_loop3A_375, %parallel_loop3A_372 : i32
      %parallel_loop3A_377 = arith.remsi %parallel_loop3A_347, %parallel_loop3A_376 : i32
      %parallel_loop3A_378 = arith.constant 0 : i32
      %parallel_loop3A_379 = arith.cmpi ne, %parallel_loop3A_377, %parallel_loop3A_378 : i32
      %parallel_loop3A_380 = arith.constant 0 : i32
      %parallel_loop3A_381 = arith.cmpi slt, %parallel_loop3A_377, %parallel_loop3A_380 : i32
      %parallel_loop3A_382 = arith.constant 0 : i32
      %parallel_loop3A_383 = arith.cmpi slt, %parallel_loop3A_376, %parallel_loop3A_382 : i32
      %parallel_loop3A_384 = arith.xori %parallel_loop3A_381, %parallel_loop3A_383 : i1
      %parallel_loop3A_385 = arith.andi %parallel_loop3A_384, %parallel_loop3A_379 : i1
      %parallel_loop3A_386 = arith.addi %parallel_loop3A_377, %parallel_loop3A_376 : i32
      %parallel_loop3A_387 = arith.select %parallel_loop3A_385, %parallel_loop3A_386, %parallel_loop3A_377 : i32
      %parallel_loop3A_388 = arith.constant 16 : i32
      %parallel_loop3A_389 = arith.muli %parallel_loop3A_387, %parallel_loop3A_388 : i32
      %parallel_loop3A_390 = arith.index_cast %parallel_loop3A_371 : i32 to index
      %parallel_loop3A_391 = arith.index_cast %parallel_loop3A_389 : i32 to index
      %parallel_loop3A_392 = tpu.vector_load %arg4[%parallel_loop3A_390, %parallel_loop3A_391] {strides = array<i32>} : memref<64x512xi32, #tpu.memory_space<vmem>>, vector<16xi32>,
      %parallel_loop3A_393 = arith.constant 16 : i32
      %parallel_loop3A_394 = vector.broadcast %parallel_loop3A_393 : i32 to vector<16xi32>
      %parallel_loop3A_395 = arith.muli %parallel_loop3A_392, %parallel_loop3A_394 : vector<16xi32>
      %parallel_loop3A_396 = arith.addi %parallel_loop3A_395, %iota3A : vector<16xi32>
      tpu.vector_store_idx %arg6[%parallel_loop3A_396], %broadcast_in_dim3A_7 {add = true} : memref<16384xi32, #tpu.memory_space<vmem>>[vector<16xi32>], vector<16xi32>,
    } {sc.loop_unroll_factor = 16 : i64, sc.parallel_access}
    %add3A_163 = arith.constant 1 : i32
    %add3A_164 = arith.addi %mul3A_2, %add3A_163 : i32
    %dma_start3A_165 = arith.constant 0 : i32
    %dma_start3A_166 = arith.constant 0 : i32
    %dma_start3A_167 = tpu.memref_slice %arg2[%add3A_164, %dma_start3A_165, %dma_start3A_166] : memref<64x512x512xi32, #tpu.memory_space<hbm>> -> memref<1x64x512xi32, #tpu.memory_space<hbm>>
    %dma_start3A_168 = tpu.memref_squeeze %dma_start3A_167 : memref<1x64x512xi32, #tpu.memory_space<hbm>> -> memref<64x512xi32, #tpu.memory_space<hbm>>
    %dma_start3A_169 = arith.constant 0 : i32
    %dma_start3A_170 = arith.constant 0 : i32
    %dma_start3A_171 = tpu.memref_slice %arg2[%add3A_164, %dma_start3A_169, %dma_start3A_170] : memref<64x512x512xi32, #tpu.memory_space<hbm>> -> memref<1x64x512xi32, #tpu.memory_space<hbm>>
    %dma_start3A_172 = tpu.memref_squeeze %dma_start3A_171 : memref<1x64x512xi32, #tpu.memory_space<hbm>> -> memref<64x512xi32, #tpu.memory_space<hbm>>
    tpu.enqueue_dma source(%dma_start3A_172 : memref<64x512xi32, #tpu.memory_space<hbm>>) target(%arg4 : memref<64x512xi32, #tpu.memory_space<vmem>>) target_semaphore(%arg8 : memref<!tpu.dma_semaphore, #tpu.memory_space<semaphore_mem>>)
    %dma_wait3A_173 = arith.constant 448 : i32
    %dma_wait3A_174 = arith.constant 0 : i32
    %dma_wait3A_175 = tpu.memref_slice %arg2[%add3A_143, %dma_wait3A_173, %dma_wait3A_174] : memref<64x512x512xi32, #tpu.memory_space<hbm>> -> memref<1x64x512xi32, #tpu.memory_space<hbm>>
    %dma_wait3A_176 = tpu.memref_squeeze %dma_wait3A_175 : memref<1x64x512xi32, #tpu.memory_space<hbm>> -> memref<64x512xi32, #tpu.memory_space<hbm>>
    %dma_wait3A_177 = arith.constant 448 : i32
    %dma_wait3A_178 = arith.constant 0 : i32
    %dma_wait3A_179 = tpu.memref_slice %arg2[%add3A_143, %dma_wait3A_177, %dma_wait3A_178] : memref<64x512x512xi32, #tpu.memory_space<hbm>> -> memref<1x64x512xi32, #tpu.memory_space<hbm>>
    %dma_wait3A_180 = tpu.memref_squeeze %dma_wait3A_179 : memref<1x64x512xi32, #tpu.memory_space<hbm>> -> memref<64x512xi32, #tpu.memory_space<hbm>>
    tpu.wait_dma2 semaphore(%arg9 : memref<!tpu.dma_semaphore, #tpu.memory_space<semaphore_mem>>) src(%dma_wait3A_180 : memref<64x512xi32, #tpu.memory_space<hbm>>) dst(%arg5 : memref<64x512xi32, #tpu.memory_space<vmem>>)
    %parallel_loop3A_181 = arith.constant 0 : i32
    %parallel_loop3A_182 = arith.constant 2048 : i32
    %parallel_loop3A_183 = arith.constant 1 : i32
    scf.for %parallel_loop3A_347 = %parallel_loop3A_181 to %parallel_loop3A_182 step %parallel_loop3A_183  : i32 {
      %parallel_loop3A_348 = arith.constant 32 : i32
      %parallel_loop3A_349 = arith.divsi %parallel_loop3A_347, %parallel_loop3A_348 : i32
      %parallel_loop3A_350 = arith.constant 0 : i32
      %parallel_loop3A_351 = arith.cmpi sgt, %parallel_loop3A_347, %parallel_loop3A_350 : i32
      %parallel_loop3A_352 = arith.extui %parallel_loop3A_351 : i1 to i32
      %parallel_loop3A_353 = arith.constant 0 : i32
      %parallel_loop3A_354 = arith.cmpi slt, %parallel_loop3A_347, %parallel_loop3A_353 : i32
      %parallel_loop3A_355 = arith.extui %parallel_loop3A_354 : i1 to i32
      %parallel_loop3A_356 = arith.subi %parallel_loop3A_352, %parallel_loop3A_355 : i32
      %parallel_loop3A_357 = arith.constant 0 : i32
      %parallel_loop3A_358 = arith.cmpi sgt, %parallel_loop3A_348, %parallel_loop3A_357 : i32
      %parallel_loop3A_359 = arith.extui %parallel_loop3A_358 : i1 to i32
      %parallel_loop3A_360 = arith.constant 0 : i32
      %parallel_loop3A_361 = arith.cmpi slt, %parallel_loop3A_348, %parallel_loop3A_360 : i32
      %parallel_loop3A_362 = arith.extui %parallel_loop3A_361 : i1 to i32
      %parallel_loop3A_363 = arith.subi %parallel_loop3A_359, %parallel_loop3A_362 : i32
      %parallel_loop3A_364 = arith.cmpi ne, %parallel_loop3A_356, %parallel_loop3A_363 : i32
      %parallel_loop3A_365 = arith.remsi %parallel_loop3A_347, %parallel_loop3A_348 : i32
      %parallel_loop3A_366 = arith.constant 0 : i32
      %parallel_loop3A_367 = arith.cmpi ne, %parallel_loop3A_365, %parallel_loop3A_366 : i32
      %parallel_loop3A_368 = arith.andi %parallel_loop3A_364, %parallel_loop3A_367 : i1
      %parallel_loop3A_369 = arith.constant 1 : i32
      %parallel_loop3A_370 = arith.subi %parallel_loop3A_349, %parallel_loop3A_369 : i32
      %parallel_loop3A_371 = arith.select %parallel_loop3A_368, %parallel_loop3A_370, %parallel_loop3A_349 : i32
      %parallel_loop3A_372 = arith.constant 32 : i32
      %parallel_loop3A_373 = arith.constant 0 : i32
      %parallel_loop3A_374 = arith.cmpi eq, %parallel_loop3A_372, %parallel_loop3A_373 : i32
      %parallel_loop3A_375 = arith.constant 1 : i32
      %parallel_loop3A_376 = arith.select %parallel_loop3A_374, %parallel_loop3A_375, %parallel_loop3A_372 : i32
      %parallel_loop3A_377 = arith.remsi %parallel_loop3A_347, %parallel_loop3A_376 : i32
      %parallel_loop3A_378 = arith.constant 0 : i32
      %parallel_loop3A_379 = arith.cmpi ne, %parallel_loop3A_377, %parallel_loop3A_378 : i32
      %parallel_loop3A_380 = arith.constant 0 : i32
      %parallel_loop3A_381 = arith.cmpi slt, %parallel_loop3A_377, %parallel_loop3A_380 : i32
      %parallel_loop3A_382 = arith.constant 0 : i32
      %parallel_loop3A_383 = arith.cmpi slt, %parallel_loop3A_376, %parallel_loop3A_382 : i32
      %parallel_loop3A_384 = arith.xori %parallel_loop3A_381, %parallel_loop3A_383 : i1
      %parallel_loop3A_385 = arith.andi %parallel_loop3A_384, %parallel_loop3A_379 : i1
      %parallel_loop3A_386 = arith.addi %parallel_loop3A_377, %parallel_loop3A_376 : i32
      %parallel_loop3A_387 = arith.select %parallel_loop3A_385, %parallel_loop3A_386, %parallel_loop3A_377 : i32
      %parallel_loop3A_388 = arith.constant 16 : i32
      %parallel_loop3A_389 = arith.muli %parallel_loop3A_387, %parallel_loop3A_388 : i32
      %parallel_loop3A_390 = arith.index_cast %parallel_loop3A_371 : i32 to index
      %parallel_loop3A_391 = arith.index_cast %parallel_loop3A_389 : i32 to index
      %parallel_loop3A_392 = tpu.vector_load %arg5[%parallel_loop3A_390, %parallel_loop3A_391] {strides = array<i32>} : memref<64x512xi32, #tpu.memory_space<vmem>>, vector<16xi32>,
      %parallel_loop3A_393 = arith.constant 16 : i32
      %parallel_loop3A_394 = vector.broadcast %parallel_loop3A_393 : i32 to vector<16xi32>
      %parallel_loop3A_395 = arith.muli %parallel_loop3A_392, %parallel_loop3A_394 : vector<16xi32>
      %parallel_loop3A_396 = arith.addi %parallel_loop3A_395, %iota3A : vector<16xi32>
      tpu.vector_store_idx %arg6[%parallel_loop3A_396], %broadcast_in_dim3A_7 {add = true} : memref<16384xi32, #tpu.memory_space<vmem>>[vector<16xi32>], vector<16xi32>,
    } {sc.loop_unroll_factor = 16 : i64, sc.parallel_access}
    %add3A_184 = arith.constant 1 : i32
    %add3A_185 = arith.addi %mul3A_2, %add3A_184 : i32
    %dma_start3A_186 = arith.constant 64 : i32
    %dma_start3A_187 = arith.constant 0 : i32
    %dma_start3A_188 = tpu.memref_slice %arg2[%add3A_185, %dma_start3A_186, %dma_start3A_187] : memref<64x512x512xi32, #tpu.memory_space<hbm>> -> memref<1x64x512xi32, #tpu.memory_space<hbm>>
    %dma_start3A_189 = tpu.memref_squeeze %dma_start3A_188 : memref<1x64x512xi32, #tpu.memory_space<hbm>> -> memref<64x512xi32, #tpu.memory_space<hbm>>
    %dma_start3A_190 = arith.constant 64 : i32
    %dma_start3A_191 = arith.constant 0 : i32
    %dma_start3A_192 = tpu.memref_slice %arg2[%add3A_185, %dma_start3A_190, %dma_start3A_191] : memref<64x512x512xi32, #tpu.memory_space<hbm>> -> memref<1x64x512xi32, #tpu.memory_space<hbm>>
    %dma_start3A_193 = tpu.memref_squeeze %dma_start3A_192 : memref<1x64x512xi32, #tpu.memory_space<hbm>> -> memref<64x512xi32, #tpu.memory_space<hbm>>
    tpu.enqueue_dma source(%dma_start3A_193 : memref<64x512xi32, #tpu.memory_space<hbm>>) target(%arg5 : memref<64x512xi32, #tpu.memory_space<vmem>>) target_semaphore(%arg9 : memref<!tpu.dma_semaphore, #tpu.memory_space<semaphore_mem>>)
    %dma_wait3A_194 = arith.constant 0 : i32
    %dma_wait3A_195 = arith.constant 0 : i32
    %dma_wait3A_196 = tpu.memref_slice %arg2[%add3A_164, %dma_wait3A_194, %dma_wait3A_195] : memref<64x512x512xi32, #tpu.memory_space<hbm>> -> memref<1x64x512xi32, #tpu.memory_space<hbm>>
    %dma_wait3A_197 = tpu.memref_squeeze %dma_wait3A_196 : memref<1x64x512xi32, #tpu.memory_space<hbm>> -> memref<64x512xi32, #tpu.memory_space<hbm>>
    %dma_wait3A_198 = arith.constant 0 : i32
    %dma_wait3A_199 = arith.constant 0 : i32
    %dma_wait3A_200 = tpu.memref_slice %arg2[%add3A_164, %dma_wait3A_198, %dma_wait3A_199] : memref<64x512x512xi32, #tpu.memory_space<hbm>> -> memref<1x64x512xi32, #tpu.memory_space<hbm>>
    %dma_wait3A_201 = tpu.memref_squeeze %dma_wait3A_200 : memref<1x64x512xi32, #tpu.memory_space<hbm>> -> memref<64x512xi32, #tpu.memory_space<hbm>>
    tpu.wait_dma2 semaphore(%arg8 : memref<!tpu.dma_semaphore, #tpu.memory_space<semaphore_mem>>) src(%dma_wait3A_201 : memref<64x512xi32, #tpu.memory_space<hbm>>) dst(%arg4 : memref<64x512xi32, #tpu.memory_space<vmem>>)
    %parallel_loop3A_202 = arith.constant 0 : i32
    %parallel_loop3A_203 = arith.constant 2048 : i32
    %parallel_loop3A_204 = arith.constant 1 : i32
    scf.for %parallel_loop3A_347 = %parallel_loop3A_202 to %parallel_loop3A_203 step %parallel_loop3A_204  : i32 {
      %parallel_loop3A_348 = arith.constant 32 : i32
      %parallel_loop3A_349 = arith.divsi %parallel_loop3A_347, %parallel_loop3A_348 : i32
      %parallel_loop3A_350 = arith.constant 0 : i32
      %parallel_loop3A_351 = arith.cmpi sgt, %parallel_loop3A_347, %parallel_loop3A_350 : i32
      %parallel_loop3A_352 = arith.extui %parallel_loop3A_351 : i1 to i32
      %parallel_loop3A_353 = arith.constant 0 : i32
      %parallel_loop3A_354 = arith.cmpi slt, %parallel_loop3A_347, %parallel_loop3A_353 : i32
      %parallel_loop3A_355 = arith.extui %parallel_loop3A_354 : i1 to i32
      %parallel_loop3A_356 = arith.subi %parallel_loop3A_352, %parallel_loop3A_355 : i32
      %parallel_loop3A_357 = arith.constant 0 : i32
      %parallel_loop3A_358 = arith.cmpi sgt, %parallel_loop3A_348, %parallel_loop3A_357 : i32
      %parallel_loop3A_359 = arith.extui %parallel_loop3A_358 : i1 to i32
      %parallel_loop3A_360 = arith.constant 0 : i32
      %parallel_loop3A_361 = arith.cmpi slt, %parallel_loop3A_348, %parallel_loop3A_360 : i32
      %parallel_loop3A_362 = arith.extui %parallel_loop3A_361 : i1 to i32
      %parallel_loop3A_363 = arith.subi %parallel_loop3A_359, %parallel_loop3A_362 : i32
      %parallel_loop3A_364 = arith.cmpi ne, %parallel_loop3A_356, %parallel_loop3A_363 : i32
      %parallel_loop3A_365 = arith.remsi %parallel_loop3A_347, %parallel_loop3A_348 : i32
      %parallel_loop3A_366 = arith.constant 0 : i32
      %parallel_loop3A_367 = arith.cmpi ne, %parallel_loop3A_365, %parallel_loop3A_366 : i32
      %parallel_loop3A_368 = arith.andi %parallel_loop3A_364, %parallel_loop3A_367 : i1
      %parallel_loop3A_369 = arith.constant 1 : i32
      %parallel_loop3A_370 = arith.subi %parallel_loop3A_349, %parallel_loop3A_369 : i32
      %parallel_loop3A_371 = arith.select %parallel_loop3A_368, %parallel_loop3A_370, %parallel_loop3A_349 : i32
      %parallel_loop3A_372 = arith.constant 32 : i32
      %parallel_loop3A_373 = arith.constant 0 : i32
      %parallel_loop3A_374 = arith.cmpi eq, %parallel_loop3A_372, %parallel_loop3A_373 : i32
      %parallel_loop3A_375 = arith.constant 1 : i32
      %parallel_loop3A_376 = arith.select %parallel_loop3A_374, %parallel_loop3A_375, %parallel_loop3A_372 : i32
      %parallel_loop3A_377 = arith.remsi %parallel_loop3A_347, %parallel_loop3A_376 : i32
      %parallel_loop3A_378 = arith.constant 0 : i32
      %parallel_loop3A_379 = arith.cmpi ne, %parallel_loop3A_377, %parallel_loop3A_378 : i32
      %parallel_loop3A_380 = arith.constant 0 : i32
      %parallel_loop3A_381 = arith.cmpi slt, %parallel_loop3A_377, %parallel_loop3A_380 : i32
      %parallel_loop3A_382 = arith.constant 0 : i32
      %parallel_loop3A_383 = arith.cmpi slt, %parallel_loop3A_376, %parallel_loop3A_382 : i32
      %parallel_loop3A_384 = arith.xori %parallel_loop3A_381, %parallel_loop3A_383 : i1
      %parallel_loop3A_385 = arith.andi %parallel_loop3A_384, %parallel_loop3A_379 : i1
      %parallel_loop3A_386 = arith.addi %parallel_loop3A_377, %parallel_loop3A_376 : i32
      %parallel_loop3A_387 = arith.select %parallel_loop3A_385, %parallel_loop3A_386, %parallel_loop3A_377 : i32
      %parallel_loop3A_388 = arith.constant 16 : i32
      %parallel_loop3A_389 = arith.muli %parallel_loop3A_387, %parallel_loop3A_388 : i32
      %parallel_loop3A_390 = arith.index_cast %parallel_loop3A_371 : i32 to index
      %parallel_loop3A_391 = arith.index_cast %parallel_loop3A_389 : i32 to index
      %parallel_loop3A_392 = tpu.vector_load %arg4[%parallel_loop3A_390, %parallel_loop3A_391] {strides = array<i32>} : memref<64x512xi32, #tpu.memory_space<vmem>>, vector<16xi32>,
      %parallel_loop3A_393 = arith.constant 16 : i32
      %parallel_loop3A_394 = vector.broadcast %parallel_loop3A_393 : i32 to vector<16xi32>
      %parallel_loop3A_395 = arith.muli %parallel_loop3A_392, %parallel_loop3A_394 : vector<16xi32>
      %parallel_loop3A_396 = arith.addi %parallel_loop3A_395, %iota3A : vector<16xi32>
      tpu.vector_store_idx %arg6[%parallel_loop3A_396], %broadcast_in_dim3A_7 {add = true} : memref<16384xi32, #tpu.memory_space<vmem>>[vector<16xi32>], vector<16xi32>,
    } {sc.loop_unroll_factor = 16 : i64, sc.parallel_access}
    %add3A_205 = arith.constant 1 : i32
    %add3A_206 = arith.addi %mul3A_2, %add3A_205 : i32
    %dma_start3A_207 = arith.constant 128 : i32
    %dma_start3A_208 = arith.constant 0 : i32
    %dma_start3A_209 = tpu.memref_slice %arg2[%add3A_206, %dma_start3A_207, %dma_start3A_208] : memref<64x512x512xi32, #tpu.memory_space<hbm>> -> memref<1x64x512xi32, #tpu.memory_space<hbm>>
    %dma_start3A_210 = tpu.memref_squeeze %dma_start3A_209 : memref<1x64x512xi32, #tpu.memory_space<hbm>> -> memref<64x512xi32, #tpu.memory_space<hbm>>
    %dma_start3A_211 = arith.constant 128 : i32
    %dma_start3A_212 = arith.constant 0 : i32
    %dma_start3A_213 = tpu.memref_slice %arg2[%add3A_206, %dma_start3A_211, %dma_start3A_212] : memref<64x512x512xi32, #tpu.memory_space<hbm>> -> memref<1x64x512xi32, #tpu.memory_space<hbm>>
    %dma_start3A_214 = tpu.memref_squeeze %dma_start3A_213 : memref<1x64x512xi32, #tpu.memory_space<hbm>> -> memref<64x512xi32, #tpu.memory_space<hbm>>
    tpu.enqueue_dma source(%dma_start3A_214 : memref<64x512xi32, #tpu.memory_space<hbm>>) target(%arg4 : memref<64x512xi32, #tpu.memory_space<vmem>>) target_semaphore(%arg8 : memref<!tpu.dma_semaphore, #tpu.memory_space<semaphore_mem>>)
    %dma_wait3A_215 = arith.constant 64 : i32
    %dma_wait3A_216 = arith.constant 0 : i32
    %dma_wait3A_217 = tpu.memref_slice %arg2[%add3A_185, %dma_wait3A_215, %dma_wait3A_216] : memref<64x512x512xi32, #tpu.memory_space<hbm>> -> memref<1x64x512xi32, #tpu.memory_space<hbm>>
    %dma_wait3A_218 = tpu.memref_squeeze %dma_wait3A_217 : memref<1x64x512xi32, #tpu.memory_space<hbm>> -> memref<64x512xi32, #tpu.memory_space<hbm>>
    %dma_wait3A_219 = arith.constant 64 : i32
    %dma_wait3A_220 = arith.constant 0 : i32
    %dma_wait3A_221 = tpu.memref_slice %arg2[%add3A_185, %dma_wait3A_219, %dma_wait3A_220] : memref<64x512x512xi32, #tpu.memory_space<hbm>> -> memref<1x64x512xi32, #tpu.memory_space<hbm>>
    %dma_wait3A_222 = tpu.memref_squeeze %dma_wait3A_221 : memref<1x64x512xi32, #tpu.memory_space<hbm>> -> memref<64x512xi32, #tpu.memory_space<hbm>>
    tpu.wait_dma2 semaphore(%arg9 : memref<!tpu.dma_semaphore, #tpu.memory_space<semaphore_mem>>) src(%dma_wait3A_222 : memref<64x512xi32, #tpu.memory_space<hbm>>) dst(%arg5 : memref<64x512xi32, #tpu.memory_space<vmem>>)
    %parallel_loop3A_223 = arith.constant 0 : i32
    %parallel_loop3A_224 = arith.constant 2048 : i32
    %parallel_loop3A_225 = arith.constant 1 : i32
    scf.for %parallel_loop3A_347 = %parallel_loop3A_223 to %parallel_loop3A_224 step %parallel_loop3A_225  : i32 {
      %parallel_loop3A_348 = arith.constant 32 : i32
      %parallel_loop3A_349 = arith.divsi %parallel_loop3A_347, %parallel_loop3A_348 : i32
      %parallel_loop3A_350 = arith.constant 0 : i32
      %parallel_loop3A_351 = arith.cmpi sgt, %parallel_loop3A_347, %parallel_loop3A_350 : i32
      %parallel_loop3A_352 = arith.extui %parallel_loop3A_351 : i1 to i32
      %parallel_loop3A_353 = arith.constant 0 : i32
      %parallel_loop3A_354 = arith.cmpi slt, %parallel_loop3A_347, %parallel_loop3A_353 : i32
      %parallel_loop3A_355 = arith.extui %parallel_loop3A_354 : i1 to i32
      %parallel_loop3A_356 = arith.subi %parallel_loop3A_352, %parallel_loop3A_355 : i32
      %parallel_loop3A_357 = arith.constant 0 : i32
      %parallel_loop3A_358 = arith.cmpi sgt, %parallel_loop3A_348, %parallel_loop3A_357 : i32
      %parallel_loop3A_359 = arith.extui %parallel_loop3A_358 : i1 to i32
      %parallel_loop3A_360 = arith.constant 0 : i32
      %parallel_loop3A_361 = arith.cmpi slt, %parallel_loop3A_348, %parallel_loop3A_360 : i32
      %parallel_loop3A_362 = arith.extui %parallel_loop3A_361 : i1 to i32
      %parallel_loop3A_363 = arith.subi %parallel_loop3A_359, %parallel_loop3A_362 : i32
      %parallel_loop3A_364 = arith.cmpi ne, %parallel_loop3A_356, %parallel_loop3A_363 : i32
      %parallel_loop3A_365 = arith.remsi %parallel_loop3A_347, %parallel_loop3A_348 : i32
      %parallel_loop3A_366 = arith.constant 0 : i32
      %parallel_loop3A_367 = arith.cmpi ne, %parallel_loop3A_365, %parallel_loop3A_366 : i32
      %parallel_loop3A_368 = arith.andi %parallel_loop3A_364, %parallel_loop3A_367 : i1
      %parallel_loop3A_369 = arith.constant 1 : i32
      %parallel_loop3A_370 = arith.subi %parallel_loop3A_349, %parallel_loop3A_369 : i32
      %parallel_loop3A_371 = arith.select %parallel_loop3A_368, %parallel_loop3A_370, %parallel_loop3A_349 : i32
      %parallel_loop3A_372 = arith.constant 32 : i32
      %parallel_loop3A_373 = arith.constant 0 : i32
      %parallel_loop3A_374 = arith.cmpi eq, %parallel_loop3A_372, %parallel_loop3A_373 : i32
      %parallel_loop3A_375 = arith.constant 1 : i32
      %parallel_loop3A_376 = arith.select %parallel_loop3A_374, %parallel_loop3A_375, %parallel_loop3A_372 : i32
      %parallel_loop3A_377 = arith.remsi %parallel_loop3A_347, %parallel_loop3A_376 : i32
      %parallel_loop3A_378 = arith.constant 0 : i32
      %parallel_loop3A_379 = arith.cmpi ne, %parallel_loop3A_377, %parallel_loop3A_378 : i32
      %parallel_loop3A_380 = arith.constant 0 : i32
      %parallel_loop3A_381 = arith.cmpi slt, %parallel_loop3A_377, %parallel_loop3A_380 : i32
      %parallel_loop3A_382 = arith.constant 0 : i32
      %parallel_loop3A_383 = arith.cmpi slt, %parallel_loop3A_376, %parallel_loop3A_382 : i32
      %parallel_loop3A_384 = arith.xori %parallel_loop3A_381, %parallel_loop3A_383 : i1
      %parallel_loop3A_385 = arith.andi %parallel_loop3A_384, %parallel_loop3A_379 : i1
      %parallel_loop3A_386 = arith.addi %parallel_loop3A_377, %parallel_loop3A_376 : i32
      %parallel_loop3A_387 = arith.select %parallel_loop3A_385, %parallel_loop3A_386, %parallel_loop3A_377 : i32
      %parallel_loop3A_388 = arith.constant 16 : i32
      %parallel_loop3A_389 = arith.muli %parallel_loop3A_387, %parallel_loop3A_388 : i32
      %parallel_loop3A_390 = arith.index_cast %parallel_loop3A_371 : i32 to index
      %parallel_loop3A_391 = arith.index_cast %parallel_loop3A_389 : i32 to index
      %parallel_loop3A_392 = tpu.vector_load %arg5[%parallel_loop3A_390, %parallel_loop3A_391] {strides = array<i32>} : memref<64x512xi32, #tpu.memory_space<vmem>>, vector<16xi32>,
      %parallel_loop3A_393 = arith.constant 16 : i32
      %parallel_loop3A_394 = vector.broadcast %parallel_loop3A_393 : i32 to vector<16xi32>
      %parallel_loop3A_395 = arith.muli %parallel_loop3A_392, %parallel_loop3A_394 : vector<16xi32>
      %parallel_loop3A_396 = arith.addi %parallel_loop3A_395, %iota3A : vector<16xi32>
      tpu.vector_store_idx %arg6[%parallel_loop3A_396], %broadcast_in_dim3A_7 {add = true} : memref<16384xi32, #tpu.memory_space<vmem>>[vector<16xi32>], vector<16xi32>,
    } {sc.loop_unroll_factor = 16 : i64, sc.parallel_access}
    %add3A_226 = arith.constant 1 : i32
    %add3A_227 = arith.addi %mul3A_2, %add3A_226 : i32
    %dma_start3A_228 = arith.constant 192 : i32
    %dma_start3A_229 = arith.constant 0 : i32
    %dma_start3A_230 = tpu.memref_slice %arg2[%add3A_227, %dma_start3A_228, %dma_start3A_229] : memref<64x512x512xi32, #tpu.memory_space<hbm>> -> memref<1x64x512xi32, #tpu.memory_space<hbm>>
    %dma_start3A_231 = tpu.memref_squeeze %dma_start3A_230 : memref<1x64x512xi32, #tpu.memory_space<hbm>> -> memref<64x512xi32, #tpu.memory_space<hbm>>
    %dma_start3A_232 = arith.constant 192 : i32
    %dma_start3A_233 = arith.constant 0 : i32
    %dma_start3A_234 = tpu.memref_slice %arg2[%add3A_227, %dma_start3A_232, %dma_start3A_233] : memref<64x512x512xi32, #tpu.memory_space<hbm>> -> memref<1x64x512xi32, #tpu.memory_space<hbm>>
    %dma_start3A_235 = tpu.memref_squeeze %dma_start3A_234 : memref<1x64x512xi32, #tpu.memory_space<hbm>> -> memref<64x512xi32, #tpu.memory_space<hbm>>
    tpu.enqueue_dma source(%dma_start3A_235 : memref<64x512xi32, #tpu.memory_space<hbm>>) target(%arg5 : memref<64x512xi32, #tpu.memory_space<vmem>>) target_semaphore(%arg9 : memref<!tpu.dma_semaphore, #tpu.memory_space<semaphore_mem>>)
    %dma_wait3A_236 = arith.constant 128 : i32
    %dma_wait3A_237 = arith.constant 0 : i32
    %dma_wait3A_238 = tpu.memref_slice %arg2[%add3A_206, %dma_wait3A_236, %dma_wait3A_237] : memref<64x512x512xi32, #tpu.memory_space<hbm>> -> memref<1x64x512xi32, #tpu.memory_space<hbm>>
    %dma_wait3A_239 = tpu.memref_squeeze %dma_wait3A_238 : memref<1x64x512xi32, #tpu.memory_space<hbm>> -> memref<64x512xi32, #tpu.memory_space<hbm>>
    %dma_wait3A_240 = arith.constant 128 : i32
    %dma_wait3A_241 = arith.constant 0 : i32
    %dma_wait3A_242 = tpu.memref_slice %arg2[%add3A_206, %dma_wait3A_240, %dma_wait3A_241] : memref<64x512x512xi32, #tpu.memory_space<hbm>> -> memref<1x64x512xi32, #tpu.memory_space<hbm>>
    %dma_wait3A_243 = tpu.memref_squeeze %dma_wait3A_242 : memref<1x64x512xi32, #tpu.memory_space<hbm>> -> memref<64x512xi32, #tpu.memory_space<hbm>>
    tpu.wait_dma2 semaphore(%arg8 : memref<!tpu.dma_semaphore, #tpu.memory_space<semaphore_mem>>) src(%dma_wait3A_243 : memref<64x512xi32, #tpu.memory_space<hbm>>) dst(%arg4 : memref<64x512xi32, #tpu.memory_space<vmem>>)
    %parallel_loop3A_244 = arith.constant 0 : i32
    %parallel_loop3A_245 = arith.constant 2048 : i32
    %parallel_loop3A_246 = arith.constant 1 : i32
    scf.for %parallel_loop3A_347 = %parallel_loop3A_244 to %parallel_loop3A_245 step %parallel_loop3A_246  : i32 {
      %parallel_loop3A_348 = arith.constant 32 : i32
      %parallel_loop3A_349 = arith.divsi %parallel_loop3A_347, %parallel_loop3A_348 : i32
      %parallel_loop3A_350 = arith.constant 0 : i32
      %parallel_loop3A_351 = arith.cmpi sgt, %parallel_loop3A_347, %parallel_loop3A_350 : i32
      %parallel_loop3A_352 = arith.extui %parallel_loop3A_351 : i1 to i32
      %parallel_loop3A_353 = arith.constant 0 : i32
      %parallel_loop3A_354 = arith.cmpi slt, %parallel_loop3A_347, %parallel_loop3A_353 : i32
      %parallel_loop3A_355 = arith.extui %parallel_loop3A_354 : i1 to i32
      %parallel_loop3A_356 = arith.subi %parallel_loop3A_352, %parallel_loop3A_355 : i32
      %parallel_loop3A_357 = arith.constant 0 : i32
      %parallel_loop3A_358 = arith.cmpi sgt, %parallel_loop3A_348, %parallel_loop3A_357 : i32
      %parallel_loop3A_359 = arith.extui %parallel_loop3A_358 : i1 to i32
      %parallel_loop3A_360 = arith.constant 0 : i32
      %parallel_loop3A_361 = arith.cmpi slt, %parallel_loop3A_348, %parallel_loop3A_360 : i32
      %parallel_loop3A_362 = arith.extui %parallel_loop3A_361 : i1 to i32
      %parallel_loop3A_363 = arith.subi %parallel_loop3A_359, %parallel_loop3A_362 : i32
      %parallel_loop3A_364 = arith.cmpi ne, %parallel_loop3A_356, %parallel_loop3A_363 : i32
      %parallel_loop3A_365 = arith.remsi %parallel_loop3A_347, %parallel_loop3A_348 : i32
      %parallel_loop3A_366 = arith.constant 0 : i32
      %parallel_loop3A_367 = arith.cmpi ne, %parallel_loop3A_365, %parallel_loop3A_366 : i32
      %parallel_loop3A_368 = arith.andi %parallel_loop3A_364, %parallel_loop3A_367 : i1
      %parallel_loop3A_369 = arith.constant 1 : i32
      %parallel_loop3A_370 = arith.subi %parallel_loop3A_349, %parallel_loop3A_369 : i32
      %parallel_loop3A_371 = arith.select %parallel_loop3A_368, %parallel_loop3A_370, %parallel_loop3A_349 : i32
      %parallel_loop3A_372 = arith.constant 32 : i32
      %parallel_loop3A_373 = arith.constant 0 : i32
      %parallel_loop3A_374 = arith.cmpi eq, %parallel_loop3A_372, %parallel_loop3A_373 : i32
      %parallel_loop3A_375 = arith.constant 1 : i32
      %parallel_loop3A_376 = arith.select %parallel_loop3A_374, %parallel_loop3A_375, %parallel_loop3A_372 : i32
      %parallel_loop3A_377 = arith.remsi %parallel_loop3A_347, %parallel_loop3A_376 : i32
      %parallel_loop3A_378 = arith.constant 0 : i32
      %parallel_loop3A_379 = arith.cmpi ne, %parallel_loop3A_377, %parallel_loop3A_378 : i32
      %parallel_loop3A_380 = arith.constant 0 : i32
      %parallel_loop3A_381 = arith.cmpi slt, %parallel_loop3A_377, %parallel_loop3A_380 : i32
      %parallel_loop3A_382 = arith.constant 0 : i32
      %parallel_loop3A_383 = arith.cmpi slt, %parallel_loop3A_376, %parallel_loop3A_382 : i32
      %parallel_loop3A_384 = arith.xori %parallel_loop3A_381, %parallel_loop3A_383 : i1
      %parallel_loop3A_385 = arith.andi %parallel_loop3A_384, %parallel_loop3A_379 : i1
      %parallel_loop3A_386 = arith.addi %parallel_loop3A_377, %parallel_loop3A_376 : i32
      %parallel_loop3A_387 = arith.select %parallel_loop3A_385, %parallel_loop3A_386, %parallel_loop3A_377 : i32
      %parallel_loop3A_388 = arith.constant 16 : i32
      %parallel_loop3A_389 = arith.muli %parallel_loop3A_387, %parallel_loop3A_388 : i32
      %parallel_loop3A_390 = arith.index_cast %parallel_loop3A_371 : i32 to index
      %parallel_loop3A_391 = arith.index_cast %parallel_loop3A_389 : i32 to index
      %parallel_loop3A_392 = tpu.vector_load %arg4[%parallel_loop3A_390, %parallel_loop3A_391] {strides = array<i32>} : memref<64x512xi32, #tpu.memory_space<vmem>>, vector<16xi32>,
      %parallel_loop3A_393 = arith.constant 16 : i32
      %parallel_loop3A_394 = vector.broadcast %parallel_loop3A_393 : i32 to vector<16xi32>
      %parallel_loop3A_395 = arith.muli %parallel_loop3A_392, %parallel_loop3A_394 : vector<16xi32>
      %parallel_loop3A_396 = arith.addi %parallel_loop3A_395, %iota3A : vector<16xi32>
      tpu.vector_store_idx %arg6[%parallel_loop3A_396], %broadcast_in_dim3A_7 {add = true} : memref<16384xi32, #tpu.memory_space<vmem>>[vector<16xi32>], vector<16xi32>,
    } {sc.loop_unroll_factor = 16 : i64, sc.parallel_access}
    %add3A_247 = arith.constant 1 : i32
    %add3A_248 = arith.addi %mul3A_2, %add3A_247 : i32
    %dma_start3A_249 = arith.constant 256 : i32
    %dma_start3A_250 = arith.constant 0 : i32
    %dma_start3A_251 = tpu.memref_slice %arg2[%add3A_248, %dma_start3A_249, %dma_start3A_250] : memref<64x512x512xi32, #tpu.memory_space<hbm>> -> memref<1x64x512xi32, #tpu.memory_space<hbm>>
    %dma_start3A_252 = tpu.memref_squeeze %dma_start3A_251 : memref<1x64x512xi32, #tpu.memory_space<hbm>> -> memref<64x512xi32, #tpu.memory_space<hbm>>
    %dma_start3A_253 = arith.constant 256 : i32
    %dma_start3A_254 = arith.constant 0 : i32
    %dma_start3A_255 = tpu.memref_slice %arg2[%add3A_248, %dma_start3A_253, %dma_start3A_254] : memref<64x512x512xi32, #tpu.memory_space<hbm>> -> memref<1x64x512xi32, #tpu.memory_space<hbm>>
    %dma_start3A_256 = tpu.memref_squeeze %dma_start3A_255 : memref<1x64x512xi32, #tpu.memory_space<hbm>> -> memref<64x512xi32, #tpu.memory_space<hbm>>
    tpu.enqueue_dma source(%dma_start3A_256 : memref<64x512xi32, #tpu.memory_space<hbm>>) target(%arg4 : memref<64x512xi32, #tpu.memory_space<vmem>>) target_semaphore(%arg8 : memref<!tpu.dma_semaphore, #tpu.memory_space<semaphore_mem>>)
    %dma_wait3A_257 = arith.constant 192 : i32
    %dma_wait3A_258 = arith.constant 0 : i32
    %dma_wait3A_259 = tpu.memref_slice %arg2[%add3A_227, %dma_wait3A_257, %dma_wait3A_258] : memref<64x512x512xi32, #tpu.memory_space<hbm>> -> memref<1x64x512xi32, #tpu.memory_space<hbm>>
    %dma_wait3A_260 = tpu.memref_squeeze %dma_wait3A_259 : memref<1x64x512xi32, #tpu.memory_space<hbm>> -> memref<64x512xi32, #tpu.memory_space<hbm>>
    %dma_wait3A_261 = arith.constant 192 : i32
    %dma_wait3A_262 = arith.constant 0 : i32
    %dma_wait3A_263 = tpu.memref_slice %arg2[%add3A_227, %dma_wait3A_261, %dma_wait3A_262] : memref<64x512x512xi32, #tpu.memory_space<hbm>> -> memref<1x64x512xi32, #tpu.memory_space<hbm>>
    %dma_wait3A_264 = tpu.memref_squeeze %dma_wait3A_263 : memref<1x64x512xi32, #tpu.memory_space<hbm>> -> memref<64x512xi32, #tpu.memory_space<hbm>>
    tpu.wait_dma2 semaphore(%arg9 : memref<!tpu.dma_semaphore, #tpu.memory_space<semaphore_mem>>) src(%dma_wait3A_264 : memref<64x512xi32, #tpu.memory_space<hbm>>) dst(%arg5 : memref<64x512xi32, #tpu.memory_space<vmem>>)
    %parallel_loop3A_265 = arith.constant 0 : i32
    %parallel_loop3A_266 = arith.constant 2048 : i32
    %parallel_loop3A_267 = arith.constant 1 : i32
    scf.for %parallel_loop3A_347 = %parallel_loop3A_265 to %parallel_loop3A_266 step %parallel_loop3A_267  : i32 {
      %parallel_loop3A_348 = arith.constant 32 : i32
      %parallel_loop3A_349 = arith.divsi %parallel_loop3A_347, %parallel_loop3A_348 : i32
      %parallel_loop3A_350 = arith.constant 0 : i32
      %parallel_loop3A_351 = arith.cmpi sgt, %parallel_loop3A_347, %parallel_loop3A_350 : i32
      %parallel_loop3A_352 = arith.extui %parallel_loop3A_351 : i1 to i32
      %parallel_loop3A_353 = arith.constant 0 : i32
      %parallel_loop3A_354 = arith.cmpi slt, %parallel_loop3A_347, %parallel_loop3A_353 : i32
      %parallel_loop3A_355 = arith.extui %parallel_loop3A_354 : i1 to i32
      %parallel_loop3A_356 = arith.subi %parallel_loop3A_352, %parallel_loop3A_355 : i32
      %parallel_loop3A_357 = arith.constant 0 : i32
      %parallel_loop3A_358 = arith.cmpi sgt, %parallel_loop3A_348, %parallel_loop3A_357 : i32
      %parallel_loop3A_359 = arith.extui %parallel_loop3A_358 : i1 to i32
      %parallel_loop3A_360 = arith.constant 0 : i32
      %parallel_loop3A_361 = arith.cmpi slt, %parallel_loop3A_348, %parallel_loop3A_360 : i32
      %parallel_loop3A_362 = arith.extui %parallel_loop3A_361 : i1 to i32
      %parallel_loop3A_363 = arith.subi %parallel_loop3A_359, %parallel_loop3A_362 : i32
      %parallel_loop3A_364 = arith.cmpi ne, %parallel_loop3A_356, %parallel_loop3A_363 : i32
      %parallel_loop3A_365 = arith.remsi %parallel_loop3A_347, %parallel_loop3A_348 : i32
      %parallel_loop3A_366 = arith.constant 0 : i32
      %parallel_loop3A_367 = arith.cmpi ne, %parallel_loop3A_365, %parallel_loop3A_366 : i32
      %parallel_loop3A_368 = arith.andi %parallel_loop3A_364, %parallel_loop3A_367 : i1
      %parallel_loop3A_369 = arith.constant 1 : i32
      %parallel_loop3A_370 = arith.subi %parallel_loop3A_349, %parallel_loop3A_369 : i32
      %parallel_loop3A_371 = arith.select %parallel_loop3A_368, %parallel_loop3A_370, %parallel_loop3A_349 : i32
      %parallel_loop3A_372 = arith.constant 32 : i32
      %parallel_loop3A_373 = arith.constant 0 : i32
      %parallel_loop3A_374 = arith.cmpi eq, %parallel_loop3A_372, %parallel_loop3A_373 : i32
      %parallel_loop3A_375 = arith.constant 1 : i32
      %parallel_loop3A_376 = arith.select %parallel_loop3A_374, %parallel_loop3A_375, %parallel_loop3A_372 : i32
      %parallel_loop3A_377 = arith.remsi %parallel_loop3A_347, %parallel_loop3A_376 : i32
      %parallel_loop3A_378 = arith.constant 0 : i32
      %parallel_loop3A_379 = arith.cmpi ne, %parallel_loop3A_377, %parallel_loop3A_378 : i32
      %parallel_loop3A_380 = arith.constant 0 : i32
      %parallel_loop3A_381 = arith.cmpi slt, %parallel_loop3A_377, %parallel_loop3A_380 : i32
      %parallel_loop3A_382 = arith.constant 0 : i32
      %parallel_loop3A_383 = arith.cmpi slt, %parallel_loop3A_376, %parallel_loop3A_382 : i32
      %parallel_loop3A_384 = arith.xori %parallel_loop3A_381, %parallel_loop3A_383 : i1
      %parallel_loop3A_385 = arith.andi %parallel_loop3A_384, %parallel_loop3A_379 : i1
      %parallel_loop3A_386 = arith.addi %parallel_loop3A_377, %parallel_loop3A_376 : i32
      %parallel_loop3A_387 = arith.select %parallel_loop3A_385, %parallel_loop3A_386, %parallel_loop3A_377 : i32
      %parallel_loop3A_388 = arith.constant 16 : i32
      %parallel_loop3A_389 = arith.muli %parallel_loop3A_387, %parallel_loop3A_388 : i32
      %parallel_loop3A_390 = arith.index_cast %parallel_loop3A_371 : i32 to index
      %parallel_loop3A_391 = arith.index_cast %parallel_loop3A_389 : i32 to index
      %parallel_loop3A_392 = tpu.vector_load %arg5[%parallel_loop3A_390, %parallel_loop3A_391] {strides = array<i32>} : memref<64x512xi32, #tpu.memory_space<vmem>>, vector<16xi32>,
      %parallel_loop3A_393 = arith.constant 16 : i32
      %parallel_loop3A_394 = vector.broadcast %parallel_loop3A_393 : i32 to vector<16xi32>
      %parallel_loop3A_395 = arith.muli %parallel_loop3A_392, %parallel_loop3A_394 : vector<16xi32>
      %parallel_loop3A_396 = arith.addi %parallel_loop3A_395, %iota3A : vector<16xi32>
      tpu.vector_store_idx %arg6[%parallel_loop3A_396], %broadcast_in_dim3A_7 {add = true} : memref<16384xi32, #tpu.memory_space<vmem>>[vector<16xi32>], vector<16xi32>,
    } {sc.loop_unroll_factor = 16 : i64, sc.parallel_access}
    %add3A_268 = arith.constant 1 : i32
    %add3A_269 = arith.addi %mul3A_2, %add3A_268 : i32
    %dma_start3A_270 = arith.constant 320 : i32
    %dma_start3A_271 = arith.constant 0 : i32
    %dma_start3A_272 = tpu.memref_slice %arg2[%add3A_269, %dma_start3A_270, %dma_start3A_271] : memref<64x512x512xi32, #tpu.memory_space<hbm>> -> memref<1x64x512xi32, #tpu.memory_space<hbm>>
    %dma_start3A_273 = tpu.memref_squeeze %dma_start3A_272 : memref<1x64x512xi32, #tpu.memory_space<hbm>> -> memref<64x512xi32, #tpu.memory_space<hbm>>
    %dma_start3A_274 = arith.constant 320 : i32
    %dma_start3A_275 = arith.constant 0 : i32
    %dma_start3A_276 = tpu.memref_slice %arg2[%add3A_269, %dma_start3A_274, %dma_start3A_275] : memref<64x512x512xi32, #tpu.memory_space<hbm>> -> memref<1x64x512xi32, #tpu.memory_space<hbm>>
    %dma_start3A_277 = tpu.memref_squeeze %dma_start3A_276 : memref<1x64x512xi32, #tpu.memory_space<hbm>> -> memref<64x512xi32, #tpu.memory_space<hbm>>
    tpu.enqueue_dma source(%dma_start3A_277 : memref<64x512xi32, #tpu.memory_space<hbm>>) target(%arg5 : memref<64x512xi32, #tpu.memory_space<vmem>>) target_semaphore(%arg9 : memref<!tpu.dma_semaphore, #tpu.memory_space<semaphore_mem>>)
    %dma_wait3A_278 = arith.constant 256 : i32
    %dma_wait3A_279 = arith.constant 0 : i32
    %dma_wait3A_280 = tpu.memref_slice %arg2[%add3A_248, %dma_wait3A_278, %dma_wait3A_279] : memref<64x512x512xi32, #tpu.memory_space<hbm>> -> memref<1x64x512xi32, #tpu.memory_space<hbm>>
    %dma_wait3A_281 = tpu.memref_squeeze %dma_wait3A_280 : memref<1x64x512xi32, #tpu.memory_space<hbm>> -> memref<64x512xi32, #tpu.memory_space<hbm>>
    %dma_wait3A_282 = arith.constant 256 : i32
    %dma_wait3A_283 = arith.constant 0 : i32
    %dma_wait3A_284 = tpu.memref_slice %arg2[%add3A_248, %dma_wait3A_282, %dma_wait3A_283] : memref<64x512x512xi32, #tpu.memory_space<hbm>> -> memref<1x64x512xi32, #tpu.memory_space<hbm>>
    %dma_wait3A_285 = tpu.memref_squeeze %dma_wait3A_284 : memref<1x64x512xi32, #tpu.memory_space<hbm>> -> memref<64x512xi32, #tpu.memory_space<hbm>>
    tpu.wait_dma2 semaphore(%arg8 : memref<!tpu.dma_semaphore, #tpu.memory_space<semaphore_mem>>) src(%dma_wait3A_285 : memref<64x512xi32, #tpu.memory_space<hbm>>) dst(%arg4 : memref<64x512xi32, #tpu.memory_space<vmem>>)
    %parallel_loop3A_286 = arith.constant 0 : i32
    %parallel_loop3A_287 = arith.constant 2048 : i32
    %parallel_loop3A_288 = arith.constant 1 : i32
    scf.for %parallel_loop3A_347 = %parallel_loop3A_286 to %parallel_loop3A_287 step %parallel_loop3A_288  : i32 {
      %parallel_loop3A_348 = arith.constant 32 : i32
      %parallel_loop3A_349 = arith.divsi %parallel_loop3A_347, %parallel_loop3A_348 : i32
      %parallel_loop3A_350 = arith.constant 0 : i32
      %parallel_loop3A_351 = arith.cmpi sgt, %parallel_loop3A_347, %parallel_loop3A_350 : i32
      %parallel_loop3A_352 = arith.extui %parallel_loop3A_351 : i1 to i32
      %parallel_loop3A_353 = arith.constant 0 : i32
      %parallel_loop3A_354 = arith.cmpi slt, %parallel_loop3A_347, %parallel_loop3A_353 : i32
      %parallel_loop3A_355 = arith.extui %parallel_loop3A_354 : i1 to i32
      %parallel_loop3A_356 = arith.subi %parallel_loop3A_352, %parallel_loop3A_355 : i32
      %parallel_loop3A_357 = arith.constant 0 : i32
      %parallel_loop3A_358 = arith.cmpi sgt, %parallel_loop3A_348, %parallel_loop3A_357 : i32
      %parallel_loop3A_359 = arith.extui %parallel_loop3A_358 : i1 to i32
      %parallel_loop3A_360 = arith.constant 0 : i32
      %parallel_loop3A_361 = arith.cmpi slt, %parallel_loop3A_348, %parallel_loop3A_360 : i32
      %parallel_loop3A_362 = arith.extui %parallel_loop3A_361 : i1 to i32
      %parallel_loop3A_363 = arith.subi %parallel_loop3A_359, %parallel_loop3A_362 : i32
      %parallel_loop3A_364 = arith.cmpi ne, %parallel_loop3A_356, %parallel_loop3A_363 : i32
      %parallel_loop3A_365 = arith.remsi %parallel_loop3A_347, %parallel_loop3A_348 : i32
      %parallel_loop3A_366 = arith.constant 0 : i32
      %parallel_loop3A_367 = arith.cmpi ne, %parallel_loop3A_365, %parallel_loop3A_366 : i32
      %parallel_loop3A_368 = arith.andi %parallel_loop3A_364, %parallel_loop3A_367 : i1
      %parallel_loop3A_369 = arith.constant 1 : i32
      %parallel_loop3A_370 = arith.subi %parallel_loop3A_349, %parallel_loop3A_369 : i32
      %parallel_loop3A_371 = arith.select %parallel_loop3A_368, %parallel_loop3A_370, %parallel_loop3A_349 : i32
      %parallel_loop3A_372 = arith.constant 32 : i32
      %parallel_loop3A_373 = arith.constant 0 : i32
      %parallel_loop3A_374 = arith.cmpi eq, %parallel_loop3A_372, %parallel_loop3A_373 : i32
      %parallel_loop3A_375 = arith.constant 1 : i32
      %parallel_loop3A_376 = arith.select %parallel_loop3A_374, %parallel_loop3A_375, %parallel_loop3A_372 : i32
      %parallel_loop3A_377 = arith.remsi %parallel_loop3A_347, %parallel_loop3A_376 : i32
      %parallel_loop3A_378 = arith.constant 0 : i32
      %parallel_loop3A_379 = arith.cmpi ne, %parallel_loop3A_377, %parallel_loop3A_378 : i32
      %parallel_loop3A_380 = arith.constant 0 : i32
      %parallel_loop3A_381 = arith.cmpi slt, %parallel_loop3A_377, %parallel_loop3A_380 : i32
      %parallel_loop3A_382 = arith.constant 0 : i32
      %parallel_loop3A_383 = arith.cmpi slt, %parallel_loop3A_376, %parallel_loop3A_382 : i32
      %parallel_loop3A_384 = arith.xori %parallel_loop3A_381, %parallel_loop3A_383 : i1
      %parallel_loop3A_385 = arith.andi %parallel_loop3A_384, %parallel_loop3A_379 : i1
      %parallel_loop3A_386 = arith.addi %parallel_loop3A_377, %parallel_loop3A_376 : i32
      %parallel_loop3A_387 = arith.select %parallel_loop3A_385, %parallel_loop3A_386, %parallel_loop3A_377 : i32
      %parallel_loop3A_388 = arith.constant 16 : i32
      %parallel_loop3A_389 = arith.muli %parallel_loop3A_387, %parallel_loop3A_388 : i32
      %parallel_loop3A_390 = arith.index_cast %parallel_loop3A_371 : i32 to index
      %parallel_loop3A_391 = arith.index_cast %parallel_loop3A_389 : i32 to index
      %parallel_loop3A_392 = tpu.vector_load %arg4[%parallel_loop3A_390, %parallel_loop3A_391] {strides = array<i32>} : memref<64x512xi32, #tpu.memory_space<vmem>>, vector<16xi32>,
      %parallel_loop3A_393 = arith.constant 16 : i32
      %parallel_loop3A_394 = vector.broadcast %parallel_loop3A_393 : i32 to vector<16xi32>
      %parallel_loop3A_395 = arith.muli %parallel_loop3A_392, %parallel_loop3A_394 : vector<16xi32>
      %parallel_loop3A_396 = arith.addi %parallel_loop3A_395, %iota3A : vector<16xi32>
      tpu.vector_store_idx %arg6[%parallel_loop3A_396], %broadcast_in_dim3A_7 {add = true} : memref<16384xi32, #tpu.memory_space<vmem>>[vector<16xi32>], vector<16xi32>,
    } {sc.loop_unroll_factor = 16 : i64, sc.parallel_access}
    %add3A_289 = arith.constant 1 : i32
    %add3A_290 = arith.addi %mul3A_2, %add3A_289 : i32
    %dma_start3A_291 = arith.constant 384 : i32
    %dma_start3A_292 = arith.constant 0 : i32
    %dma_start3A_293 = tpu.memref_slice %arg2[%add3A_290, %dma_start3A_291, %dma_start3A_292] : memref<64x512x512xi32, #tpu.memory_space<hbm>> -> memref<1x64x512xi32, #tpu.memory_space<hbm>>
    %dma_start3A_294 = tpu.memref_squeeze %dma_start3A_293 : memref<1x64x512xi32, #tpu.memory_space<hbm>> -> memref<64x512xi32, #tpu.memory_space<hbm>>
    %dma_start3A_295 = arith.constant 384 : i32
    %dma_start3A_296 = arith.constant 0 : i32
    %dma_start3A_297 = tpu.memref_slice %arg2[%add3A_290, %dma_start3A_295, %dma_start3A_296] : memref<64x512x512xi32, #tpu.memory_space<hbm>> -> memref<1x64x512xi32, #tpu.memory_space<hbm>>
    %dma_start3A_298 = tpu.memref_squeeze %dma_start3A_297 : memref<1x64x512xi32, #tpu.memory_space<hbm>> -> memref<64x512xi32, #tpu.memory_space<hbm>>
    tpu.enqueue_dma source(%dma_start3A_298 : memref<64x512xi32, #tpu.memory_space<hbm>>) target(%arg4 : memref<64x512xi32, #tpu.memory_space<vmem>>) target_semaphore(%arg8 : memref<!tpu.dma_semaphore, #tpu.memory_space<semaphore_mem>>)
    %dma_wait3A_299 = arith.constant 320 : i32
    %dma_wait3A_300 = arith.constant 0 : i32
    %dma_wait3A_301 = tpu.memref_slice %arg2[%add3A_269, %dma_wait3A_299, %dma_wait3A_300] : memref<64x512x512xi32, #tpu.memory_space<hbm>> -> memref<1x64x512xi32, #tpu.memory_space<hbm>>
    %dma_wait3A_302 = tpu.memref_squeeze %dma_wait3A_301 : memref<1x64x512xi32, #tpu.memory_space<hbm>> -> memref<64x512xi32, #tpu.memory_space<hbm>>
    %dma_wait3A_303 = arith.constant 320 : i32
    %dma_wait3A_304 = arith.constant 0 : i32
    %dma_wait3A_305 = tpu.memref_slice %arg2[%add3A_269, %dma_wait3A_303, %dma_wait3A_304] : memref<64x512x512xi32, #tpu.memory_space<hbm>> -> memref<1x64x512xi32, #tpu.memory_space<hbm>>
    %dma_wait3A_306 = tpu.memref_squeeze %dma_wait3A_305 : memref<1x64x512xi32, #tpu.memory_space<hbm>> -> memref<64x512xi32, #tpu.memory_space<hbm>>
    tpu.wait_dma2 semaphore(%arg9 : memref<!tpu.dma_semaphore, #tpu.memory_space<semaphore_mem>>) src(%dma_wait3A_306 : memref<64x512xi32, #tpu.memory_space<hbm>>) dst(%arg5 : memref<64x512xi32, #tpu.memory_space<vmem>>)
    %parallel_loop3A_307 = arith.constant 0 : i32
    %parallel_loop3A_308 = arith.constant 2048 : i32
    %parallel_loop3A_309 = arith.constant 1 : i32
    scf.for %parallel_loop3A_347 = %parallel_loop3A_307 to %parallel_loop3A_308 step %parallel_loop3A_309  : i32 {
      %parallel_loop3A_348 = arith.constant 32 : i32
      %parallel_loop3A_349 = arith.divsi %parallel_loop3A_347, %parallel_loop3A_348 : i32
      %parallel_loop3A_350 = arith.constant 0 : i32
      %parallel_loop3A_351 = arith.cmpi sgt, %parallel_loop3A_347, %parallel_loop3A_350 : i32
      %parallel_loop3A_352 = arith.extui %parallel_loop3A_351 : i1 to i32
      %parallel_loop3A_353 = arith.constant 0 : i32
      %parallel_loop3A_354 = arith.cmpi slt, %parallel_loop3A_347, %parallel_loop3A_353 : i32
      %parallel_loop3A_355 = arith.extui %parallel_loop3A_354 : i1 to i32
      %parallel_loop3A_356 = arith.subi %parallel_loop3A_352, %parallel_loop3A_355 : i32
      %parallel_loop3A_357 = arith.constant 0 : i32
      %parallel_loop3A_358 = arith.cmpi sgt, %parallel_loop3A_348, %parallel_loop3A_357 : i32
      %parallel_loop3A_359 = arith.extui %parallel_loop3A_358 : i1 to i32
      %parallel_loop3A_360 = arith.constant 0 : i32
      %parallel_loop3A_361 = arith.cmpi slt, %parallel_loop3A_348, %parallel_loop3A_360 : i32
      %parallel_loop3A_362 = arith.extui %parallel_loop3A_361 : i1 to i32
      %parallel_loop3A_363 = arith.subi %parallel_loop3A_359, %parallel_loop3A_362 : i32
      %parallel_loop3A_364 = arith.cmpi ne, %parallel_loop3A_356, %parallel_loop3A_363 : i32
      %parallel_loop3A_365 = arith.remsi %parallel_loop3A_347, %parallel_loop3A_348 : i32
      %parallel_loop3A_366 = arith.constant 0 : i32
      %parallel_loop3A_367 = arith.cmpi ne, %parallel_loop3A_365, %parallel_loop3A_366 : i32
      %parallel_loop3A_368 = arith.andi %parallel_loop3A_364, %parallel_loop3A_367 : i1
      %parallel_loop3A_369 = arith.constant 1 : i32
      %parallel_loop3A_370 = arith.subi %parallel_loop3A_349, %parallel_loop3A_369 : i32
      %parallel_loop3A_371 = arith.select %parallel_loop3A_368, %parallel_loop3A_370, %parallel_loop3A_349 : i32
      %parallel_loop3A_372 = arith.constant 32 : i32
      %parallel_loop3A_373 = arith.constant 0 : i32
      %parallel_loop3A_374 = arith.cmpi eq, %parallel_loop3A_372, %parallel_loop3A_373 : i32
      %parallel_loop3A_375 = arith.constant 1 : i32
      %parallel_loop3A_376 = arith.select %parallel_loop3A_374, %parallel_loop3A_375, %parallel_loop3A_372 : i32
      %parallel_loop3A_377 = arith.remsi %parallel_loop3A_347, %parallel_loop3A_376 : i32
      %parallel_loop3A_378 = arith.constant 0 : i32
      %parallel_loop3A_379 = arith.cmpi ne, %parallel_loop3A_377, %parallel_loop3A_378 : i32
      %parallel_loop3A_380 = arith.constant 0 : i32
      %parallel_loop3A_381 = arith.cmpi slt, %parallel_loop3A_377, %parallel_loop3A_380 : i32
      %parallel_loop3A_382 = arith.constant 0 : i32
      %parallel_loop3A_383 = arith.cmpi slt, %parallel_loop3A_376, %parallel_loop3A_382 : i32
      %parallel_loop3A_384 = arith.xori %parallel_loop3A_381, %parallel_loop3A_383 : i1
      %parallel_loop3A_385 = arith.andi %parallel_loop3A_384, %parallel_loop3A_379 : i1
      %parallel_loop3A_386 = arith.addi %parallel_loop3A_377, %parallel_loop3A_376 : i32
      %parallel_loop3A_387 = arith.select %parallel_loop3A_385, %parallel_loop3A_386, %parallel_loop3A_377 : i32
      %parallel_loop3A_388 = arith.constant 16 : i32
      %parallel_loop3A_389 = arith.muli %parallel_loop3A_387, %parallel_loop3A_388 : i32
      %parallel_loop3A_390 = arith.index_cast %parallel_loop3A_371 : i32 to index
      %parallel_loop3A_391 = arith.index_cast %parallel_loop3A_389 : i32 to index
      %parallel_loop3A_392 = tpu.vector_load %arg5[%parallel_loop3A_390, %parallel_loop3A_391] {strides = array<i32>} : memref<64x512xi32, #tpu.memory_space<vmem>>, vector<16xi32>,
      %parallel_loop3A_393 = arith.constant 16 : i32
      %parallel_loop3A_394 = vector.broadcast %parallel_loop3A_393 : i32 to vector<16xi32>
      %parallel_loop3A_395 = arith.muli %parallel_loop3A_392, %parallel_loop3A_394 : vector<16xi32>
      %parallel_loop3A_396 = arith.addi %parallel_loop3A_395, %iota3A : vector<16xi32>
      tpu.vector_store_idx %arg6[%parallel_loop3A_396], %broadcast_in_dim3A_7 {add = true} : memref<16384xi32, #tpu.memory_space<vmem>>[vector<16xi32>], vector<16xi32>,
    } {sc.loop_unroll_factor = 16 : i64, sc.parallel_access}
    %add3A_310 = arith.constant 1 : i32
    %add3A_311 = arith.addi %mul3A_2, %add3A_310 : i32
    %dma_start3A_312 = arith.constant 448 : i32
    %dma_start3A_313 = arith.constant 0 : i32
    %dma_start3A_314 = tpu.memref_slice %arg2[%add3A_311, %dma_start3A_312, %dma_start3A_313] : memref<64x512x512xi32, #tpu.memory_space<hbm>> -> memref<1x64x512xi32, #tpu.memory_space<hbm>>
    %dma_start3A_315 = tpu.memref_squeeze %dma_start3A_314 : memref<1x64x512xi32, #tpu.memory_space<hbm>> -> memref<64x512xi32, #tpu.memory_space<hbm>>
    %dma_start3A_316 = arith.constant 448 : i32
    %dma_start3A_317 = arith.constant 0 : i32
    %dma_start3A_318 = tpu.memref_slice %arg2[%add3A_311, %dma_start3A_316, %dma_start3A_317] : memref<64x512x512xi32, #tpu.memory_space<hbm>> -> memref<1x64x512xi32, #tpu.memory_space<hbm>>
    %dma_start3A_319 = tpu.memref_squeeze %dma_start3A_318 : memref<1x64x512xi32, #tpu.memory_space<hbm>> -> memref<64x512xi32, #tpu.memory_space<hbm>>
    tpu.enqueue_dma source(%dma_start3A_319 : memref<64x512xi32, #tpu.memory_space<hbm>>) target(%arg5 : memref<64x512xi32, #tpu.memory_space<vmem>>) target_semaphore(%arg9 : memref<!tpu.dma_semaphore, #tpu.memory_space<semaphore_mem>>)
    %dma_wait3A_320 = arith.constant 384 : i32
    %dma_wait3A_321 = arith.constant 0 : i32
    %dma_wait3A_322 = tpu.memref_slice %arg2[%add3A_290, %dma_wait3A_320, %dma_wait3A_321] : memref<64x512x512xi32, #tpu.memory_space<hbm>> -> memref<1x64x512xi32, #tpu.memory_space<hbm>>
    %dma_wait3A_323 = tpu.memref_squeeze %dma_wait3A_322 : memref<1x64x512xi32, #tpu.memory_space<hbm>> -> memref<64x512xi32, #tpu.memory_space<hbm>>
    %dma_wait3A_324 = arith.constant 384 : i32
    %dma_wait3A_325 = arith.constant 0 : i32
    %dma_wait3A_326 = tpu.memref_slice %arg2[%add3A_290, %dma_wait3A_324, %dma_wait3A_325] : memref<64x512x512xi32, #tpu.memory_space<hbm>> -> memref<1x64x512xi32, #tpu.memory_space<hbm>>
    %dma_wait3A_327 = tpu.memref_squeeze %dma_wait3A_326 : memref<1x64x512xi32, #tpu.memory_space<hbm>> -> memref<64x512xi32, #tpu.memory_space<hbm>>
    tpu.wait_dma2 semaphore(%arg8 : memref<!tpu.dma_semaphore, #tpu.memory_space<semaphore_mem>>) src(%dma_wait3A_327 : memref<64x512xi32, #tpu.memory_space<hbm>>) dst(%arg4 : memref<64x512xi32, #tpu.memory_space<vmem>>)
    %parallel_loop3A_328 = arith.constant 0 : i32
    %parallel_loop3A_329 = arith.constant 2048 : i32
    %parallel_loop3A_330 = arith.constant 1 : i32
    scf.for %parallel_loop3A_347 = %parallel_loop3A_328 to %parallel_loop3A_329 step %parallel_loop3A_330  : i32 {
      %parallel_loop3A_348 = arith.constant 32 : i32
      %parallel_loop3A_349 = arith.divsi %parallel_loop3A_347, %parallel_loop3A_348 : i32
      %parallel_loop3A_350 = arith.constant 0 : i32
      %parallel_loop3A_351 = arith.cmpi sgt, %parallel_loop3A_347, %parallel_loop3A_350 : i32
      %parallel_loop3A_352 = arith.extui %parallel_loop3A_351 : i1 to i32
      %parallel_loop3A_353 = arith.constant 0 : i32
      %parallel_loop3A_354 = arith.cmpi slt, %parallel_loop3A_347, %parallel_loop3A_353 : i32
      %parallel_loop3A_355 = arith.extui %parallel_loop3A_354 : i1 to i32
      %parallel_loop3A_356 = arith.subi %parallel_loop3A_352, %parallel_loop3A_355 : i32
      %parallel_loop3A_357 = arith.constant 0 : i32
      %parallel_loop3A_358 = arith.cmpi sgt, %parallel_loop3A_348, %parallel_loop3A_357 : i32
      %parallel_loop3A_359 = arith.extui %parallel_loop3A_358 : i1 to i32
      %parallel_loop3A_360 = arith.constant 0 : i32
      %parallel_loop3A_361 = arith.cmpi slt, %parallel_loop3A_348, %parallel_loop3A_360 : i32
      %parallel_loop3A_362 = arith.extui %parallel_loop3A_361 : i1 to i32
      %parallel_loop3A_363 = arith.subi %parallel_loop3A_359, %parallel_loop3A_362 : i32
      %parallel_loop3A_364 = arith.cmpi ne, %parallel_loop3A_356, %parallel_loop3A_363 : i32
      %parallel_loop3A_365 = arith.remsi %parallel_loop3A_347, %parallel_loop3A_348 : i32
      %parallel_loop3A_366 = arith.constant 0 : i32
      %parallel_loop3A_367 = arith.cmpi ne, %parallel_loop3A_365, %parallel_loop3A_366 : i32
      %parallel_loop3A_368 = arith.andi %parallel_loop3A_364, %parallel_loop3A_367 : i1
      %parallel_loop3A_369 = arith.constant 1 : i32
      %parallel_loop3A_370 = arith.subi %parallel_loop3A_349, %parallel_loop3A_369 : i32
      %parallel_loop3A_371 = arith.select %parallel_loop3A_368, %parallel_loop3A_370, %parallel_loop3A_349 : i32
      %parallel_loop3A_372 = arith.constant 32 : i32
      %parallel_loop3A_373 = arith.constant 0 : i32
      %parallel_loop3A_374 = arith.cmpi eq, %parallel_loop3A_372, %parallel_loop3A_373 : i32
      %parallel_loop3A_375 = arith.constant 1 : i32
      %parallel_loop3A_376 = arith.select %parallel_loop3A_374, %parallel_loop3A_375, %parallel_loop3A_372 : i32
      %parallel_loop3A_377 = arith.remsi %parallel_loop3A_347, %parallel_loop3A_376 : i32
      %parallel_loop3A_378 = arith.constant 0 : i32
      %parallel_loop3A_379 = arith.cmpi ne, %parallel_loop3A_377, %parallel_loop3A_378 : i32
      %parallel_loop3A_380 = arith.constant 0 : i32
      %parallel_loop3A_381 = arith.cmpi slt, %parallel_loop3A_377, %parallel_loop3A_380 : i32
      %parallel_loop3A_382 = arith.constant 0 : i32
      %parallel_loop3A_383 = arith.cmpi slt, %parallel_loop3A_376, %parallel_loop3A_382 : i32
      %parallel_loop3A_384 = arith.xori %parallel_loop3A_381, %parallel_loop3A_383 : i1
      %parallel_loop3A_385 = arith.andi %parallel_loop3A_384, %parallel_loop3A_379 : i1
      %parallel_loop3A_386 = arith.addi %parallel_loop3A_377, %parallel_loop3A_376 : i32
      %parallel_loop3A_387 = arith.select %parallel_loop3A_385, %parallel_loop3A_386, %parallel_loop3A_377 : i32
      %parallel_loop3A_388 = arith.constant 16 : i32
      %parallel_loop3A_389 = arith.muli %parallel_loop3A_387, %parallel_loop3A_388 : i32
      %parallel_loop3A_390 = arith.index_cast %parallel_loop3A_371 : i32 to index
      %parallel_loop3A_391 = arith.index_cast %parallel_loop3A_389 : i32 to index
      %parallel_loop3A_392 = tpu.vector_load %arg4[%parallel_loop3A_390, %parallel_loop3A_391] {strides = array<i32>} : memref<64x512xi32, #tpu.memory_space<vmem>>, vector<16xi32>,
      %parallel_loop3A_393 = arith.constant 16 : i32
      %parallel_loop3A_394 = vector.broadcast %parallel_loop3A_393 : i32 to vector<16xi32>
      %parallel_loop3A_395 = arith.muli %parallel_loop3A_392, %parallel_loop3A_394 : vector<16xi32>
      %parallel_loop3A_396 = arith.addi %parallel_loop3A_395, %iota3A : vector<16xi32>
      tpu.vector_store_idx %arg6[%parallel_loop3A_396], %broadcast_in_dim3A_7 {add = true} : memref<16384xi32, #tpu.memory_space<vmem>>[vector<16xi32>], vector<16xi32>,
    } {sc.loop_unroll_factor = 16 : i64, sc.parallel_access}
    %dma_wait3A_331 = arith.constant 448 : i32
    %dma_wait3A_332 = arith.constant 0 : i32
    %dma_wait3A_333 = tpu.memref_slice %arg2[%add3A_311, %dma_wait3A_331, %dma_wait3A_332] : memref<64x512x512xi32, #tpu.memory_space<hbm>> -> memref<1x64x512xi32, #tpu.memory_space<hbm>>
    %dma_wait3A_334 = tpu.memref_squeeze %dma_wait3A_333 : memref<1x64x512xi32, #tpu.memory_space<hbm>> -> memref<64x512xi32, #tpu.memory_space<hbm>>
    %dma_wait3A_335 = arith.constant 448 : i32
    %dma_wait3A_336 = arith.constant 0 : i32
    %dma_wait3A_337 = tpu.memref_slice %arg2[%add3A_311, %dma_wait3A_335, %dma_wait3A_336] : memref<64x512x512xi32, #tpu.memory_space<hbm>> -> memref<1x64x512xi32, #tpu.memory_space<hbm>>
    %dma_wait3A_338 = tpu.memref_squeeze %dma_wait3A_337 : memref<1x64x512xi32, #tpu.memory_space<hbm>> -> memref<64x512xi32, #tpu.memory_space<hbm>>
    tpu.wait_dma2 semaphore(%arg9 : memref<!tpu.dma_semaphore, #tpu.memory_space<semaphore_mem>>) src(%dma_wait3A_338 : memref<64x512xi32, #tpu.memory_space<hbm>>) dst(%arg5 : memref<64x512xi32, #tpu.memory_space<vmem>>)
    %parallel_loop3A_339 = arith.constant 0 : i32
    %parallel_loop3A_340 = arith.constant 2048 : i32
    %parallel_loop3A_341 = arith.constant 1 : i32
    scf.for %parallel_loop3A_347 = %parallel_loop3A_339 to %parallel_loop3A_340 step %parallel_loop3A_341  : i32 {
      %parallel_loop3A_348 = arith.constant 32 : i32
      %parallel_loop3A_349 = arith.divsi %parallel_loop3A_347, %parallel_loop3A_348 : i32
      %parallel_loop3A_350 = arith.constant 0 : i32
      %parallel_loop3A_351 = arith.cmpi sgt, %parallel_loop3A_347, %parallel_loop3A_350 : i32
      %parallel_loop3A_352 = arith.extui %parallel_loop3A_351 : i1 to i32
      %parallel_loop3A_353 = arith.constant 0 : i32
      %parallel_loop3A_354 = arith.cmpi slt, %parallel_loop3A_347, %parallel_loop3A_353 : i32
      %parallel_loop3A_355 = arith.extui %parallel_loop3A_354 : i1 to i32
      %parallel_loop3A_356 = arith.subi %parallel_loop3A_352, %parallel_loop3A_355 : i32
      %parallel_loop3A_357 = arith.constant 0 : i32
      %parallel_loop3A_358 = arith.cmpi sgt, %parallel_loop3A_348, %parallel_loop3A_357 : i32
      %parallel_loop3A_359 = arith.extui %parallel_loop3A_358 : i1 to i32
      %parallel_loop3A_360 = arith.constant 0 : i32
      %parallel_loop3A_361 = arith.cmpi slt, %parallel_loop3A_348, %parallel_loop3A_360 : i32
      %parallel_loop3A_362 = arith.extui %parallel_loop3A_361 : i1 to i32
      %parallel_loop3A_363 = arith.subi %parallel_loop3A_359, %parallel_loop3A_362 : i32
      %parallel_loop3A_364 = arith.cmpi ne, %parallel_loop3A_356, %parallel_loop3A_363 : i32
      %parallel_loop3A_365 = arith.remsi %parallel_loop3A_347, %parallel_loop3A_348 : i32
      %parallel_loop3A_366 = arith.constant 0 : i32
      %parallel_loop3A_367 = arith.cmpi ne, %parallel_loop3A_365, %parallel_loop3A_366 : i32
      %parallel_loop3A_368 = arith.andi %parallel_loop3A_364, %parallel_loop3A_367 : i1
      %parallel_loop3A_369 = arith.constant 1 : i32
      %parallel_loop3A_370 = arith.subi %parallel_loop3A_349, %parallel_loop3A_369 : i32
      %parallel_loop3A_371 = arith.select %parallel_loop3A_368, %parallel_loop3A_370, %parallel_loop3A_349 : i32
      %parallel_loop3A_372 = arith.constant 32 : i32
      %parallel_loop3A_373 = arith.constant 0 : i32
      %parallel_loop3A_374 = arith.cmpi eq, %parallel_loop3A_372, %parallel_loop3A_373 : i32
      %parallel_loop3A_375 = arith.constant 1 : i32
      %parallel_loop3A_376 = arith.select %parallel_loop3A_374, %parallel_loop3A_375, %parallel_loop3A_372 : i32
      %parallel_loop3A_377 = arith.remsi %parallel_loop3A_347, %parallel_loop3A_376 : i32
      %parallel_loop3A_378 = arith.constant 0 : i32
      %parallel_loop3A_379 = arith.cmpi ne, %parallel_loop3A_377, %parallel_loop3A_378 : i32
      %parallel_loop3A_380 = arith.constant 0 : i32
      %parallel_loop3A_381 = arith.cmpi slt, %parallel_loop3A_377, %parallel_loop3A_380 : i32
      %parallel_loop3A_382 = arith.constant 0 : i32
      %parallel_loop3A_383 = arith.cmpi slt, %parallel_loop3A_376, %parallel_loop3A_382 : i32
      %parallel_loop3A_384 = arith.xori %parallel_loop3A_381, %parallel_loop3A_383 : i1
      %parallel_loop3A_385 = arith.andi %parallel_loop3A_384, %parallel_loop3A_379 : i1
      %parallel_loop3A_386 = arith.addi %parallel_loop3A_377, %parallel_loop3A_376 : i32
      %parallel_loop3A_387 = arith.select %parallel_loop3A_385, %parallel_loop3A_386, %parallel_loop3A_377 : i32
      %parallel_loop3A_388 = arith.constant 16 : i32
      %parallel_loop3A_389 = arith.muli %parallel_loop3A_387, %parallel_loop3A_388 : i32
      %parallel_loop3A_390 = arith.index_cast %parallel_loop3A_371 : i32 to index
      %parallel_loop3A_391 = arith.index_cast %parallel_loop3A_389 : i32 to index
      %parallel_loop3A_392 = tpu.vector_load %arg5[%parallel_loop3A_390, %parallel_loop3A_391] {strides = array<i32>} : memref<64x512xi32, #tpu.memory_space<vmem>>, vector<16xi32>,
      %parallel_loop3A_393 = arith.constant 16 : i32
      %parallel_loop3A_394 = vector.broadcast %parallel_loop3A_393 : i32 to vector<16xi32>
      %parallel_loop3A_395 = arith.muli %parallel_loop3A_392, %parallel_loop3A_394 : vector<16xi32>
      %parallel_loop3A_396 = arith.addi %parallel_loop3A_395, %iota3A : vector<16xi32>
      tpu.vector_store_idx %arg6[%parallel_loop3A_396], %broadcast_in_dim3A_7 {add = true} : memref<16384xi32, #tpu.memory_space<vmem>>[vector<16xi32>], vector<16xi32>,
    } {sc.loop_unroll_factor = 16 : i64, sc.parallel_access}
    %eq3A = arith.constant 0 : i32
    %eq3A_342 = vector.broadcast %eq3A : i32 to vector<16xi32>
    %eq3A_343 = arith.cmpi eq, %iota3A, %eq3A_342 : vector<16xi32>
    %parallel_loop3A_344 = arith.constant 0 : i32
    %parallel_loop3A_345 = arith.constant 1024 : i32
    %parallel_loop3A_346 = arith.constant 1 : i32
    scf.for %parallel_loop3A_347 = %parallel_loop3A_344 to %parallel_loop3A_345 step %parallel_loop3A_346  : i32 {
      %parallel_loop3A_348 = arith.constant 16 : i32
      %parallel_loop3A_349 = arith.muli %parallel_loop3A_347, %parallel_loop3A_348 : i32
      %parallel_loop3A_350 = arith.index_cast %parallel_loop3A_349 : i32 to index
      %parallel_loop3A_351 = tpu.vector_load %arg6[%parallel_loop3A_350] {strides = array<i32>} : memref<16384xi32, #tpu.memory_space<vmem>>, vector<16xi32>,
      %parallel_loop3A_352 = arith.constant true
      %parallel_loop3A_353 = vector.broadcast %parallel_loop3A_352 : i1 to vector<16xi1>
      %parallel_loop3A_354 = tpu.scan <sum>, %parallel_loop3A_351 masked %parallel_loop3A_353 : vector<16xi32>, vector<16xi1> -> vector<16xi32>
      %parallel_loop3A_355 = vector.extract %parallel_loop3A_354[15] : i32 from vector<16xi32>
      %parallel_loop3A_356 = vector.broadcast %parallel_loop3A_347 : i32 to vector<16xi32>
      %parallel_loop3A_357 = vector.broadcast %parallel_loop3A_355 : i32 to vector<16xi32>
      tpu.vector_store_idx %arg7[%parallel_loop3A_356], %parallel_loop3A_357 masked %eq3A_343 : memref<1024xi32, #tpu.memory_space<vmem>>[vector<16xi32>], vector<16xi32>, vector<16xi1>
    } {sc.loop_unroll_factor = 4 : i64, sc.parallel_access}
    "tpu.region"() ({
      %run_scoped3A = tpu.sem_alloc : memref<!tpu.dma_semaphore, #tpu.memory_space<semaphore_mem>>
      %dma_start3A_347 = arith.constant 0 : i32
      %dma_start3A_348 = tpu.memref_slice %arg3[%add3A, %dma_start3A_347] : memref<32x1024xi32, #tpu.memory_space<hbm>> -> memref<1x1024xi32, #tpu.memory_space<hbm>>
      %dma_start3A_349 = tpu.memref_squeeze %dma_start3A_348 : memref<1x1024xi32, #tpu.memory_space<hbm>> -> memref<1024xi32, #tpu.memory_space<hbm>>
      %dma_start3A_350 = arith.constant 0 : i32
      %dma_start3A_351 = tpu.memref_slice %arg3[%add3A, %dma_start3A_350] : memref<32x1024xi32, #tpu.memory_space<hbm>> -> memref<1x1024xi32, #tpu.memory_space<hbm>>
      %dma_start3A_352 = tpu.memref_squeeze %dma_start3A_351 : memref<1x1024xi32, #tpu.memory_space<hbm>> -> memref<1024xi32, #tpu.memory_space<hbm>>
      tpu.enqueue_dma source(%arg7 : memref<1024xi32, #tpu.memory_space<vmem>>) target(%dma_start3A_352 : memref<1024xi32, #tpu.memory_space<hbm>>) target_semaphore(%run_scoped3A : memref<!tpu.dma_semaphore, #tpu.memory_space<semaphore_mem>>)
      %dma_wait3A_353 = arith.constant 0 : i32
      %dma_wait3A_354 = tpu.memref_slice %arg3[%add3A, %dma_wait3A_353] : memref<32x1024xi32, #tpu.memory_space<hbm>> -> memref<1x1024xi32, #tpu.memory_space<hbm>>
      %dma_wait3A_355 = tpu.memref_squeeze %dma_wait3A_354 : memref<1x1024xi32, #tpu.memory_space<hbm>> -> memref<1024xi32, #tpu.memory_space<hbm>>
      %dma_wait3A_356 = arith.constant 0 : i32
      %dma_wait3A_357 = tpu.memref_slice %arg3[%add3A, %dma_wait3A_356] : memref<32x1024xi32, #tpu.memory_space<hbm>> -> memref<1x1024xi32, #tpu.memory_space<hbm>>
      %dma_wait3A_358 = tpu.memref_squeeze %dma_wait3A_357 : memref<1x1024xi32, #tpu.memory_space<hbm>> -> memref<1024xi32, #tpu.memory_space<hbm>>
      tpu.wait_dma2 semaphore(%run_scoped3A : memref<!tpu.dma_semaphore, #tpu.memory_space<semaphore_mem>>) src(%arg7 : memref<1024xi32, #tpu.memory_space<vmem>>) dst(%dma_wait3A_358 : memref<1024xi32, #tpu.memory_space<hbm>>)
      tpu.yield
    }) : () -> ()
    return
  }
}

module attributes {stable_mosaic.version = 14 : i64} {
  func.func @_tc_style(%arg0: memref<64x256xf32, #tpu.memory_space<vmem>>, %arg1: memref<256x1xf32, #tpu.memory_space<vmem>>, %arg2: memref<1x256xf32, #tpu.memory_space<vmem>>, %arg3: memref<1x1xf32, #tpu.memory_space<vmem>>, %arg4: memref<1x1xf32, #tpu.memory_space<vmem>>, %arg5: memref<64x1xf32, #tpu.memory_space<vmem>>) attributes {dimension_semantics = [], scalar_prefetch = 0 : i64, scratch_operands = 0 : i64, tpu.core_type = #tpu.core_type<tc>} {
    %get3A = arith.constant 0 : index
    %get3A_0 = arith.constant 0 : index
    %get3A_1 = vector.load %arg0[%get3A, %get3A_0] : memref<64x256xf32, #tpu.memory_space<vmem>>, vector<64x256xf32>
    %get3A_2 = arith.constant 0 : index
    %get3A_3 = arith.constant 0 : index
    %get3A_4 = vector.load %arg2[%get3A_2, %get3A_3] : memref<1x256xf32, #tpu.memory_space<vmem>>, vector<1x256xf32>
    %sub3A = vector.broadcast %get3A_4 : vector<1x256xf32> to vector<64x256xf32>
    %sub3A_5 = arith.subf %get3A_1, %sub3A : vector<64x256xf32>
    %get3A_6 = arith.constant 0 : index
    %get3A_7 = arith.constant 0 : index
    %get3A_8 = vector.load %arg1[%get3A_6, %get3A_7] : memref<256x1xf32, #tpu.memory_space<vmem>>, vector<256x1xf32>
    %dot_general3A = arith.constant dense<0.000000e+00> : vector<64x1xf32>
    %dot_general3A_9 = tpu.matmul %sub3A_5, %get3A_8, %dot_general3A {dimension_numbers = #tpu.dot_dimension_numbers<[1], [0], [0], [1], [0, 0, 1, 1], [], []>, precision = #tpu.contract_precision<fp32>, transpose_lhs_hint = false} : vector<64x256xf32>, vector<256x1xf32>, vector<64x1xf32> -> vector<64x1xf32>
    %get3A_10 = arith.constant 0 : index
    %get3A_11 = arith.constant 0 : index
    %get3A_12 = vector.load %arg4[%get3A_10, %get3A_11] : memref<1x1xf32, #tpu.memory_space<vmem>>, vector<1x1xf32>
    %get3A_13 = vector.extract %get3A_12[0, 0] : f32 from vector<1x1xf32>
    %log3A = math.log %get3A_13 : f32
    %add3A = vector.broadcast %log3A : f32 to vector<64x1xf32>
    %add3A_14 = arith.addf %dot_general3A_9, %add3A : vector<64x1xf32>
    %get3A_15 = arith.constant 0 : index
    %get3A_16 = arith.constant 0 : index
    %get3A_17 = vector.load %arg3[%get3A_15, %get3A_16] : memref<1x1xf32, #tpu.memory_space<vmem>>, vector<1x1xf32>
    %get3A_18 = vector.extract %get3A_17[0, 0] : f32 from vector<1x1xf32>
    %add3A_19 = vector.broadcast %get3A_18 : f32 to vector<64x1xf32>
    %add3A_20 = arith.addf %add3A_14, %add3A_19 : vector<64x1xf32>
    %exp3A = math.exp %add3A_20 : vector<64x1xf32>
    %max3A = arith.constant 5.000000e+00 : f32
    %max3A_21 = vector.broadcast %max3A : f32 to vector<64x1xf32>
    %max3A_22 = arith.maximumf %max3A_21, %exp3A : vector<64x1xf32>
    %swap3A = arith.constant 0 : index
    %swap3A_23 = arith.constant 0 : index
    %swap3A_24 = vector.load %arg5[%swap3A, %swap3A_23] : memref<64x1xf32, #tpu.memory_space<vmem>>, vector<64x1xf32>
    tpu.vector_store %arg5[%swap3A, %swap3A_23], %max3A_22 {strides = array<i32>} : memref<64x1xf32, #tpu.memory_space<vmem>>, vector<64x1xf32>,
    return
  }
}

module attributes {stable_mosaic.version = 14 : i64} {
  func.func @_tc_finish(%arg0: memref<32x1024xi32, #tpu.memory_space<vmem>>, %arg1: memref<1x1xf32, #tpu.memory_space<vmem>>, %arg2: memref<1x1024xf32, #tpu.memory_space<vmem>>) attributes {dimension_semantics = [], scalar_prefetch = 0 : i64, scratch_operands = 0 : i64, tpu.core_type = #tpu.core_type<tc>} {
    %get3A = arith.constant 0 : index
    %get3A_0 = arith.constant 0 : index
    %get3A_1 = vector.load %arg0[%get3A, %get3A_0] : memref<32x1024xi32, #tpu.memory_space<vmem>>, vector<32x1024xi32>
    %reduce_sum3A = arith.constant dense<0> : vector<1024xi32>
    %reduce_sum3A_2 = vector.multi_reduction <add>, %get3A_1, %reduce_sum3A [0] : vector<32x1024xi32> to vector<1024xi32>
    %broadcast_in_dim3A = vector.shape_cast %reduce_sum3A_2 : vector<1024xi32> to vector<1x1024xi32>
    %iota3A = tpu.iota {dimensions = array<i32: 1>} : vector<1x1024xi32>
    %ge3A = arith.constant 1 : i32
    %ge3A_3 = vector.broadcast %ge3A : i32 to vector<1x1024xi32>
    %ge3A_4 = arith.cmpi sge, %iota3A, %ge3A_3 : vector<1x1024xi32>
    %lt3A = arith.constant 1000 : i32
    %lt3A_5 = vector.broadcast %lt3A : i32 to vector<1x1024xi32>
    %lt3A_6 = arith.cmpi slt, %iota3A, %lt3A_5 : vector<1x1024xi32>
    %and3A = arith.andi %ge3A_4, %lt3A_6 : vector<1x1024xi1>
    %jit3A = arith.constant 1073741824 : i32
    %broadcast_in_dim3A_7 = vector.broadcast %jit3A : i32 to vector<1x1024xi32>
    %select_n3A = arith.select %and3A, %broadcast_in_dim3A, %broadcast_in_dim3A_7 : vector<1x1024xi1>, vector<1x1024xi32>
    %scan3A = arith.constant 0 : i32
    %scan3A_8 = arith.constant 16777216 : i32
    %scan3A_9 = arith.constant 0 : i32
    %scan3A_10 = arith.constant 25 : i32
    %scan3A_11 = arith.addi %scan3A_9, %scan3A_10 : i32
    %scan3A_12 = arith.constant 1 : i32
    %scan3A_13:2 = scf.for %scan3A_23 = %scan3A_9 to %scan3A_11 step %scan3A_12 iter_args(%scan3A_24 = %scan3A, %scan3A_25 = %scan3A_8) -> (i32, i32)  : i32 {
      %add3A = arith.addi %scan3A_24, %scan3A_25 : i32
      %jit3A_26 = arith.constant 2 : i32
      %div3A_27 = arith.divsi %add3A, %jit3A_26 : i32
      %sign3A = arith.constant 0 : i32
      %sign3A_28 = arith.cmpi sgt, %add3A, %sign3A : i32
      %sign3A_29 = arith.extui %sign3A_28 : i1 to i32
      %sign3A_30 = arith.constant 0 : i32
      %sign3A_31 = arith.cmpi slt, %add3A, %sign3A_30 : i32
      %sign3A_32 = arith.extui %sign3A_31 : i1 to i32
      %sign3A_33 = arith.subi %sign3A_29, %sign3A_32 : i32
      %sign3A_34 = arith.constant 0 : i32
      %sign3A_35 = arith.cmpi sgt, %jit3A_26, %sign3A_34 : i32
      %sign3A_36 = arith.extui %sign3A_35 : i1 to i32
      %sign3A_37 = arith.constant 0 : i32
      %sign3A_38 = arith.cmpi slt, %jit3A_26, %sign3A_37 : i32
      %sign3A_39 = arith.extui %sign3A_38 : i1 to i32
      %sign3A_40 = arith.subi %sign3A_36, %sign3A_39 : i32
      %ne3A = arith.cmpi ne, %sign3A_33, %sign3A_40 : i32
      %rem3A = arith.remsi %add3A, %jit3A_26 : i32
      %ne3A_41 = arith.constant 0 : i32
      %ne3A_42 = arith.cmpi ne, %rem3A, %ne3A_41 : i32
      %and3A_43 = arith.andi %ne3A, %ne3A_42 : i1
      %sub3A = arith.constant 1 : i32
      %sub3A_44 = arith.subi %div3A_27, %sub3A : i32
      %select_n3A_45 = arith.select %and3A_43, %sub3A_44, %div3A_27 : i32
      %le3A = vector.broadcast %select_n3A_45 : i32 to vector<1x1024xi32>
      %le3A_46 = arith.cmpi sle, %select_n3A, %le3A : vector<1x1024xi32>
      %jit3A_47 = arith.constant 1 : i32
      %jit3A_48 = arith.constant 0 : i32
      %broadcast_in_dim3A_49 = vector.broadcast %jit3A_47 : i32 to vector<1x1024xi32>
      %broadcast_in_dim3A_50 = vector.broadcast %jit3A_48 : i32 to vector<1x1024xi32>
      %select_n3A_51 = arith.select %le3A_46, %broadcast_in_dim3A_49, %broadcast_in_dim3A_50 : vector<1x1024xi1>, vector<1x1024xi32>
      %reduce_sum3A_52 = vector.shape_cast %select_n3A_51 : vector<1x1024xi32> to vector<1x1x1024xi32>
      %reduce_sum3A_53 = arith.constant dense<0> : vector<1xi32>
      %reduce_sum3A_54 = vector.multi_reduction <add>, %reduce_sum3A_52, %reduce_sum3A_53 [1, 2] : vector<1x1x1024xi32> to vector<1xi32>
      %reduce_sum3A_55 = vector.shape_cast %reduce_sum3A_54 : vector<1xi32> to vector<1x1x1xi32>
      %reduce_sum3A_56 = vector.extract %reduce_sum3A_55[0, 0, 0] : i32 from vector<1x1x1xi32>
      %ge3A_57 = arith.constant 500 : i32
      %ge3A_58 = arith.cmpi sge, %reduce_sum3A_56, %ge3A_57 : i32
      %add3A_59 = arith.constant 1 : i32
      %add3A_60 = arith.addi %select_n3A_45, %add3A_59 : i32
      %select_n3A_61 = arith.select %ge3A_58, %scan3A_24, %add3A_60 : i32
      %select_n3A_62 = arith.select %ge3A_58, %select_n3A_45, %scan3A_25 : i32
      scf.yield %select_n3A_61, %select_n3A_62 : i32, i32
    }
    %convert_element_type3A = arith.sitofp %scan3A_13#0 : i32 to f32
    %sqrt3A = math.sqrt %convert_element_type3A : f32
    %div3A = arith.constant 0.886226952 : f32
    %div3A_14 = arith.divf %sqrt3A, %div3A : f32
    %broadcast_in_dim3A_15 = vector.broadcast %div3A_14 : f32 to vector<1x1xf32>
    %swap3A = arith.constant 0 : index
    %swap3A_16 = arith.constant 0 : index
    %swap3A_17 = vector.load %arg1[%swap3A, %swap3A_16] : memref<1x1xf32, #tpu.memory_space<vmem>>, vector<1x1xf32>
    tpu.vector_store %arg1[%swap3A, %swap3A_16], %broadcast_in_dim3A_15 {strides = array<i32>} : memref<1x1xf32, #tpu.memory_space<vmem>>, vector<1x1xf32>,
    %convert_element_type3A_18 = arith.sitofp %broadcast_in_dim3A : vector<1x1024xi32> to vector<1x1024xf32>
    %sqrt3A_19 = math.sqrt %convert_element_type3A_18 : vector<1x1024xf32>
    %swap3A_20 = arith.constant 0 : index
    %swap3A_21 = arith.constant 0 : index
    %swap3A_22 = vector.load %arg2[%swap3A_20, %swap3A_21] : memref<1x1024xf32, #tpu.memory_space<vmem>>, vector<1x1024xf32>
    tpu.vector_store %arg2[%swap3A_20, %swap3A_21], %sqrt3A_19 {strides = array<i32>} : memref<1x1024xf32, #tpu.memory_space<vmem>>, vector<1x1024xf32>,
    return
  }
}

</mosaic_0001>

<sc_bundles>
// kernel: kernel.5.cloned.1.call-start
scs
__scs_entry_jumppad:
0x0: {  	(pc) =	sbr.rel $0x88, $3  }
0x1: {  	(tag) =	ssettag $0x0;
	lr =	simm.s32 $0x1  }
0x2: {  	[smem:$0x3F9B] =	sst lr;
	_ =	strace $0xD0000000  }
0x3: {  	_ = 	snop  }
0x4: {  	_ = 	snop  }
0x5: {  	_ = 	snop  }
0x6: {  	_ = 	snop  }
0x7: {  	_ = 	snop  }
__scs_overlays_trampoline_lowered:
0x8: {  	[smem:$0x3FAA] =	sst s0  }
0x9: {  	[smem:$0x3FAB] =	sst s1  }
0xa: {  	[smem:$0x3FAC] =	sst s2  }
0xb: {  	[smem:$0x3FAD] =	sst s3  }
0xc: {  	[smem:$0x3FAE] =	sst s4  }
0xd: {  	[smem:$0x3FAF] =	sst s5  }
0xe: {  	[smem:$0x3FB0] =	sst s6  }
0xf: {  	[smem:$0x3FB1] =	sst s7  }
0x10: {  	[smem:$0x3FB2] =	sst s8  }
0x11: {  	[smem:$0x3FB3] =	sst s9;
	s0 =	simm.s32 @!p0 $0x0  }
0x12: {  	s1 =	sld [smem:$0x3F99];
	s0 =	simm.s32 @p0 $0x1  }
0x13: {  	[smem:$0x3FB4] =	sst s0;
	s0 =	simm.s32 @!p1 $0x0  }
0x14: {  	s2 =	sld [smem:$0x3F98];
	s0 =	simm.s32 @p1 $0x1  }
0x15: {  	[smem:$0x3FB5] =	sst s0;
	s0 =	simm.s32 @!p2 $0x0  }
0x16: {  	s3 =	sld [smem:$0x3FDB];
	s0 =	simm.s32 @p2 $0x1  }
0x17: {  	s4 =	simm.s32 $0x1BF5;
	[smem:$0x3FB7] =	sst s0  }
0x18: {  	s0 =	sld [smem:$0x3F9A];
	_ =	swait.ge [sflag:s4], $0x0  }
0x19: {  	s7 =	sld [smem:$0x3F9B]  }
0x1a: {  	s8 =	sadd.s32 $0xFFFFE003, lr  }
0x1b: {  	s9 =	sadd.s32 $0xFFFFFEF7, lr;
	s5 =	simm.s32 $0xFFFFFFFF;
	p2 =	slt.u32 s8, $0xFFFFF086  }
0x1c: {  	p1 =	slt.u32 s9, $0xF7A;
	s5 =	simm.s32 @!p2 $0x0  }
0x1d: {  	s5 =	simm.s32 @p1 $0x1;
	p0 =	seq.s32 s7, s2  }
0x1e: {  	s7 =	smul.u32 @!p0 $0xF7A, s2;
	p2 =	seq.s32 @!p0 s5, $0x0  }
0x1f: {  	s9 =	smul.u32 $0xF7A, s1;
	s8 =	simm.s32 @!p0 $0x1BF5;
	p2 =	por !p2, p0  }
0x20: {  	[sflag:s8] =	ssyncset.s32 @!p0 $0xFFFFF086;
	s6 =	sadd.s32 @!p0 s3, s7;
	s7 =	simm.s32 @!p0 $0x108  }
0x21: {  	s3 =	sadd.s32 s3, s9;
	s6 =	sadd.s32 @!p0 $0x88, s6;
	s7 =	simm.s32 @p2 $0x1082  }
0x22: {  	[simem:s7], [sflag:s8] =	dma.local @!p0 [hbm:s6], $0xF7A  }
0x23: {  	s9 =	sor.u32 $0xD0000000, s2;
	s6 =	simm.s32 $0x108;
	_ =	swait.ge @!p0 [sflag:s8], $0x0  }
0x24: {  	s3 =	sadd.s32 $0x88, s3;
	s6 =	simm.s32 @!p1 $0x1082;
	[sflag:s4] =	ssyncset.s32 $0xFFFFF086  }
0x25: {  	[simem:s6], [sflag:s4] =	dma.local [hbm:s3], $0xF7A  }
0x26: {  	[smem:$0x3F9B] =	sst s1;
	(tag) =	ssettag s2;
	_ =	strace s9  }
0x27: {  	s1 =	sld [smem:$0x3FAB]  }
0x28: {  	s2 =	sld [smem:$0x3FAC]  }
0x29: {  	s4 =	sld [smem:$0x3FAE]  }
0x2a: {  	p0 =	seq.s32 s5, $0x0;
	s5 =	sld [smem:$0x3FAF]  }
0x2b: {  	s6 =	sld [smem:$0x3FB0]  }
0x2c: {  	s7 =	sld [smem:$0x3FB1]  }
0x2d: {  	s3 =	simm.s32 $0x108;
	s8 =	sld [smem:$0x3FB2]  }
0x2e: {  	s3 =	simm.s32 @!p0 $0x1082;
	s9 =	sld [smem:$0x3FB3]  }
0x2f: {  	lr =	sadd.s32 s0, s3;
	s0 =	sld [smem:$0x3FAA]  }
0x30: {  	s3 =	sld [smem:$0x3FAD]  }
0x31: {  	[smem:$0x3FB6] =	sst s10  }
0x32: {  	s10 =	sld [smem:$0x3FB4];
	_ =	sdelay $0x3  }
0x33: {  	p0 =	seq.s32 s10, $0x1;
	s10 =	sld [smem:$0x3FB6];
	_ =	sdelay $0x3  }
0x34: {  	[smem:$0x3FB6] =	sst s10  }
0x35: {  	s10 =	sld [smem:$0x3FB5];
	_ =	sdelay $0x3  }
0x36: {  	p1 =	seq.s32 s10, $0x1;
	s10 =	sld [smem:$0x3FB6];
	_ =	sdelay $0x3  }
0x37: {  	[smem:$0x3FB6] =	sst s10  }
0x38: {  	s10 =	sld [smem:$0x3FB7]  }
0x39: {  	_ = 	snop;
	(pc) =	sbr.ind lr, $3  }
0x3a: {  	_ = 	snop  }
0x3b: {  	_ = 	snop  }
0x3c: {  	p2 =	seq.s32 s10, $0x1;
	s10 =	sld [smem:$0x3FB6]  }
0x3d: {  	_ =	shalt  }
0x3e: {  	_ =	shalt  }
0x3f: {  	_ =	shalt  }
0x40: {  	_ =	shalt  }
0x41: {  	_ =	shalt  }
0x42: {  	_ =	shalt  }
0x43: {  	_ =	shalt  }
0x44: {  	_ =	shalt  }
0x45: {  	_ =	shalt  }
0x46: {  	_ =	shalt  }
0x47: {  	_ =	shalt  }
0x48: {  	_ =	shalt  }
0x49: {  	_ =	shalt  }
0x4a: {  	_ =	shalt  }
0x4b: {  	_ =	shalt  }
0x4c: {  	_ =	shalt  }
0x4d: {  	_ =	shalt  }
0x4e: {  	_ =	shalt  }
0x4f: {  	_ =	shalt  }
0x50: {  	_ =	shalt  }
0x51: {  	_ =	shalt  }
0x52: {  	_ =	shalt  }
0x53: {  	_ =	shalt  }
0x54: {  	_ =	shalt  }
0x55: {  	_ =	shalt  }
0x56: {  	_ =	shalt  }
0x57: {  	_ =	shalt  }
0x58: {  	_ =	shalt  }
0x59: {  	_ =	shalt  }
0x5a: {  	_ =	shalt  }
0x5b: {  	_ =	shalt  }
0x5c: {  	_ =	shalt  }
0x5d: {  	_ =	shalt  }
0x5e: {  	_ =	shalt  }
0x5f: {  	_ =	shalt  }
0x60: {  	_ =	shalt  }
0x61: {  	_ =	shalt  }
0x62: {  	_ =	shalt  }
0x63: {  	_ =	shalt  }
0x64: {  	_ =	shalt  }
0x65: {  	_ =	shalt  }
0x66: {  	_ =	shalt  }
0x67: {  	_ =	shalt  }
0x68: {  	_ =	shalt  }
0x69: {  	_ =	shalt  }
0x6a: {  	_ =	shalt  }
0x6b: {  	_ =	shalt  }
0x6c: {  	_ =	shalt  }
0x6d: {  	_ =	shalt  }
0x6e: {  	_ =	shalt  }
0x6f: {  	_ =	shalt  }
0x70: {  	_ =	shalt  }
0x71: {  	_ =	shalt  }
0x72: {  	_ =	shalt  }
0x73: {  	_ =	shalt  }
0x74: {  	_ =	shalt  }
0x75: {  	_ =	shalt  }
0x76: {  	_ =	shalt  }
0x77: {  	_ =	shalt  }
0x78: {  	_ =	shalt  }
0x79: {  	_ =	shalt  }
0x7a: {  	_ =	shalt  }
0x7b: {  	_ =	shalt  }
0x7c: {  	_ =	shalt  }
0x7d: {  	_ =	shalt  }
0x7e: {  	_ =	shalt  }
0x7f: {  	_ =	shalt  }
0x80: {  	_ =	shalt  }
0x81: {  	_ =	shalt  }
0x82: {  	_ =	shalt  }
0x83: {  	_ =	shalt  }
0x84: {  	_ =	shalt  }
0x85: {  	_ =	shalt  }
0x86: {  	_ =	shalt  }
0x87: {  	_ =	shalt  }
.Lfunc_end0:
.L_simem_size_0:
called_computation_lowered:
.L_overlay_start_0:
0x88: {  	s2 =	sld [smem:$0x3FD9]  }
0x89: {  	s3 =	sld [smem:$0x3FFE];
	_ =	sdelay $0x1  }
0x8a: {  	s1 =	srdreg.scid  }
0x8b: {  	s0 =	sand.u32 $0x1, s1  }
0x8c: {  	s17 =	sshll.u32 s0, $0xA;
	s2 =	sadd.s32 s3, s2  }
0x8d: {  	s2 =	sadd.s32 s2, s17  }
0x8e: {  	[smem:$0x3FC2] =	sst s2  }
0x8f: {  	_ = 	snop  }
0x90: {  	s2 =	sld [smem:$0x3FC8];
	(tm) =	ssettm $0x1  }
0x91: {  	s18 =	sld [smem:$0x3FFB];
	_ =	sdelay $0x3  }
0x92: {  	_ =	strace s18  }
0x93: {  	s3 =	sld [smem:$0x3FFC];
	_ =	sdelay $0x3  }
0x94: {  	_ =	strace s3  }
0x95: {  	s3 =	sld [smem:$0x3FFD];
	_ =	sdelay $0x3  }
0x96: {  	_ =	strace s3  }
0x97: {  	_ =	strace $0x8FFFFFFF  }
0x98: {  	s19 =	sld [smem:$0x3FDB];
	_ =	sdelay $0x1  }
0x99: {  	s4 =	simm.s32 $_scs_section_size  }
0x9a: {  	s5 =	simm.s32 $_size__tile_overlayer_lowered;
	s6 =	simm.s32 $_tile_overlayer_lowered  }
0x9b: {  	s22 =	simm.s32 $0x1BFF;
	s21 =	sshll.u32 s6, $0x1;
	s3 =	sadd.s32 s4, s19  }
0x9c: {  	s7 =	simm.s32 $0x0;
	s20 =	sshll.u32 s5, $0x1;
	s5 =	sadd.s32 s21, s3  }
0x9d: {  	[timem:s7], [sflag:s22] =	dma.local [hbm:s5], s20  }
0x9e: {  	_ =	swait.ge [sflag:s22], s20  }
0x9f: {  	s4 =	ssub.s32 $0x0, s20;
	[sflag:s22] =	ssyncset.done $0x0  }
0xa0: {  	[sflag:s22] =	ssyncadd.s32 s4;
	_ =	sdelay $0x1  }
0xa1: {  	s23 =	simm.s32 $0x1B8B  }
0xa2: {  	_ =	swait.ge [sflag:s23], $0x1  }
0xa3: {  	[sflag:s23] =	ssyncset.done $0x0  }
0xa4: {  	s25 =	simm.s32 $0x1B8E;
	s24 =	sld [smem:$0x3FFE];
	[sflag:s23] =	ssyncadd.s32 $0xFFFFFFFF  }
0xa5: {  	s26 =	simm.s32 $execute0_lowered;
	[smem:$0x3FD2] =	sst s25  }
0xa6: {  	s5 =	sshll.u32 s26, $0x1;
	_ =	strace $0x80000046;
	[dreg:$0x1] =	wrdreg $0xFFFFFFFF  }
0xa7: {  	s28 =	simm.s32 $_size_execute0_lowered;
	s3 =	sadd.s32 s3, s5;
	[dreg:$0x0] =	wrdreg $0x0  }
0xa8: {  	s5 =	sshll.u32 s28, $0x1;
	[dreg:$0x2] =	wrdreg s3  }
0xa9: {  	[dreg:$0x3] =	wrdreg s5  }
0xaa: {  	[dreg:$0x4] =	wrdreg $0xC0  }
0xab: {  	_ =	task [dreg:s7], $0x5FFFF  }
0xac: {  	[dreg:$0x1] =	wrdreg $0xFFFFFFFF  }
0xad: {  	[dreg:$0x0] =	wrdreg $0x60  }
0xae: {  	[dreg:$0x2] =	wrdreg s2  }
0xaf: {  	[dreg:$0x3] =	wrdreg s24  }
0xb0: {  	[dreg:$0x4] =	wrdreg $0x9  }
0xb1: {  	_ =	task.clear_ibuf [dreg:s7], $0x5FFFF;
	_ =	strace $0x90000046  }
0xb2: {  	s29 =	simm.s32 $0x9;
	_ =	strace $0x80000048  }
0xb3: {  	_ =	swait.ge [sflag:s29], $0x1  }
0xb4: {  	[sflag:s29] =	ssyncadd.s32 $0xFFFFFFFF  }
0xb5: {  	_ =	strace $0x90000048  }
0xb6: {  	_ =	sfence  }
0xb7: {  	s30 =	sld [smem:$0x0];
	_ =	sdelay $0x2  }
0xb8: {  	s31 =	sshll.u32 s1, $0xD;
	s1 =	sshrl.u32 s1, $0x2  }
0xb9: {  	s3 =	sand.u32 $0x4000, s31;
	s1 =	sadd.s32 s1, s30  }
0xba: {  	s0 =	sor.u32 s3, s0;
	s1 =	sshll.u32 s1, $0x11  }
0xbb: {  	s0 =	sor.u32 s1, s0  }
0xbc: {  	s0 =	sadd.s32 $0x8F2B, s0  }
0xbd: {  	[sflag:s0] =	ssyncadd.remote.s32 $0x1  }
0xbe: {  	_ =	sfence.sel $0xFFFF  }
0xbf: {  	[dreg:$0x0] =	wrdreg $0xFFFFFFFF;
	(pc) =	sbr.abs _section_cstart, $3  }
0xc0: {  	[dreg:$0x1] =	wrdreg $0xFFFFFFFF  }
0xc1: {  	_ =	task.clear_ibuf [dreg:s7], $0x2FFFF;
	_ =	strace $0x9FFFFFFF  }
0xc2: {  	(tm) =	ssettm $0x7FFFFFFF  }
0xc3: {  	_ =	shalt  }
tec
execute0_lowered:
.L_overlay_start_1:
0x0: {  	(tag) =	ssettag $0x1  }
0x1: {  	s0 =	rddreg [dreg:$0x0]  }
0x2: {  	s1 =	rddreg [dreg:$0x1];
	s2 =	simm.s32 $0x0  }
0x3: {  	s5 =	stileid.u32;
	s3 =	srdreg.scid;
	s21 =	simm.s32 $0x8000  }
0x4: {  	s22 =	simm.s32 $0x1;
	s23 =	simm.s32 $0x10000;
	s29 =	simm.s32 $0x3  }
0x5: {  	[smem:$0x7FF] =	sst s2;
	s3 =	sand.u32 $0x1, s3;
	s4 =	sshll.u32 s5, $0x1  }
0x6: {  	s24 =	sshll.u32 s5, $0x8;
	_ =	strace $0x80000047;
	s13 =	sor.u32 s3, s4  }
0x7: {  	s25 =	ssub.s32 $0x2, s3;
	s4 =	sand.u32 $0xC00, s24;
	s24 =	simm.s32 $0x2  }
0x8: {  	s26 =	sshll.u32 s13, $0x10;
	s6 =	sshrl.u32 s25, $0x1;
	s28 =	sadd.s32 s4, s1  }
0x9: {  	s15 =	sshll.u32 s13, $0x4;
	s3 =	sadd.s32 s0, s26;
	s30 =	ssub.s32 s25, s6  }
0xa: {  	s17 =	sand.u32 $0x70, s15;
	s25 =	simm.s32 $0x14000;
	s31 =	sadd.s32 $0x1000, s3  }
0xb: {  	s5 =	sadd.s32 $0x2000, s3;
	s6 =	sadd.s32 $0x3000, s3;
	s7 =	sadd.s32 $0x4000, s3  }
0xc: {  	s8 =	sadd.s32 $0x5000, s3;
	s9 =	sadd.s32 $0x6000, s3;
	s10 =	sadd.s32 $0x7000, s3  }
0xd: {  	s11 =	sadd.s32 $0x8000, s3;
	s12 =	sadd.s32 $0x9000, s3;
	s13 =	sadd.s32 $0xA000, s3  }
0xe: {  	s14 =	sadd.s32 $0xB000, s3;
	s15 =	sadd.s32 $0xC000, s3;
	s16 =	sadd.s32 $0xD000, s3  }
0xf: {  	s0 =	sadd.s32 s17, s28;
	s17 =	sadd.s32 $0xE000, s3;
	s18 =	sadd.s32 $0xF000, s3  }
0x10: {  	v0 =	vimm.s32 $0x0;
	v1 =	vlaneseq.u32;
	v2 =	vimm.s32 $0x1;
	s20 =	smax.u32 s30, $0x1;
	[dreg:$0x3] =	wrdreg s31;
	s19 =	sadd.s32 $0xA00, s0  }
.LBB2_1:
0x11: {  	s0 =	simm.s32 $0x10040  }
0x12: {  	[tilespmem:s0+$0xFFFFFFC0] =	vst v0  }
0x13: {  	[tilespmem:s0+$0x30] =	vst v0  }
0x14: {  	[tilespmem:s0+$0x20] =	vst v0  }
0x15: {  	[tilespmem:s0+$0x10] =	vst v0  }
0x16: {  	[tilespmem:s0+$0x0] =	vst v0  }
0x17: {  	[tilespmem:s0+$0xFFFFFFF0] =	vst v0  }
0x18: {  	s1 =	simm.s32 $0x0;
	[tilespmem:s0+$0xFFFFFFE0] =	vst v0  }
.LBB2_2:
0x19: {  	s1 =	sadd.s32 $0x8, s1;
	[tilespmem:s0+$0xFFFFFFD0] =	vst v0;
	s0 =	sadd.s32 $0x80, s0  }
0x1a: {  	[tilespmem:s0+$0xFFFFFFC0] =	vst v0;
	p0 =	slt.u32 s1, $0x3F8  }
0x1b: {  	[tilespmem:s0+$0x30] =	vst v0  }
.Ltmp0:
0x1c: {  	[tilespmem:s0+$0x20] =	vst v0;
	(pc) =	sbr.rel @p0 .LBB2_2-.Ltmp0, $4  }
0x1d: {  	[tilespmem:s0+$0x10] =	vst v0  }
0x1e: {  	[tilespmem:s0+$0x0] =	vst v0  }
0x1f: {  	[tilespmem:s0+$0xFFFFFFF0] =	vst v0  }
0x20: {  	[tilespmem:s0+$0xFFFFFFE0] =	vst v0  }
0x21: {  	[tilespmem:s0+$0xFFFFFFD0] =	vst v0;
	s30 =	simm.s32 $0x0  }
0x22: {  	[tilespmem:s30], [sflag:$0x1] =	stream.linear.gather [hbm4b:s3+s30], $0x8000, $0x38;
	[tilespmem:$0x14400] =	vst v63  }
0x23: {  	s31 =	simm.s32 $0x0;
	s0 =	rddreg [dreg:$0x3];
	s1 =	sand.u32 $0x800, s30  }
0x24: {  	[tilespmem:s21], [sflag:$0x2] =	stream.linear.gather [hbm4b:s0+s30], $0x8000, $0x38;
	[tilespmem:$0x14400] =	vst v63  }
0x25: {  	s0 =	sand.u32 $0x7000, s31;
	s31 =	simm.s32 $0x0;
	_ =	swait.ge [sflag:s22], $0x8000  }
0x26: {  	s31 =	sand.u32 $0x380, s31;
	s0 =	sor.u32 s1, s0;
	[sflag:s22] =	ssyncset.done $0x0  }
0x27: {  	s0 =	sor.u32 s31, s0;
	[sflag:s22] =	ssyncadd.s32 $0xFFFF8000  }
0x28: {  	v3 =	vld [tilespmem:s0+$0x470]  }
0x29: {  	v4 =	vld [tilespmem:s0+$0x0]  }
0x2a: {  	v5 =	vld [tilespmem:s0+$0x10]  }
0x2b: {  	v6 =	vld [tilespmem:s0+$0x20]  }
0x2c: {  	v7 =	vld [tilespmem:s0+$0x30]  }
0x2d: {  	v8 =	vld [tilespmem:s0+$0x40]  }
0x2e: {  	v9 =	vld [tilespmem:s0+$0x50];
	v3 =	vshll.u32 v3, $0x4  }
0x2f: {  	v10 =	vld [tilespmem:s0+$0x60];
	v3 =	vor.u32 v1, v3  }
0x30: {  	v11 =	vld [tilespmem:s0+$0x70]  }
0x31: {  	v12 =	vld [tilespmem:s0+$0x400]  }
0x32: {  	v13 =	vld [tilespmem:s0+$0x410]  }
0x33: {  	v14 =	vld [tilespmem:s0+$0x430];
	v4 =	vshll.u32 v4, $0x4  }
0x34: {  	v6 =	vshll.u32 v6, $0x4;
	[tilespmem:v3+s23+$0x0] =	vst.idx.add.s32.msk $0xffff, v2;
	v3 =	vor.u32 v1, v4  }
0x35: {  	v15 =	vld [tilespmem:s0+$0x440];
	v6 =	vor.u32 v1, v6;
	v4 =	vshll.u32 v5, $0x4  }
0x36: {  	v16 =	vld [tilespmem:s0+$0x450];
	v7 =	vshll.u32 v7, $0x4;
	v4 =	vor.u32 v1, v4  }
0x37: {  	v17 =	vld [tilespmem:s0+$0x460];
	v8 =	vshll.u32 v8, $0x4;
	v7 =	vor.u32 v1, v7  }
0x38: {  	v10 =	vshll.u32 v10, $0x4;
	v8 =	vor.u32 v1, v8;
	v5 =	vld [tilespmem:s0+$0x420]  }
0x39: {  	v9 =	vshll.u32 v9, $0x4;
	[tilespmem:v3+s23+$0x0] =	vst.idx.add.s32.msk $0xffff, v2;
	v3 =	vor.u32 v1, v10  }
0x3a: {  	v62 =	vshll.u32 v11, $0x4;
	v9 =	vor.u32 v1, v9;
	[tilespmem:v6+s23+$0x0] =	vst.idx.add.s32.msk $0xffff, v2  }
0x3b: {  	v10 =	vor.u32 v1, v62;
	[tilespmem:v4+s23+$0x0] =	vst.idx.add.s32.msk $0xffff, v2;
	v4 =	vshll.u32 v12, $0x4  }
0x3c: {  	[tilespmem:v7+s23+$0x0] =	vst.idx.add.s32.msk $0xffff, v2;
	v6 =	vor.u32 v1, v4;
	v4 =	vshll.u32 v13, $0x4  }
0x3d: {  	[tilespmem:v8+s23+$0x0] =	vst.idx.add.s32.msk $0xffff, v2;
	v63 =	vor.u32 v1, v4;
	v4 =	vshll.u32 v5, $0x4  }
0x3e: {  	v5 =	vshll.u32 v14, $0x4;
	[tilespmem:v3+s23+$0x0] =	vst.idx.add.s32.msk $0xffff, v2;
	v3 =	vor.u32 v1, v4  }
0x3f: {  	[tilespmem:v9+s23+$0x0] =	vst.idx.add.s32.msk $0xffff, v2;
	v4 =	vor.u32 v1, v5;
	v5 =	vshll.u32 v15, $0x4  }
0x40: {  	v7 =	vshll.u32 v16, $0x4;
	[tilespmem:v10+s23+$0x0] =	vst.idx.add.s32.msk $0xffff, v2;
	v5 =	vor.u32 v1, v5  }
0x41: {  	v8 =	vshll.u32 v17, $0x4;
	[tilespmem:v6+s23+$0x0] =	vst.idx.add.s32.msk $0xffff, v2;
	v6 =	vor.u32 v1, v7  }
0x42: {  	s0 =	simm.s32 $0x0;
	v7 =	vor.u32 v1, v8;
	[tilespmem:v63+s23+$0x0] =	vst.idx.add.s32.msk $0xffff, v2  }
.LBB2_4:
0x43: {  	s0 =	sadd.s32 $0x10, s0;
	[tilespmem:v3+s23+$0x0] =	vst.idx.add.s32.msk $0xffff, v2  }
0x44: {  	s30 =	sadd.s32 $0x800, s30;
	s1 =	sshll.u32 s0, $0x4;
	p0 =	slt.u32 s0, $0x7F0;
	[tilespmem:v4+s23+$0x0] =	vst.idx.add.s32.msk $0xffff, v2  }
0x45: {  	s31 =	sand.u32 $0x800, s30;
	s26 =	sshll.u32 s0, $0x2;
	s1 =	sand.u32 $0x7000, s1;
	[tilespmem:v5+s23+$0x0] =	vst.idx.add.s32.msk $0xffff, v2  }
0x46: {  	s26 =	sand.u32 $0x380, s26;
	s1 =	sor.u32 s31, s1;
	[tilespmem:v6+s23+$0x0] =	vst.idx.add.s32.msk $0xffff, v2  }
0x47: {  	s1 =	sor.u32 s26, s1;
	[tilespmem:v7+s23+$0x0] =	vst.idx.add.s32.msk $0xffff, v2  }
0x48: {  	v3 =	vld [tilespmem:s1+$0x470]  }
0x49: {  	v4 =	vld [tilespmem:s1+$0x0]  }
0x4a: {  	v5 =	vld [tilespmem:s1+$0x10]  }
0x4b: {  	v6 =	vld [tilespmem:s1+$0x20]  }
0x4c: {  	v7 =	vld [tilespmem:s1+$0x30]  }
0x4d: {  	v8 =	vld [tilespmem:s1+$0x40];
	v3 =	vshll.u32 v3, $0x4  }
0x4e: {  	v4 =	vshll.u32 v4, $0x4;
	v9 =	vld [tilespmem:s1+$0x50];
	v3 =	vor.u32 v1, v3  }
0x4f: {  	v4 =	vor.u32 v1, v4;
	v5 =	vshll.u32 v5, $0x4;
	v10 =	vld [tilespmem:s1+$0x60]  }
0x50: {  	v5 =	vor.u32 v1, v5;
	v6 =	vshll.u32 v6, $0x4;
	v11 =	vld [tilespmem:s1+$0x70]  }
0x51: {  	v6 =	vor.u32 v1, v6;
	v7 =	vshll.u32 v7, $0x4;
	v12 =	vld [tilespmem:s1+$0x400]  }
0x52: {  	v7 =	vor.u32 v1, v7;
	v8 =	vshll.u32 v8, $0x4;
	v13 =	vld [tilespmem:s1+$0x410]  }
0x53: {  	v8 =	vor.u32 v1, v8;
	v9 =	vshll.u32 v9, $0x4;
	[tilespmem:v3+s23+$0x0] =	vst.idx.add.s32.msk $0xffff, v2  }
0x54: {  	v9 =	vor.u32 v1, v9;
	v3 =	vshll.u32 v10, $0x4;
	v10 =	vld [tilespmem:s1+$0x420]  }
0x55: {  	v14 =	vor.u32 v1, v3;
	v3 =	vshll.u32 v11, $0x4;
	v11 =	vld [tilespmem:s1+$0x430]  }
0x56: {  	v15 =	vor.u32 v1, v3;
	v3 =	vshll.u32 v12, $0x4;
	v12 =	vld [tilespmem:s1+$0x440]  }
0x57: {  	v16 =	vor.u32 v1, v3;
	v3 =	vshll.u32 v13, $0x4;
	v13 =	vld [tilespmem:s1+$0x450]  }
0x58: {  	v17 =	vor.u32 v1, v3;
	v18 =	vld [tilespmem:s1+$0x460]  }
0x59: {  	[tilespmem:v4+s23+$0x0] =	vst.idx.add.s32.msk $0xffff, v2;
	v3 =	vshll.u32 v10, $0x4  }
0x5a: {  	[tilespmem:v5+s23+$0x0] =	vst.idx.add.s32.msk $0xffff, v2;
	v3 =	vor.u32 v1, v3;
	v4 =	vshll.u32 v11, $0x4  }
0x5b: {  	[tilespmem:v6+s23+$0x0] =	vst.idx.add.s32.msk $0xffff, v2;
	v4 =	vor.u32 v1, v4;
	v5 =	vshll.u32 v12, $0x4  }
0x5c: {  	[tilespmem:v7+s23+$0x0] =	vst.idx.add.s32.msk $0xffff, v2;
	v5 =	vor.u32 v1, v5;
	v6 =	vshll.u32 v13, $0x4  }
0x5d: {  	[tilespmem:v8+s23+$0x0] =	vst.idx.add.s32.msk $0xffff, v2;
	v6 =	vor.u32 v1, v6;
	v7 =	vshll.u32 v18, $0x4  }
.Ltmp1:
0x5e: {  	[tilespmem:v9+s23+$0x0] =	vst.idx.add.s32.msk $0xffff, v2;
	v7 =	vor.u32 v1, v7;
	(pc) =	sbr.rel @p0 .LBB2_4-.Ltmp1, $4  }
0x5f: {  	[tilespmem:v14+s23+$0x0] =	vst.idx.add.s32.msk $0xffff, v2  }
0x60: {  	[tilespmem:v15+s23+$0x0] =	vst.idx.add.s32.msk $0xffff, v2  }
0x61: {  	[tilespmem:v16+s23+$0x0] =	vst.idx.add.s32.msk $0xffff, v2  }
0x62: {  	[tilespmem:v17+s23+$0x0] =	vst.idx.add.s32.msk $0xffff, v2  }
0x63: {  	_ =	sdelay $0x3  }
0x64: {  	[tilespmem:v3+s23+$0x0] =	vst.idx.add.s32.msk $0xffff, v2  }
0x65: {  	[tilespmem:v4+s23+$0x0] =	vst.idx.add.s32.msk $0xffff, v2  }
0x66: {  	[tilespmem:v5+s23+$0x0] =	vst.idx.add.s32.msk $0xffff, v2  }
0x67: {  	[tilespmem:v6+s23+$0x0] =	vst.idx.add.s32.msk $0xffff, v2  }
0x68: {  	[tilespmem:v7+s23+$0x0] =	vst.idx.add.s32.msk $0xffff, v2;
	s30 =	simm.s32 $0x0;
	s0 =	simm.s32 $0x0;
	s26 =	simm.s32 $0x0  }
0x69: {  	[tilespmem:s30], [sflag:$0x1] =	stream.linear.gather [hbm4b:s5+s30], $0x8000, $0x38;
	[tilespmem:$0x14400] =	vst v63  }
0x6a: {  	s0 =	sand.u32 $0x7000, s0;
	s1 =	sand.u32 $0x800, s30;
	_ =	swait.ge [sflag:s24], $0x8000  }
0x6b: {  	s26 =	sand.u32 $0x380, s26;
	s0 =	sor.u32 s1, s0;
	[sflag:s24] =	ssyncset.done $0x0  }
0x6c: {  	s0 =	sor.u32 s26, s0;
	[sflag:s24] =	ssyncadd.s32 $0xFFFF8000  }
0x6d: {  	v3 =	vld [tilespmem:s0+$0x8470]  }
0x6e: {  	v4 =	vld [tilespmem:s0+$0x8000]  }
0x6f: {  	v5 =	vld [tilespmem:s0+$0x8010]  }
0x70: {  	v6 =	vld [tilespmem:s0+$0x8020]  }
0x71: {  	v7 =	vld [tilespmem:s0+$0x8030]  }
0x72: {  	v8 =	vld [tilespmem:s0+$0x8040]  }
0x73: {  	v9 =	vld [tilespmem:s0+$0x8050];
	v3 =	vshll.u32 v3, $0x4  }
0x74: {  	v10 =	vld [tilespmem:s0+$0x8060];
	v3 =	vor.u32 v1, v3  }
0x75: {  	v11 =	vld [tilespmem:s0+$0x8070]  }
0x76: {  	v12 =	vld [tilespmem:s0+$0x8400]  }
0x77: {  	v13 =	vld [tilespmem:s0+$0x8410]  }
0x78: {  	v14 =	vld [tilespmem:s0+$0x8430];
	v4 =	vshll.u32 v4, $0x4  }
0x79: {  	v6 =	vshll.u32 v6, $0x4;
	[tilespmem:v3+s23+$0x0] =	vst.idx.add.s32.msk $0xffff, v2;
	v3 =	vor.u32 v1, v4  }
0x7a: {  	v15 =	vld [tilespmem:s0+$0x8440];
	v6 =	vor.u32 v1, v6;
	v4 =	vshll.u32 v5, $0x4  }
0x7b: {  	v16 =	vld [tilespmem:s0+$0x8450];
	v7 =	vshll.u32 v7, $0x4;
	v4 =	vor.u32 v1, v4  }
0x7c: {  	v17 =	vld [tilespmem:s0+$0x8460];
	v8 =	vshll.u32 v8, $0x4;
	v7 =	vor.u32 v1, v7  }
0x7d: {  	v10 =	vshll.u32 v10, $0x4;
	v8 =	vor.u32 v1, v8;
	v5 =	vld [tilespmem:s0+$0x8420]  }
0x7e: {  	v9 =	vshll.u32 v9, $0x4;
	[tilespmem:v3+s23+$0x0] =	vst.idx.add.s32.msk $0xffff, v2;
	v3 =	vor.u32 v1, v10  }
0x7f: {  	v62 =	vshll.u32 v11, $0x4;
	v9 =	vor.u32 v1, v9;
	[tilespmem:v6+s23+$0x0] =	vst.idx.add.s32.msk $0xffff, v2  }
0x80: {  	v10 =	vor.u32 v1, v62;
	[tilespmem:v4+s23+$0x0] =	vst.idx.add.s32.msk $0xffff, v2;
	v4 =	vshll.u32 v12, $0x4  }
0x81: {  	[tilespmem:v7+s23+$0x0] =	vst.idx.add.s32.msk $0xffff, v2;
	v6 =	vor.u32 v1, v4;
	v4 =	vshll.u32 v13, $0x4  }
0x82: {  	[tilespmem:v8+s23+$0x0] =	vst.idx.add.s32.msk $0xffff, v2;
	v63 =	vor.u32 v1, v4;
	v4 =	vshll.u32 v5, $0x4  }
0x83: {  	v5 =	vshll.u32 v14, $0x4;
	[tilespmem:v3+s23+$0x0] =	vst.idx.add.s32.msk $0xffff, v2;
	v3 =	vor.u32 v1, v4  }
0x84: {  	[tilespmem:v9+s23+$0x0] =	vst.idx.add.s32.msk $0xffff, v2;
	v4 =	vor.u32 v1, v5;
	v5 =	vshll.u32 v15, $0x4  }
0x85: {  	v7 =	vshll.u32 v16, $0x4;
	[tilespmem:v10+s23+$0x0] =	vst.idx.add.s32.msk $0xffff, v2;
	v5 =	vor.u32 v1, v5  }
0x86: {  	v8 =	vshll.u32 v17, $0x4;
	[tilespmem:v6+s23+$0x0] =	vst.idx.add.s32.msk $0xffff, v2;
	v6 =	vor.u32 v1, v7  }
0x87: {  	s0 =	simm.s32 $0x0;
	v7 =	vor.u32 v1, v8;
	[tilespmem:v63+s23+$0x0] =	vst.idx.add.s32.msk $0xffff, v2  }
.LBB2_6:
0x88: {  	s0 =	sadd.s32 $0x10, s0;
	[tilespmem:v3+s23+$0x0] =	vst.idx.add.s32.msk $0xffff, v2  }
0x89: {  	s30 =	sadd.s32 $0x800, s30;
	s1 =	sshll.u32 s0, $0x4;
	p0 =	slt.u32 s0, $0x7F0;
	[tilespmem:v4+s23+$0x0] =	vst.idx.add.s32.msk $0xffff, v2  }
0x8a: {  	s26 =	sand.u32 $0x800, s30;
	s31 =	sshll.u32 s0, $0x2;
	s1 =	sand.u32 $0x7000, s1;
	[tilespmem:v5+s23+$0x0] =	vst.idx.add.s32.msk $0xffff, v2  }
0x8b: {  	s31 =	sand.u32 $0x380, s31;
	s1 =	sor.u32 s26, s1;
	[tilespmem:v6+s23+$0x0] =	vst.idx.add.s32.msk $0xffff, v2  }
0x8c: {  	s1 =	sor.u32 s31, s1;
	[tilespmem:v7+s23+$0x0] =	vst.idx.add.s32.msk $0xffff, v2  }
0x8d: {  	v3 =	vld [tilespmem:s1+$0x8470]  }
0x8e: {  	v4 =	vld [tilespmem:s1+$0x8000]  }
0x8f: {  	v5 =	vld [tilespmem:s1+$0x8010]  }
0x90: {  	v6 =	vld [tilespmem:s1+$0x8020]  }
0x91: {  	v7 =	vld [tilespmem:s1+$0x8030]  }
0x92: {  	v8 =	vld [tilespmem:s1+$0x8040];
	v3 =	vshll.u32 v3, $0x4  }
0x93: {  	v4 =	vshll.u32 v4, $0x4;
	v9 =	vld [tilespmem:s1+$0x8050];
	v3 =	vor.u32 v1, v3  }
0x94: {  	v4 =	vor.u32 v1, v4;
	v5 =	vshll.u32 v5, $0x4;
	v10 =	vld [tilespmem:s1+$0x8060]  }
0x95: {  	v5 =	vor.u32 v1, v5;
	v6 =	vshll.u32 v6, $0x4;
	v11 =	vld [tilespmem:s1+$0x8070]  }
0x96: {  	v6 =	vor.u32 v1, v6;
	v7 =	vshll.u32 v7, $0x4;
	v12 =	vld [tilespmem:s1+$0x8400]  }
0x97: {  	v7 =	vor.u32 v1, v7;
	v8 =	vshll.u32 v8, $0x4;
	v13 =	vld [tilespmem:s1+$0x8410]  }
0x98: {  	v8 =	vor.u32 v1, v8;
	v9 =	vshll.u32 v9, $0x4;
	[tilespmem:v3+s23+$0x0] =	vst.idx.add.s32.msk $0xffff, v2  }
0x99: {  	v9 =	vor.u32 v1, v9;
	v3 =	vshll.u32 v10, $0x4;
	v10 =	vld [tilespmem:s1+$0x8420]  }
0x9a: {  	v14 =	vor.u32 v1, v3;
	v3 =	vshll.u32 v11, $0x4;
	v11 =	vld [tilespmem:s1+$0x8430]  }
0x9b: {  	v15 =	vor.u32 v1, v3;
	v3 =	vshll.u32 v12, $0x4;
	v12 =	vld [tilespmem:s1+$0x8440]  }
0x9c: {  	v16 =	vor.u32 v1, v3;
	v3 =	vshll.u32 v13, $0x4;
	v13 =	vld [tilespmem:s1+$0x8450]  }
0x9d: {  	v17 =	vor.u32 v1, v3;
	v18 =	vld [tilespmem:s1+$0x8460]  }
0x9e: {  	[tilespmem:v4+s23+$0x0] =	vst.idx.add.s32.msk $0xffff, v2;
	v3 =	vshll.u32 v10, $0x4  }
0x9f: {  	[tilespmem:v5+s23+$0x0] =	vst.idx.add.s32.msk $0xffff, v2;
	v3 =	vor.u32 v1, v3;
	v4 =	vshll.u32 v11, $0x4  }
0xa0: {  	[tilespmem:v6+s23+$0x0] =	vst.idx.add.s32.msk $0xffff, v2;
	v4 =	vor.u32 v1, v4;
	v5 =	vshll.u32 v12, $0x4  }
0xa1: {  	[tilespmem:v7+s23+$0x0] =	vst.idx.add.s32.msk $0xffff, v2;
	v5 =	vor.u32 v1, v5;
	v6 =	vshll.u32 v13, $0x4  }
0xa2: {  	[tilespmem:v8+s23+$0x0] =	vst.idx.add.s32.msk $0xffff, v2;
	v6 =	vor.u32 v1, v6;
	v7 =	vshll.u32 v18, $0x4  }
.Ltmp2:
0xa3: {  	[tilespmem:v9+s23+$0x0] =	vst.idx.add.s32.msk $0xffff, v2;
	v7 =	vor.u32 v1, v7;
	(pc) =	sbr.rel @p0 .LBB2_6-.Ltmp2, $4  }
0xa4: {  	[tilespmem:v14+s23+$0x0] =	vst.idx.add.s32.msk $0xffff, v2  }
0xa5: {  	[tilespmem:v15+s23+$0x0] =	vst.idx.add.s32.msk $0xffff, v2  }
0xa6: {  	[tilespmem:v16+s23+$0x0] =	vst.idx.add.s32.msk $0xffff, v2  }
0xa7: {  	[tilespmem:v17+s23+$0x0] =	vst.idx.add.s32.msk $0xffff, v2  }
0xa8: {  	_ =	sdelay $0x3  }
0xa9: {  	[tilespmem:v3+s23+$0x0] =	vst.idx.add.s32.msk $0xffff, v2  }
0xaa: {  	[tilespmem:v4+s23+$0x0] =	vst.idx.add.s32.msk $0xffff, v2  }
0xab: {  	[tilespmem:v5+s23+$0x0] =	vst.idx.add.s32.msk $0xffff, v2  }
0xac: {  	[tilespmem:v6+s23+$0x0] =	vst.idx.add.s32.msk $0xffff, v2  }
0xad: {  	[tilespmem:v7+s23+$0x0] =	vst.idx.add.s32.msk $0xffff, v2;
	s30 =	simm.s32 $0x0;
	s0 =	simm.s32 $0x0;
	s26 =	simm.s32 $0x0  }
0xae: {  	[tilespmem:s21], [sflag:$0x2] =	stream.linear.gather [hbm4b:s6+s30], $0x8000, $0x38;
	[tilespmem:$0x14400] =	vst v63  }
0xaf: {  	s0 =	sand.u32 $0x7000, s0;
	s1 =	sand.u32 $0x800, s30;
	_ =	swait.ge [sflag:s22], $0x8000  }
0xb0: {  	s26 =	sand.u32 $0x380, s26;
	s0 =	sor.u32 s1, s0;
	[sflag:s22] =	ssyncset.done $0x0  }
0xb1: {  	s0 =	sor.u32 s26, s0;
	[sflag:s22] =	ssyncadd.s32 $0xFFFF8000  }
0xb2: {  	v3 =	vld [tilespmem:s0+$0x470]  }
0xb3: {  	v4 =	vld [tilespmem:s0+$0x0]  }
0xb4: {  	v5 =	vld [tilespmem:s0+$0x10]  }
0xb5: {  	v6 =	vld [tilespmem:s0+$0x20]  }
0xb6: {  	v7 =	vld [tilespmem:s0+$0x30]  }
0xb7: {  	v8 =	vld [tilespmem:s0+$0x40]  }
0xb8: {  	v9 =	vld [tilespmem:s0+$0x50];
	v3 =	vshll.u32 v3, $0x4  }
0xb9: {  	v10 =	vld [tilespmem:s0+$0x60];
	v3 =	vor.u32 v1, v3  }
0xba: {  	v11 =	vld [tilespmem:s0+$0x70]  }
0xbb: {  	v12 =	vld [tilespmem:s0+$0x400]  }
0xbc: {  	v13 =	vld [tilespmem:s0+$0x410]  }
0xbd: {  	v14 =	vld [tilespmem:s0+$0x430];
	v4 =	vshll.u32 v4, $0x4  }
0xbe: {  	v6 =	vshll.u32 v6, $0x4;
	[tilespmem:v3+s23+$0x0] =	vst.idx.add.s32.msk $0xffff, v2;
	v3 =	vor.u32 v1, v4  }
0xbf: {  	v15 =	vld [tilespmem:s0+$0x440];
	v6 =	vor.u32 v1, v6;
	v4 =	vshll.u32 v5, $0x4  }
0xc0: {  	v16 =	vld [tilespmem:s0+$0x450];
	v7 =	vshll.u32 v7, $0x4;
	v4 =	vor.u32 v1, v4  }
0xc1: {  	v17 =	vld [tilespmem:s0+$0x460];
	v8 =	vshll.u32 v8, $0x4;
	v7 =	vor.u32 v1, v7  }
0xc2: {  	v10 =	vshll.u32 v10, $0x4;
	v8 =	vor.u32 v1, v8;
	v5 =	vld [tilespmem:s0+$0x420]  }
0xc3: {  	v9 =	vshll.u32 v9, $0x4;
	[tilespmem:v3+s23+$0x0] =	vst.idx.add.s32.msk $0xffff, v2;
	v3 =	vor.u32 v1, v10  }
0xc4: {  	v62 =	vshll.u32 v11, $0x4;
	v9 =	vor.u32 v1, v9;
	[tilespmem:v6+s23+$0x0] =	vst.idx.add.s32.msk $0xffff, v2  }
0xc5: {  	v10 =	vor.u32 v1, v62;
	[tilespmem:v4+s23+$0x0] =	vst.idx.add.s32.msk $0xffff, v2;
	v4 =	vshll.u32 v12, $0x4  }
0xc6: {  	[tilespmem:v7+s23+$0x0] =	vst.idx.add.s32.msk $0xffff, v2;
	v6 =	vor.u32 v1, v4;
	v4 =	vshll.u32 v13, $0x4  }
0xc7: {  	[tilespmem:v8+s23+$0x0] =	vst.idx.add.s32.msk $0xffff, v2;
	v63 =	vor.u32 v1, v4;
	v4 =	vshll.u32 v5, $0x4  }
0xc8: {  	v5 =	vshll.u32 v14, $0x4;
	[tilespmem:v3+s23+$0x0] =	vst.idx.add.s32.msk $0xffff, v2;
	v3 =	vor.u32 v1, v4  }
0xc9: {  	[tilespmem:v9+s23+$0x0] =	vst.idx.add.s32.msk $0xffff, v2;
	v4 =	vor.u32 v1, v5;
	v5 =	vshll.u32 v15, $0x4  }
0xca: {  	v7 =	vshll.u32 v16, $0x4;
	[tilespmem:v10+s23+$0x0] =	vst.idx.add.s32.msk $0xffff, v2;
	v5 =	vor.u32 v1, v5  }
0xcb: {  	v8 =	vshll.u32 v17, $0x4;
	[tilespmem:v6+s23+$0x0] =	vst.idx.add.s32.msk $0xffff, v2;
	v6 =	vor.u32 v1, v7  }
0xcc: {  	s0 =	simm.s32 $0x0;
	v7 =	vor.u32 v1, v8;
	[tilespmem:v63+s23+$0x0] =	vst.idx.add.s32.msk $0xffff, v2  }
.LBB2_8:
0xcd: {  	s0 =	sadd.s32 $0x10, s0;
	[tilespmem:v3+s23+$0x0] =	vst.idx.add.s32.msk $0xffff, v2  }
0xce: {  	s30 =	sadd.s32 $0x800, s30;
	s1 =	sshll.u32 s0, $0x4;
	p0 =	slt.u32 s0, $0x7F0;
	[tilespmem:v4+s23+$0x0] =	vst.idx.add.s32.msk $0xffff, v2  }
0xcf: {  	s26 =	sand.u32 $0x800, s30;
	s31 =	sshll.u32 s0, $0x2;
	s1 =	sand.u32 $0x7000, s1;
	[tilespmem:v5+s23+$0x0] =	vst.idx.add.s32.msk $0xffff, v2  }
0xd0: {  	s31 =	sand.u32 $0x380, s31;
	s1 =	sor.u32 s26, s1;
	[tilespmem:v6+s23+$0x0] =	vst.idx.add.s32.msk $0xffff, v2  }
0xd1: {  	s1 =	sor.u32 s31, s1;
	[tilespmem:v7+s23+$0x0] =	vst.idx.add.s32.msk $0xffff, v2  }
0xd2: {  	v3 =	vld [tilespmem:s1+$0x470]  }
0xd3: {  	v4 =	vld [tilespmem:s1+$0x0]  }
0xd4: {  	v5 =	vld [tilespmem:s1+$0x10]  }
0xd5: {  	v6 =	vld [tilespmem:s1+$0x20]  }
0xd6: {  	v7 =	vld [tilespmem:s1+$0x30]  }
0xd7: {  	v8 =	vld [tilespmem:s1+$0x40];
	v3 =	vshll.u32 v3, $0x4  }
0xd8: {  	v4 =	vshll.u32 v4, $0x4;
	v9 =	vld [tilespmem:s1+$0x50];
	v3 =	vor.u32 v1, v3  }
0xd9: {  	v4 =	vor.u32 v1, v4;
	v5 =	vshll.u32 v5, $0x4;
	v10 =	vld [tilespmem:s1+$0x60]  }
0xda: {  	v5 =	vor.u32 v1, v5;
	v6 =	vshll.u32 v6, $0x4;
	v11 =	vld [tilespmem:s1+$0x70]  }
0xdb: {  	v6 =	vor.u32 v1, v6;
	v7 =	vshll.u32 v7, $0x4;
	v12 =	vld [tilespmem:s1+$0x400]  }
0xdc: {  	v7 =	vor.u32 v1, v7;
	v8 =	vshll.u32 v8, $0x4;
	v13 =	vld [tilespmem:s1+$0x410]  }
0xdd: {  	v8 =	vor.u32 v1, v8;
	v9 =	vshll.u32 v9, $0x4;
	[tilespmem:v3+s23+$0x0] =	vst.idx.add.s32.msk $0xffff, v2  }
0xde: {  	v9 =	vor.u32 v1, v9;
	v3 =	vshll.u32 v10, $0x4;
	v10 =	vld [tilespmem:s1+$0x420]  }
0xdf: {  	v14 =	vor.u32 v1, v3;
	v3 =	vshll.u32 v11, $0x4;
	v11 =	vld [tilespmem:s1+$0x430]  }
0xe0: {  	v15 =	vor.u32 v1, v3;
	v3 =	vshll.u32 v12, $0x4;
	v12 =	vld [tilespmem:s1+$0x440]  }
0xe1: {  	v16 =	vor.u32 v1, v3;
	v3 =	vshll.u32 v13, $0x4;
	v13 =	vld [tilespmem:s1+$0x450]  }
0xe2: {  	v17 =	vor.u32 v1, v3;
	v18 =	vld [tilespmem:s1+$0x460]  }
0xe3: {  	[tilespmem:v4+s23+$0x0] =	vst.idx.add.s32.msk $0xffff, v2;
	v3 =	vshll.u32 v10, $0x4  }
0xe4: {  	[tilespmem:v5+s23+$0x0] =	vst.idx.add.s32.msk $0xffff, v2;
	v3 =	vor.u32 v1, v3;
	v4 =	vshll.u32 v11, $0x4  }
0xe5: {  	[tilespmem:v6+s23+$0x0] =	vst.idx.add.s32.msk $0xffff, v2;
	v4 =	vor.u32 v1, v4;
	v5 =	vshll.u32 v12, $0x4  }
0xe6: {  	[tilespmem:v7+s23+$0x0] =	vst.idx.add.s32.msk $0xffff, v2;
	v5 =	vor.u32 v1, v5;
	v6 =	vshll.u32 v13, $0x4  }
0xe7: {  	[tilespmem:v8+s23+$0x0] =	vst.idx.add.s32.msk $0xffff, v2;
	v6 =	vor.u32 v1, v6;
	v7 =	vshll.u32 v18, $0x4  }
.Ltmp3:
0xe8: {  	[tilespmem:v9+s23+$0x0] =	vst.idx.add.s32.msk $0xffff, v2;
	v7 =	vor.u32 v1, v7;
	(pc) =	sbr.rel @p0 .LBB2_8-.Ltmp3, $4  }
0xe9: {  	[tilespmem:v14+s23+$0x0] =	vst.idx.add.s32.msk $0xffff, v2  }
0xea: {  	[tilespmem:v15+s23+$0x0] =	vst.idx.add.s32.msk $0xffff, v2  }
0xeb: {  	[tilespmem:v16+s23+$0x0] =	vst.idx.add.s32.msk $0xffff, v2  }
0xec: {  	[tilespmem:v17+s23+$0x0] =	vst.idx.add.s32.msk $0xffff, v2  }
0xed: {  	_ =	sdelay $0x3  }
0xee: {  	[tilespmem:v3+s23+$0x0] =	vst.idx.add.s32.msk $0xffff, v2  }
0xef: {  	[tilespmem:v4+s23+$0x0] =	vst.idx.add.s32.msk $0xffff, v2  }
0xf0: {  	[tilespmem:v5+s23+$0x0] =	vst.idx.add.s32.msk $0xffff, v2  }
0xf1: {  	[tilespmem:v6+s23+$0x0] =	vst.idx.add.s32.msk $0xffff, v2  }
0xf2: {  	[tilespmem:v7+s23+$0x0] =	vst.idx.add.s32.msk $0xffff, v2;
	s30 =	simm.s32 $0x0;
	s0 =	simm.s32 $0x0;
	s26 =	simm.s32 $0x0  }
0xf3: {  	[tilespmem:s30], [sflag:$0x1] =	stream.linear.gather [hbm4b:s7+s30], $0x8000, $0x38;
	[tilespmem:$0x14400] =	vst v63  }
0xf4: {  	s0 =	sand.u32 $0x7000, s0;
	s1 =	sand.u32 $0x800, s30;
	_ =	swait.ge [sflag:s24], $0x8000  }
0xf5: {  	s26 =	sand.u32 $0x380, s26;
	s0 =	sor.u32 s1, s0;
	[sflag:s24] =	ssyncset.done $0x0  }
0xf6: {  	s0 =	sor.u32 s26, s0;
	[sflag:s24] =	ssyncadd.s32 $0xFFFF8000  }
0xf7: {  	v3 =	vld [tilespmem:s0+$0x8470]  }
0xf8: {  	v4 =	vld [tilespmem:s0+$0x8000]  }
0xf9: {  	v5 =	vld [tilespmem:s0+$0x8010]  }
0xfa: {  	v6 =	vld [tilespmem:s0+$0x8020]  }
0xfb: {  	v7 =	vld [tilespmem:s0+$0x8030]  }
0xfc: {  	v8 =	vld [tilespmem:s0+$0x8040]  }
0xfd: {  	v9 =	vld [tilespmem:s0+$0x8050];
	v3 =	vshll.u32 v3, $0x4  }
0xfe: {  	v10 =	vld [tilespmem:s0+$0x8060];
	v3 =	vor.u32 v1, v3  }
0xff: {  	v11 =	vld [tilespmem:s0+$0x8070]  }
0x100: {  	v12 =	vld [tilespmem:s0+$0x8400]  }
0x101: {  	v13 =	vld [tilespmem:s0+$0x8410]  }
0x102: {  	v14 =	vld [tilespmem:s0+$0x8430];
	v4 =	vshll.u32 v4, $0x4  }
0x103: {  	v6 =	vshll.u32 v6, $0x4;
	[tilespmem:v3+s23+$0x0] =	vst.idx.add.s32.msk $0xffff, v2;
	v3 =	vor.u32 v1, v4  }
0x104: {  	v15 =	vld [tilespmem:s0+$0x8440];
	v6 =	vor.u32 v1, v6;
	v4 =	vshll.u32 v5, $0x4  }
0x105: {  	v16 =	vld [tilespmem:s0+$0x8450];
	v7 =	vshll.u32 v7, $0x4;
	v4 =	vor.u32 v1, v4  }
0x106: {  	v17 =	vld [tilespmem:s0+$0x8460];
	v8 =	vshll.u32 v8, $0x4;
	v7 =	vor.u32 v1, v7  }
0x107: {  	v10 =	vshll.u32 v10, $0x4;
	v8 =	vor.u32 v1, v8;
	v5 =	vld [tilespmem:s0+$0x8420]  }
0x108: {  	v9 =	vshll.u32 v9, $0x4;
	[tilespmem:v3+s23+$0x0] =	vst.idx.add.s32.msk $0xffff, v2;
	v3 =	vor.u32 v1, v10  }
0x109: {  	v62 =	vshll.u32 v11, $0x4;
	v9 =	vor.u32 v1, v9;
	[tilespmem:v6+s23+$0x0] =	vst.idx.add.s32.msk $0xffff, v2  }
0x10a: {  	v10 =	vor.u32 v1, v62;
	[tilespmem:v4+s23+$0x0] =	vst.idx.add.s32.msk $0xffff, v2;
	v4 =	vshll.u32 v12, $0x4  }
0x10b: {  	[tilespmem:v7+s23+$0x0] =	vst.idx.add.s32.msk $0xffff, v2;
	v6 =	vor.u32 v1, v4;
	v4 =	vshll.u32 v13, $0x4  }
0x10c: {  	[tilespmem:v8+s23+$0x0] =	vst.idx.add.s32.msk $0xffff, v2;
	v63 =	vor.u32 v1, v4;
	v4 =	vshll.u32 v5, $0x4  }
0x10d: {  	v5 =	vshll.u32 v14, $0x4;
	[tilespmem:v3+s23+$0x0] =	vst.idx.add.s32.msk $0xffff, v2;
	v3 =	vor.u32 v1, v4  }
0x10e: {  	[tilespmem:v9+s23+$0x0] =	vst.idx.add.s32.msk $0xffff, v2;
	v4 =	vor.u32 v1, v5;
	v5 =	vshll.u32 v15, $0x4  }
0x10f: {  	v7 =	vshll.u32 v16, $0x4;
	[tilespmem:v10+s23+$0x0] =	vst.idx.add.s32.msk $0xffff, v2;
	v5 =	vor.u32 v1, v5  }
0x110: {  	v8 =	vshll.u32 v17, $0x4;
	[tilespmem:v6+s23+$0x0] =	vst.idx.add.s32.msk $0xffff, v2;
	v6 =	vor.u32 v1, v7  }
0x111: {  	s0 =	simm.s32 $0x0;
	v7 =	vor.u32 v1, v8;
	[tilespmem:v63+s23+$0x0] =	vst.idx.add.s32.msk $0xffff, v2  }
.LBB2_10:
0x112: {  	s0 =	sadd.s32 $0x10, s0;
	[tilespmem:v3+s23+$0x0] =	vst.idx.add.s32.msk $0xffff, v2  }
0x113: {  	s30 =	sadd.s32 $0x800, s30;
	s1 =	sshll.u32 s0, $0x4;
	p0 =	slt.u32 s0, $0x7F0;
	[tilespmem:v4+s23+$0x0] =	vst.idx.add.s32.msk $0xffff, v2  }
0x114: {  	s26 =	sand.u32 $0x800, s30;
	s31 =	sshll.u32 s0, $0x2;
	s1 =	sand.u32 $0x7000, s1;
	[tilespmem:v5+s23+$0x0] =	vst.idx.add.s32.msk $0xffff, v2  }
0x115: {  	s31 =	sand.u32 $0x380, s31;
	s1 =	sor.u32 s26, s1;
	[tilespmem:v6+s23+$0x0] =	vst.idx.add.s32.msk $0xffff, v2  }
0x116: {  	s1 =	sor.u32 s31, s1;
	[tilespmem:v7+s23+$0x0] =	vst.idx.add.s32.msk $0xffff, v2  }
0x117: {  	v3 =	vld [tilespmem:s1+$0x8470]  }
0x118: {  	v4 =	vld [tilespmem:s1+$0x8000]  }
0x119: {  	v5 =	vld [tilespmem:s1+$0x8010]  }
0x11a: {  	v6 =	vld [tilespmem:s1+$0x8020]  }
0x11b: {  	v7 =	vld [tilespmem:s1+$0x8030]  }
0x11c: {  	v8 =	vld [tilespmem:s1+$0x8040];
	v3 =	vshll.u32 v3, $0x4  }
0x11d: {  	v4 =	vshll.u32 v4, $0x4;
	v9 =	vld [tilespmem:s1+$0x8050];
	v3 =	vor.u32 v1, v3  }
0x11e: {  	v4 =	vor.u32 v1, v4;
	v5 =	vshll.u32 v5, $0x4;
	v10 =	vld [tilespmem:s1+$0x8060]  }
0x11f: {  	v5 =	vor.u32 v1, v5;
	v6 =	vshll.u32 v6, $0x4;
	v11 =	vld [tilespmem:s1+$0x8070]  }
0x120: {  	v6 =	vor.u32 v1, v6;
	v7 =	vshll.u32 v7, $0x4;
	v12 =	vld [tilespmem:s1+$0x8400]  }
0x121: {  	v7 =	vor.u32 v1, v7;
	v8 =	vshll.u32 v8, $0x4;
	v13 =	vld [tilespmem:s1+$0x8410]  }
0x122: {  	v8 =	vor.u32 v1, v8;
	v9 =	vshll.u32 v9, $0x4;
	[tilespmem:v3+s23+$0x0] =	vst.idx.add.s32.msk $0xffff, v2  }
0x123: {  	v9 =	vor.u32 v1, v9;
	v3 =	vshll.u32 v10, $0x4;
	v10 =	vld [tilespmem:s1+$0x8420]  }
0x124: {  	v14 =	vor.u32 v1, v3;
	v3 =	vshll.u32 v11, $0x4;
	v11 =	vld [tilespmem:s1+$0x8430]  }
0x125: {  	v15 =	vor.u32 v1, v3;
	v3 =	vshll.u32 v12, $0x4;
	v12 =	vld [tilespmem:s1+$0x8440]  }
0x126: {  	v16 =	vor.u32 v1, v3;
	v3 =	vshll.u32 v13, $0x4;
	v13 =	vld [tilespmem:s1+$0x8450]  }
0x127: {  	v17 =	vor.u32 v1, v3;
	v18 =	vld [tilespmem:s1+$0x8460]  }
0x128: {  	[tilespmem:v4+s23+$0x0] =	vst.idx.add.s32.msk $0xffff, v2;
	v3 =	vshll.u32 v10, $0x4  }
0x129: {  	[tilespmem:v5+s23+$0x0] =	vst.idx.add.s32.msk $0xffff, v2;
	v3 =	vor.u32 v1, v3;
	v4 =	vshll.u32 v11, $0x4  }
0x12a: {  	[tilespmem:v6+s23+$0x0] =	vst.idx.add.s32.msk $0xffff, v2;
	v4 =	vor.u32 v1, v4;
	v5 =	vshll.u32 v12, $0x4  }
0x12b: {  	[tilespmem:v7+s23+$0x0] =	vst.idx.add.s32.msk $0xffff, v2;
	v5 =	vor.u32 v1, v5;
	v6 =	vshll.u32 v13, $0x4  }
0x12c: {  	[tilespmem:v8+s23+$0x0] =	vst.idx.add.s32.msk $0xffff, v2;
	v6 =	vor.u32 v1, v6;
	v7 =	vshll.u32 v18, $0x4  }
.Ltmp4:
0x12d: {  	[tilespmem:v9+s23+$0x0] =	vst.idx.add.s32.msk $0xffff, v2;
	v7 =	vor.u32 v1, v7;
	(pc) =	sbr.rel @p0 .LBB2_10-.Ltmp4, $4  }
0x12e: {  	[tilespmem:v14+s23+$0x0] =	vst.idx.add.s32.msk $0xffff, v2  }
0x12f: {  	[tilespmem:v15+s23+$0x0] =	vst.idx.add.s32.msk $0xffff, v2  }
0x130: {  	[tilespmem:v16+s23+$0x0] =	vst.idx.add.s32.msk $0xffff, v2  }
0x131: {  	[tilespmem:v17+s23+$0x0] =	vst.idx.add.s32.msk $0xffff, v2  }
0x132: {  	_ =	sdelay $0x3  }
0x133: {  	[tilespmem:v3+s23+$0x0] =	vst.idx.add.s32.msk $0xffff, v2  }
0x134: {  	[tilespmem:v4+s23+$0x0] =	vst.idx.add.s32.msk $0xffff, v2  }
0x135: {  	[tilespmem:v5+s23+$0x0] =	vst.idx.add.s32.msk $0xffff, v2  }
0x136: {  	[tilespmem:v6+s23+$0x0] =	vst.idx.add.s32.msk $0xffff, v2  }
0x137: {  	[tilespmem:v7+s23+$0x0] =	vst.idx.add.s32.msk $0xffff, v2;
	s30 =	simm.s32 $0x0;
	s0 =	simm.s32 $0x0;
	s26 =	simm.s32 $0x0  }
0x138: {  	[tilespmem:s21], [sflag:$0x2] =	stream.linear.gather [hbm4b:s8+s30], $0x8000, $0x38;
	[tilespmem:$0x14400] =	vst v63  }
0x139: {  	s0 =	sand.u32 $0x7000, s0;
	s1 =	sand.u32 $0x800, s30;
	_ =	swait.ge [sflag:s22], $0x8000  }
0x13a: {  	s26 =	sand.u32 $0x380, s26;
	s0 =	sor.u32 s1, s0;
	[sflag:s22] =	ssyncset.done $0x0  }
0x13b: {  	s0 =	sor.u32 s26, s0;
	[sflag:s22] =	ssyncadd.s32 $0xFFFF8000  }
0x13c: {  	v3 =	vld [tilespmem:s0+$0x470]  }
0x13d: {  	v4 =	vld [tilespmem:s0+$0x0]  }
0x13e: {  	v5 =	vld [tilespmem:s0+$0x10]  }
0x13f: {  	v6 =	vld [tilespmem:s0+$0x20]  }
0x140: {  	v7 =	vld [tilespmem:s0+$0x30]  }
0x141: {  	v8 =	vld [tilespmem:s0+$0x40]  }
0x142: {  	v9 =	vld [tilespmem:s0+$0x50];
	v3 =	vshll.u32 v3, $0x4  }
0x143: {  	v10 =	vld [tilespmem:s0+$0x60];
	v3 =	vor.u32 v1, v3  }
0x144: {  	v11 =	vld [tilespmem:s0+$0x70]  }
0x145: {  	v12 =	vld [tilespmem:s0+$0x400]  }
0x146: {  	v13 =	vld [tilespmem:s0+$0x410]  }
0x147: {  	v14 =	vld [tilespmem:s0+$0x430];
	v4 =	vshll.u32 v4, $0x4  }
0x148: {  	v6 =	vshll.u32 v6, $0x4;
	[tilespmem:v3+s23+$0x0] =	vst.idx.add.s32.msk $0xffff, v2;
	v3 =	vor.u32 v1, v4  }
0x149: {  	v15 =	vld [tilespmem:s0+$0x440];
	v6 =	vor.u32 v1, v6;
	v4 =	vshll.u32 v5, $0x4  }
0x14a: {  	v16 =	vld [tilespmem:s0+$0x450];
	v7 =	vshll.u32 v7, $0x4;
	v4 =	vor.u32 v1, v4  }
0x14b: {  	v17 =	vld [tilespmem:s0+$0x460];
	v8 =	vshll.u32 v8, $0x4;
	v7 =	vor.u32 v1, v7  }
0x14c: {  	v10 =	vshll.u32 v10, $0x4;
	v8 =	vor.u32 v1, v8;
	v5 =	vld [tilespmem:s0+$0x420]  }
0x14d: {  	v9 =	vshll.u32 v9, $0x4;
	[tilespmem:v3+s23+$0x0] =	vst.idx.add.s32.msk $0xffff, v2;
	v3 =	vor.u32 v1, v10  }
0x14e: {  	v62 =	vshll.u32 v11, $0x4;
	v9 =	vor.u32 v1, v9;
	[tilespmem:v6+s23+$0x0] =	vst.idx.add.s32.msk $0xffff, v2  }
0x14f: {  	v10 =	vor.u32 v1, v62;
	[tilespmem:v4+s23+$0x0] =	vst.idx.add.s32.msk $0xffff, v2;
	v4 =	vshll.u32 v12, $0x4  }
0x150: {  	[tilespmem:v7+s23+$0x0] =	vst.idx.add.s32.msk $0xffff, v2;
	v6 =	vor.u32 v1, v4;
	v4 =	vshll.u32 v13, $0x4  }
0x151: {  	[tilespmem:v8+s23+$0x0] =	vst.idx.add.s32.msk $0xffff, v2;
	v63 =	vor.u32 v1, v4;
	v4 =	vshll.u32 v5, $0x4  }
0x152: {  	v5 =	vshll.u32 v14, $0x4;
	[tilespmem:v3+s23+$0x0] =	vst.idx.add.s32.msk $0xffff, v2;
	v3 =	vor.u32 v1, v4  }
0x153: {  	[tilespmem:v9+s23+$0x0] =	vst.idx.add.s32.msk $0xffff, v2;
	v4 =	vor.u32 v1, v5;
	v5 =	vshll.u32 v15, $0x4  }
0x154: {  	v7 =	vshll.u32 v16, $0x4;
	[tilespmem:v10+s23+$0x0] =	vst.idx.add.s32.msk $0xffff, v2;
	v5 =	vor.u32 v1, v5  }
0x155: {  	v8 =	vshll.u32 v17, $0x4;
	[tilespmem:v6+s23+$0x0] =	vst.idx.add.s32.msk $0xffff, v2;
	v6 =	vor.u32 v1, v7  }
0x156: {  	s0 =	simm.s32 $0x0;
	v7 =	vor.u32 v1, v8;
	[tilespmem:v63+s23+$0x0] =	vst.idx.add.s32.msk $0xffff, v2  }
.LBB2_12:
0x157: {  	s0 =	sadd.s32 $0x10, s0;
	[tilespmem:v3+s23+$0x0] =	vst.idx.add.s32.msk $0xffff, v2  }
0x158: {  	s30 =	sadd.s32 $0x800, s30;
	s1 =	sshll.u32 s0, $0x4;
	p0 =	slt.u32 s0, $0x7F0;
	[tilespmem:v4+s23+$0x0] =	vst.idx.add.s32.msk $0xffff, v2  }
0x159: {  	s26 =	sand.u32 $0x800, s30;
	s31 =	sshll.u32 s0, $0x2;
	s1 =	sand.u32 $0x7000, s1;
	[tilespmem:v5+s23+$0x0] =	vst.idx.add.s32.msk $0xffff, v2  }
0x15a: {  	s31 =	sand.u32 $0x380, s31;
	s1 =	sor.u32 s26, s1;
	[tilespmem:v6+s23+$0x0] =	vst.idx.add.s32.msk $0xffff, v2  }
0x15b: {  	s1 =	sor.u32 s31, s1;
	[tilespmem:v7+s23+$0x0] =	vst.idx.add.s32.msk $0xffff, v2  }
0x15c: {  	v3 =	vld [tilespmem:s1+$0x470]  }
0x15d: {  	v4 =	vld [tilespmem:s1+$0x0]  }
0x15e: {  	v5 =	vld [tilespmem:s1+$0x10]  }
0x15f: {  	v6 =	vld [tilespmem:s1+$0x20]  }
0x160: {  	v7 =	vld [tilespmem:s1+$0x30]  }
0x161: {  	v8 =	vld [tilespmem:s1+$0x40];
	v3 =	vshll.u32 v3, $0x4  }
0x162: {  	v4 =	vshll.u32 v4, $0x4;
	v9 =	vld [tilespmem:s1+$0x50];
	v3 =	vor.u32 v1, v3  }
0x163: {  	v4 =	vor.u32 v1, v4;
	v5 =	vshll.u32 v5, $0x4;
	v10 =	vld [tilespmem:s1+$0x60]  }
0x164: {  	v5 =	vor.u32 v1, v5;
	v6 =	vshll.u32 v6, $0x4;
	v11 =	vld [tilespmem:s1+$0x70]  }
0x165: {  	v6 =	vor.u32 v1, v6;
	v7 =	vshll.u32 v7, $0x4;
	v12 =	vld [tilespmem:s1+$0x400]  }
0x166: {  	v7 =	vor.u32 v1, v7;
	v8 =	vshll.u32 v8, $0x4;
	v13 =	vld [tilespmem:s1+$0x410]  }
0x167: {  	v8 =	vor.u32 v1, v8;
	v9 =	vshll.u32 v9, $0x4;
	[tilespmem:v3+s23+$0x0] =	vst.idx.add.s32.msk $0xffff, v2  }
0x168: {  	v9 =	vor.u32 v1, v9;
	v3 =	vshll.u32 v10, $0x4;
	v10 =	vld [tilespmem:s1+$0x420]  }
0x169: {  	v14 =	vor.u32 v1, v3;
	v3 =	vshll.u32 v11, $0x4;
	v11 =	vld [tilespmem:s1+$0x430]  }
0x16a: {  	v15 =	vor.u32 v1, v3;
	v3 =	vshll.u32 v12, $0x4;
	v12 =	vld [tilespmem:s1+$0x440]  }
0x16b: {  	v16 =	vor.u32 v1, v3;
	v3 =	vshll.u32 v13, $0x4;
	v13 =	vld [tilespmem:s1+$0x450]  }
0x16c: {  	v17 =	vor.u32 v1, v3;
	v18 =	vld [tilespmem:s1+$0x460]  }
0x16d: {  	[tilespmem:v4+s23+$0x0] =	vst.idx.add.s32.msk $0xffff, v2;
	v3 =	vshll.u32 v10, $0x4  }
0x16e: {  	[tilespmem:v5+s23+$0x0] =	vst.idx.add.s32.msk $0xffff, v2;
	v3 =	vor.u32 v1, v3;
	v4 =	vshll.u32 v11, $0x4  }
0x16f: {  	[tilespmem:v6+s23+$0x0] =	vst.idx.add.s32.msk $0xffff, v2;
	v4 =	vor.u32 v1, v4;
	v5 =	vshll.u32 v12, $0x4  }
0x170: {  	[tilespmem:v7+s23+$0x0] =	vst.idx.add.s32.msk $0xffff, v2;
	v5 =	vor.u32 v1, v5;
	v6 =	vshll.u32 v13, $0x4  }
0x171: {  	[tilespmem:v8+s23+$0x0] =	vst.idx.add.s32.msk $0xffff, v2;
	v6 =	vor.u32 v1, v6;
	v7 =	vshll.u32 v18, $0x4  }
.Ltmp5:
0x172: {  	[tilespmem:v9+s23+$0x0] =	vst.idx.add.s32.msk $0xffff, v2;
	v7 =	vor.u32 v1, v7;
	(pc) =	sbr.rel @p0 .LBB2_12-.Ltmp5, $4  }
0x173: {  	[tilespmem:v14+s23+$0x0] =	vst.idx.add.s32.msk $0xffff, v2  }
0x174: {  	[tilespmem:v15+s23+$0x0] =	vst.idx.add.s32.msk $0xffff, v2  }
0x175: {  	[tilespmem:v16+s23+$0x0] =	vst.idx.add.s32.msk $0xffff, v2  }
0x176: {  	[tilespmem:v17+s23+$0x0] =	vst.idx.add.s32.msk $0xffff, v2  }
0x177: {  	_ =	sdelay $0x3  }
0x178: {  	[tilespmem:v3+s23+$0x0] =	vst.idx.add.s32.msk $0xffff, v2  }
0x179: {  	[tilespmem:v4+s23+$0x0] =	vst.idx.add.s32.msk $0xffff, v2  }
0x17a: {  	[tilespmem:v5+s23+$0x0] =	vst.idx.add.s32.msk $0xffff, v2  }
0x17b: {  	[tilespmem:v6+s23+$0x0] =	vst.idx.add.s32.msk $0xffff, v2  }
0x17c: {  	[tilespmem:v7+s23+$0x0] =	vst.idx.add.s32.msk $0xffff, v2;
	s30 =	simm.s32 $0x0;
	s0 =	simm.s32 $0x0;
	s26 =	simm.s32 $0x0  }
0x17d: {  	[tilespmem:s30], [sflag:$0x1] =	stream.linear.gather [hbm4b:s9+s30], $0x8000, $0x38;
	[tilespmem:$0x14400] =	vst v63  }
0x17e: {  	s0 =	sand.u32 $0x7000, s0;
	s1 =	sand.u32 $0x800, s30;
	_ =	swait.ge [sflag:s24], $0x8000  }
0x17f: {  	s26 =	sand.u32 $0x380, s26;
	s0 =	sor.u32 s1, s0;
	[sflag:s24] =	ssyncset.done $0x0  }
0x180: {  	s0 =	sor.u32 s26, s0;
	[sflag:s24] =	ssyncadd.s32 $0xFFFF8000  }
0x181: {  	v3 =	vld [tilespmem:s0+$0x8470]  }
0x182: {  	v4 =	vld [tilespmem:s0+$0x8000]  }
0x183: {  	v5 =	vld [tilespmem:s0+$0x8010]  }
0x184: {  	v6 =	vld [tilespmem:s0+$0x8020]  }
0x185: {  	v7 =	vld [tilespmem:s0+$0x8030]  }
0x186: {  	v8 =	vld [tilespmem:s0+$0x8040]  }
0x187: {  	v9 =	vld [tilespmem:s0+$0x8050];
	v3 =	vshll.u32 v3, $0x4  }
0x188: {  	v10 =	vld [tilespmem:s0+$0x8060];
	v3 =	vor.u32 v1, v3  }
0x189: {  	v11 =	vld [tilespmem:s0+$0x8070]  }
0x18a: {  	v12 =	vld [tilespmem:s0+$0x8400]  }
0x18b: {  	v13 =	vld [tilespmem:s0+$0x8410]  }
0x18c: {  	v14 =	vld [tilespmem:s0+$0x8430];
	v4 =	vshll.u32 v4, $0x4  }
0x18d: {  	v6 =	vshll.u32 v6, $0x4;
	[tilespmem:v3+s23+$0x0] =	vst.idx.add.s32.msk $0xffff, v2;
	v3 =	vor.u32 v1, v4  }
0x18e: {  	v15 =	vld [tilespmem:s0+$0x8440];
	v6 =	vor.u32 v1, v6;
	v4 =	vshll.u32 v5, $0x4  }
0x18f: {  	v16 =	vld [tilespmem:s0+$0x8450];
	v7 =	vshll.u32 v7, $0x4;
	v4 =	vor.u32 v1, v4  }
0x190: {  	v17 =	vld [tilespmem:s0+$0x8460];
	v8 =	vshll.u32 v8, $0x4;
	v7 =	vor.u32 v1, v7  }
0x191: {  	v10 =	vshll.u32 v10, $0x4;
	v8 =	vor.u32 v1, v8;
	v5 =	vld [tilespmem:s0+$0x8420]  }
0x192: {  	v9 =	vshll.u32 v9, $0x4;
	[tilespmem:v3+s23+$0x0] =	vst.idx.add.s32.msk $0xffff, v2;
	v3 =	vor.u32 v1, v10  }
0x193: {  	v62 =	vshll.u32 v11, $0x4;
	v9 =	vor.u32 v1, v9;
	[tilespmem:v6+s23+$0x0] =	vst.idx.add.s32.msk $0xffff, v2  }
0x194: {  	v10 =	vor.u32 v1, v62;
	[tilespmem:v4+s23+$0x0] =	vst.idx.add.s32.msk $0xffff, v2;
	v4 =	vshll.u32 v12, $0x4  }
0x195: {  	[tilespmem:v7+s23+$0x0] =	vst.idx.add.s32.msk $0xffff, v2;
	v6 =	vor.u32 v1, v4;
	v4 =	vshll.u32 v13, $0x4  }
0x196: {  	[tilespmem:v8+s23+$0x0] =	vst.idx.add.s32.msk $0xffff, v2;
	v63 =	vor.u32 v1, v4;
	v4 =	vshll.u32 v5, $0x4  }
0x197: {  	v5 =	vshll.u32 v14, $0x4;
	[tilespmem:v3+s23+$0x0] =	vst.idx.add.s32.msk $0xffff, v2;
	v3 =	vor.u32 v1, v4  }
0x198: {  	[tilespmem:v9+s23+$0x0] =	vst.idx.add.s32.msk $0xffff, v2;
	v4 =	vor.u32 v1, v5;
	v5 =	vshll.u32 v15, $0x4  }
0x199: {  	v7 =	vshll.u32 v16, $0x4;
	[tilespmem:v10+s23+$0x0] =	vst.idx.add.s32.msk $0xffff, v2;
	v5 =	vor.u32 v1, v5  }
0x19a: {  	v8 =	vshll.u32 v17, $0x4;
	[tilespmem:v6+s23+$0x0] =	vst.idx.add.s32.msk $0xffff, v2;
	v6 =	vor.u32 v1, v7  }
0x19b: {  	s0 =	simm.s32 $0x0;
	v7 =	vor.u32 v1, v8;
	[tilespmem:v63+s23+$0x0] =	vst.idx.add.s32.msk $0xffff, v2  }
.LBB2_14:
0x19c: {  	s0 =	sadd.s32 $0x10, s0;
	[tilespmem:v3+s23+$0x0] =	vst.idx.add.s32.msk $0xffff, v2  }
0x19d: {  	s30 =	sadd.s32 $0x800, s30;
	s1 =	sshll.u32 s0, $0x4;
	p0 =	slt.u32 s0, $0x7F0;
	[tilespmem:v4+s23+$0x0] =	vst.idx.add.s32.msk $0xffff, v2  }
0x19e: {  	s26 =	sand.u32 $0x800, s30;
	s31 =	sshll.u32 s0, $0x2;
	s1 =	sand.u32 $0x7000, s1;
	[tilespmem:v5+s23+$0x0] =	vst.idx.add.s32.msk $0xffff, v2  }
0x19f: {  	s31 =	sand.u32 $0x380, s31;
	s1 =	sor.u32 s26, s1;
	[tilespmem:v6+s23+$0x0] =	vst.idx.add.s32.msk $0xffff, v2  }
0x1a0: {  	s1 =	sor.u32 s31, s1;
	[tilespmem:v7+s23+$0x0] =	vst.idx.add.s32.msk $0xffff, v2  }
0x1a1: {  	v3 =	vld [tilespmem:s1+$0x8470]  }
0x1a2: {  	v4 =	vld [tilespmem:s1+$0x8000]  }
0x1a3: {  	v5 =	vld [tilespmem:s1+$0x8010]  }
0x1a4: {  	v6 =	vld [tilespmem:s1+$0x8020]  }
0x1a5: {  	v7 =	vld [tilespmem:s1+$0x8030]  }
0x1a6: {  	v8 =	vld [tilespmem:s1+$0x8040];
	v3 =	vshll.u32 v3, $0x4  }
0x1a7: {  	v4 =	vshll.u32 v4, $0x4;
	v9 =	vld [tilespmem:s1+$0x8050];
	v3 =	vor.u32 v1, v3  }
0x1a8: {  	v4 =	vor.u32 v1, v4;
	v5 =	vshll.u32 v5, $0x4;
	v10 =	vld [tilespmem:s1+$0x8060]  }
0x1a9: {  	v5 =	vor.u32 v1, v5;
	v6 =	vshll.u32 v6, $0x4;
	v11 =	vld [tilespmem:s1+$0x8070]  }
0x1aa: {  	v6 =	vor.u32 v1, v6;
	v7 =	vshll.u32 v7, $0x4;
	v12 =	vld [tilespmem:s1+$0x8400]  }
0x1ab: {  	v7 =	vor.u32 v1, v7;
	v8 =	vshll.u32 v8, $0x4;
	v13 =	vld [tilespmem:s1+$0x8410]  }
0x1ac: {  	v8 =	vor.u32 v1, v8;
	v9 =	vshll.u32 v9, $0x4;
	[tilespmem:v3+s23+$0x0] =	vst.idx.add.s32.msk $0xffff, v2  }
0x1ad: {  	v9 =	vor.u32 v1, v9;
	v3 =	vshll.u32 v10, $0x4;
	v10 =	vld [tilespmem:s1+$0x8420]  }
0x1ae: {  	v14 =	vor.u32 v1, v3;
	v3 =	vshll.u32 v11, $0x4;
	v11 =	vld [tilespmem:s1+$0x8430]  }
0x1af: {  	v15 =	vor.u32 v1, v3;
	v3 =	vshll.u32 v12, $0x4;
	v12 =	vld [tilespmem:s1+$0x8440]  }
0x1b0: {  	v16 =	vor.u32 v1, v3;
	v3 =	vshll.u32 v13, $0x4;
	v13 =	vld [tilespmem:s1+$0x8450]  }
0x1b1: {  	v17 =	vor.u32 v1, v3;
	v18 =	vld [tilespmem:s1+$0x8460]  }
0x1b2: {  	[tilespmem:v4+s23+$0x0] =	vst.idx.add.s32.msk $0xffff, v2;
	v3 =	vshll.u32 v10, $0x4  }
0x1b3: {  	[tilespmem:v5+s23+$0x0] =	vst.idx.add.s32.msk $0xffff, v2;
	v3 =	vor.u32 v1, v3;
	v4 =	vshll.u32 v11, $0x4  }
0x1b4: {  	[tilespmem:v6+s23+$0x0] =	vst.idx.add.s32.msk $0xffff, v2;
	v4 =	vor.u32 v1, v4;
	v5 =	vshll.u32 v12, $0x4  }
0x1b5: {  	[tilespmem:v7+s23+$0x0] =	vst.idx.add.s32.msk $0xffff, v2;
	v5 =	vor.u32 v1, v5;
	v6 =	vshll.u32 v13, $0x4  }
0x1b6: {  	[tilespmem:v8+s23+$0x0] =	vst.idx.add.s32.msk $0xffff, v2;
	v6 =	vor.u32 v1, v6;
	v7 =	vshll.u32 v18, $0x4  }
.Ltmp6:
0x1b7: {  	[tilespmem:v9+s23+$0x0] =	vst.idx.add.s32.msk $0xffff, v2;
	v7 =	vor.u32 v1, v7;
	(pc) =	sbr.rel @p0 .LBB2_14-.Ltmp6, $4  }
0x1b8: {  	[tilespmem:v14+s23+$0x0] =	vst.idx.add.s32.msk $0xffff, v2  }
0x1b9: {  	[tilespmem:v15+s23+$0x0] =	vst.idx.add.s32.msk $0xffff, v2  }
0x1ba: {  	[tilespmem:v16+s23+$0x0] =	vst.idx.add.s32.msk $0xffff, v2  }
0x1bb: {  	[tilespmem:v17+s23+$0x0] =	vst.idx.add.s32.msk $0xffff, v2  }
0x1bc: {  	_ =	sdelay $0x3  }
0x1bd: {  	[tilespmem:v3+s23+$0x0] =	vst.idx.add.s32.msk $0xffff, v2  }
0x1be: {  	[tilespmem:v4+s23+$0x0] =	vst.idx.add.s32.msk $0xffff, v2  }
0x1bf: {  	[tilespmem:v5+s23+$0x0] =	vst.idx.add.s32.msk $0xffff, v2  }
0x1c0: {  	[tilespmem:v6+s23+$0x0] =	vst.idx.add.s32.msk $0xffff, v2  }
0x1c1: {  	[tilespmem:v7+s23+$0x0] =	vst.idx.add.s32.msk $0xffff, v2;
	s30 =	simm.s32 $0x0;
	s0 =	simm.s32 $0x0;
	s26 =	simm.s32 $0x0  }
0x1c2: {  	[tilespmem:s21], [sflag:$0x2] =	stream.linear.gather [hbm4b:s10+s30], $0x8000, $0x38;
	[tilespmem:$0x14400] =	vst v63  }
0x1c3: {  	s0 =	sand.u32 $0x7000, s0;
	s1 =	sand.u32 $0x800, s30;
	_ =	swait.ge [sflag:s22], $0x8000  }
0x1c4: {  	s26 =	sand.u32 $0x380, s26;
	s0 =	sor.u32 s1, s0;
	[sflag:s22] =	ssyncset.done $0x0  }
0x1c5: {  	s0 =	sor.u32 s26, s0;
	[sflag:s22] =	ssyncadd.s32 $0xFFFF8000  }
0x1c6: {  	v3 =	vld [tilespmem:s0+$0x470]  }
0x1c7: {  	v4 =	vld [tilespmem:s0+$0x0]  }
0x1c8: {  	v5 =	vld [tilespmem:s0+$0x10]  }
0x1c9: {  	v6 =	vld [tilespmem:s0+$0x20]  }
0x1ca: {  	v7 =	vld [tilespmem:s0+$0x30]  }
0x1cb: {  	v8 =	vld [tilespmem:s0+$0x40]  }
0x1cc: {  	v9 =	vld [tilespmem:s0+$0x50];
	v3 =	vshll.u32 v3, $0x4  }
0x1cd: {  	v10 =	vld [tilespmem:s0+$0x60];
	v3 =	vor.u32 v1, v3  }
0x1ce: {  	v11 =	vld [tilespmem:s0+$0x70]  }
0x1cf: {  	v12 =	vld [tilespmem:s0+$0x400]  }
0x1d0: {  	v13 =	vld [tilespmem:s0+$0x410]  }
0x1d1: {  	v14 =	vld [tilespmem:s0+$0x430];
	v4 =	vshll.u32 v4, $0x4  }
0x1d2: {  	v6 =	vshll.u32 v6, $0x4;
	[tilespmem:v3+s23+$0x0] =	vst.idx.add.s32.msk $0xffff, v2;
	v3 =	vor.u32 v1, v4  }
0x1d3: {  	v15 =	vld [tilespmem:s0+$0x440];
	v6 =	vor.u32 v1, v6;
	v4 =	vshll.u32 v5, $0x4  }
0x1d4: {  	v16 =	vld [tilespmem:s0+$0x450];
	v7 =	vshll.u32 v7, $0x4;
	v4 =	vor.u32 v1, v4  }
0x1d5: {  	v17 =	vld [tilespmem:s0+$0x460];
	v8 =	vshll.u32 v8, $0x4;
	v7 =	vor.u32 v1, v7  }
0x1d6: {  	v10 =	vshll.u32 v10, $0x4;
	v8 =	vor.u32 v1, v8;
	v5 =	vld [tilespmem:s0+$0x420]  }
0x1d7: {  	v9 =	vshll.u32 v9, $0x4;
	[tilespmem:v3+s23+$0x0] =	vst.idx.add.s32.msk $0xffff, v2;
	v3 =	vor.u32 v1, v10  }
0x1d8: {  	v62 =	vshll.u32 v11, $0x4;
	v9 =	vor.u32 v1, v9;
	[tilespmem:v6+s23+$0x0] =	vst.idx.add.s32.msk $0xffff, v2  }
0x1d9: {  	v10 =	vor.u32 v1, v62;
	[tilespmem:v4+s23+$0x0] =	vst.idx.add.s32.msk $0xffff, v2;
	v4 =	vshll.u32 v12, $0x4  }
0x1da: {  	[tilespmem:v7+s23+$0x0] =	vst.idx.add.s32.msk $0xffff, v2;
	v6 =	vor.u32 v1, v4;
	v4 =	vshll.u32 v13, $0x4  }
0x1db: {  	[tilespmem:v8+s23+$0x0] =	vst.idx.add.s32.msk $0xffff, v2;
	v63 =	vor.u32 v1, v4;
	v4 =	vshll.u32 v5, $0x4  }
0x1dc: {  	v5 =	vshll.u32 v14, $0x4;
	[tilespmem:v3+s23+$0x0] =	vst.idx.add.s32.msk $0xffff, v2;
	v3 =	vor.u32 v1, v4  }
0x1dd: {  	[tilespmem:v9+s23+$0x0] =	vst.idx.add.s32.msk $0xffff, v2;
	v4 =	vor.u32 v1, v5;
	v5 =	vshll.u32 v15, $0x4  }
0x1de: {  	v7 =	vshll.u32 v16, $0x4;
	[tilespmem:v10+s23+$0x0] =	vst.idx.add.s32.msk $0xffff, v2;
	v5 =	vor.u32 v1, v5  }
0x1df: {  	v8 =	vshll.u32 v17, $0x4;
	[tilespmem:v6+s23+$0x0] =	vst.idx.add.s32.msk $0xffff, v2;
	v6 =	vor.u32 v1, v7  }
0x1e0: {  	s0 =	simm.s32 $0x0;
	v7 =	vor.u32 v1, v8;
	[tilespmem:v63+s23+$0x0] =	vst.idx.add.s32.msk $0xffff, v2  }
.LBB2_16:
0x1e1: {  	s0 =	sadd.s32 $0x10, s0;
	[tilespmem:v3+s23+$0x0] =	vst.idx.add.s32.msk $0xffff, v2  }
0x1e2: {  	s30 =	sadd.s32 $0x800, s30;
	s1 =	sshll.u32 s0, $0x4;
	p0 =	slt.u32 s0, $0x7F0;
	[tilespmem:v4+s23+$0x0] =	vst.idx.add.s32.msk $0xffff, v2  }
0x1e3: {  	s26 =	sand.u32 $0x800, s30;
	s31 =	sshll.u32 s0, $0x2;
	s1 =	sand.u32 $0x7000, s1;
	[tilespmem:v5+s23+$0x0] =	vst.idx.add.s32.msk $0xffff, v2  }
0x1e4: {  	s31 =	sand.u32 $0x380, s31;
	s1 =	sor.u32 s26, s1;
	[tilespmem:v6+s23+$0x0] =	vst.idx.add.s32.msk $0xffff, v2  }
0x1e5: {  	s1 =	sor.u32 s31, s1;
	[tilespmem:v7+s23+$0x0] =	vst.idx.add.s32.msk $0xffff, v2  }
0x1e6: {  	v3 =	vld [tilespmem:s1+$0x470]  }
0x1e7: {  	v4 =	vld [tilespmem:s1+$0x0]  }
0x1e8: {  	v5 =	vld [tilespmem:s1+$0x10]  }
0x1e9: {  	v6 =	vld [tilespmem:s1+$0x20]  }
0x1ea: {  	v7 =	vld [tilespmem:s1+$0x30]  }
0x1eb: {  	v8 =	vld [tilespmem:s1+$0x40];
	v3 =	vshll.u32 v3, $0x4  }
0x1ec: {  	v4 =	vshll.u32 v4, $0x4;
	v9 =	vld [tilespmem:s1+$0x50];
	v3 =	vor.u32 v1, v3  }
0x1ed: {  	v4 =	vor.u32 v1, v4;
	v5 =	vshll.u32 v5, $0x4;
	v10 =	vld [tilespmem:s1+$0x60]  }
0x1ee: {  	v5 =	vor.u32 v1, v5;
	v6 =	vshll.u32 v6, $0x4;
	v11 =	vld [tilespmem:s1+$0x70]  }
0x1ef: {  	v6 =	vor.u32 v1, v6;
	v7 =	vshll.u32 v7, $0x4;
	v12 =	vld [tilespmem:s1+$0x400]  }
0x1f0: {  	v7 =	vor.u32 v1, v7;
	v8 =	vshll.u32 v8, $0x4;
	v13 =	vld [tilespmem:s1+$0x410]  }
0x1f1: {  	v8 =	vor.u32 v1, v8;
	v9 =	vshll.u32 v9, $0x4;
	[tilespmem:v3+s23+$0x0] =	vst.idx.add.s32.msk $0xffff, v2  }
0x1f2: {  	v9 =	vor.u32 v1, v9;
	v3 =	vshll.u32 v10, $0x4;
	v10 =	vld [tilespmem:s1+$0x420]  }
0x1f3: {  	v14 =	vor.u32 v1, v3;
	v3 =	vshll.u32 v11, $0x4;
	v11 =	vld [tilespmem:s1+$0x430]  }
0x1f4: {  	v15 =	vor.u32 v1, v3;
	v3 =	vshll.u32 v12, $0x4;
	v12 =	vld [tilespmem:s1+$0x440]  }
0x1f5: {  	v16 =	vor.u32 v1, v3;
	v3 =	vshll.u32 v13, $0x4;
	v13 =	vld [tilespmem:s1+$0x450]  }
0x1f6: {  	v17 =	vor.u32 v1, v3;
	v18 =	vld [tilespmem:s1+$0x460]  }
0x1f7: {  	[tilespmem:v4+s23+$0x0] =	vst.idx.add.s32.msk $0xffff, v2;
	v3 =	vshll.u32 v10, $0x4  }
0x1f8: {  	[tilespmem:v5+s23+$0x0] =	vst.idx.add.s32.msk $0xffff, v2;
	v3 =	vor.u32 v1, v3;
	v4 =	vshll.u32 v11, $0x4  }
0x1f9: {  	[tilespmem:v6+s23+$0x0] =	vst.idx.add.s32.msk $0xffff, v2;
	v4 =	vor.u32 v1, v4;
	v5 =	vshll.u32 v12, $0x4  }
0x1fa: {  	[tilespmem:v7+s23+$0x0] =	vst.idx.add.s32.msk $0xffff, v2;
	v5 =	vor.u32 v1, v5;
	v6 =	vshll.u32 v13, $0x4  }
0x1fb: {  	[tilespmem:v8+s23+$0x0] =	vst.idx.add.s32.msk $0xffff, v2;
	v6 =	vor.u32 v1, v6;
	v7 =	vshll.u32 v18, $0x4  }
.Ltmp7:
0x1fc: {  	[tilespmem:v9+s23+$0x0] =	vst.idx.add.s32.msk $0xffff, v2;
	v7 =	vor.u32 v1, v7;
	(pc) =	sbr.rel @p0 .LBB2_16-.Ltmp7, $4  }
0x1fd: {  	[tilespmem:v14+s23+$0x0] =	vst.idx.add.s32.msk $0xffff, v2  }
0x1fe: {  	[tilespmem:v15+s23+$0x0] =	vst.idx.add.s32.msk $0xffff, v2  }
0x1ff: {  	[tilespmem:v16+s23+$0x0] =	vst.idx.add.s32.msk $0xffff, v2  }
0x200: {  	[tilespmem:v17+s23+$0x0] =	vst.idx.add.s32.msk $0xffff, v2  }
0x201: {  	_ =	sdelay $0x3  }
0x202: {  	[tilespmem:v3+s23+$0x0] =	vst.idx.add.s32.msk $0xffff, v2  }
0x203: {  	[tilespmem:v4+s23+$0x0] =	vst.idx.add.s32.msk $0xffff, v2  }
0x204: {  	[tilespmem:v5+s23+$0x0] =	vst.idx.add.s32.msk $0xffff, v2  }
0x205: {  	[tilespmem:v6+s23+$0x0] =	vst.idx.add.s32.msk $0xffff, v2  }
0x206: {  	[tilespmem:v7+s23+$0x0] =	vst.idx.add.s32.msk $0xffff, v2;
	s30 =	simm.s32 $0x0;
	s0 =	simm.s32 $0x0;
	s26 =	simm.s32 $0x0  }
0x207: {  	[tilespmem:s30], [sflag:$0x1] =	stream.linear.gather [hbm4b:s11+s30], $0x8000, $0x38;
	[tilespmem:$0x14400] =	vst v63  }
0x208: {  	s0 =	sand.u32 $0x7000, s0;
	s1 =	sand.u32 $0x800, s30;
	_ =	swait.ge [sflag:s24], $0x8000  }
0x209: {  	s26 =	sand.u32 $0x380, s26;
	s0 =	sor.u32 s1, s0;
	[sflag:s24] =	ssyncset.done $0x0  }
0x20a: {  	s0 =	sor.u32 s26, s0;
	[sflag:s24] =	ssyncadd.s32 $0xFFFF8000  }
0x20b: {  	v3 =	vld [tilespmem:s0+$0x8470]  }
0x20c: {  	v4 =	vld [tilespmem:s0+$0x8000]  }
0x20d: {  	v5 =	vld [tilespmem:s0+$0x8010]  }
0x20e: {  	v6 =	vld [tilespmem:s0+$0x8020]  }
0x20f: {  	v7 =	vld [tilespmem:s0+$0x8030]  }
0x210: {  	v8 =	vld [tilespmem:s0+$0x8040]  }
0x211: {  	v9 =	vld [tilespmem:s0+$0x8050];
	v3 =	vshll.u32 v3, $0x4  }
0x212: {  	v10 =	vld [tilespmem:s0+$0x8060];
	v3 =	vor.u32 v1, v3  }
0x213: {  	v11 =	vld [tilespmem:s0+$0x8070]  }
0x214: {  	v12 =	vld [tilespmem:s0+$0x8400]  }
0x215: {  	v13 =	vld [tilespmem:s0+$0x8410]  }
0x216: {  	v14 =	vld [tilespmem:s0+$0x8430];
	v4 =	vshll.u32 v4, $0x4  }
0x217: {  	v6 =	vshll.u32 v6, $0x4;
	[tilespmem:v3+s23+$0x0] =	vst.idx.add.s32.msk $0xffff, v2;
	v3 =	vor.u32 v1, v4  }
0x218: {  	v15 =	vld [tilespmem:s0+$0x8440];
	v6 =	vor.u32 v1, v6;
	v4 =	vshll.u32 v5, $0x4  }
0x219: {  	v16 =	vld [tilespmem:s0+$0x8450];
	v7 =	vshll.u32 v7, $0x4;
	v4 =	vor.u32 v1, v4  }
0x21a: {  	v17 =	vld [tilespmem:s0+$0x8460];
	v8 =	vshll.u32 v8, $0x4;
	v7 =	vor.u32 v1, v7  }
0x21b: {  	v10 =	vshll.u32 v10, $0x4;
	v8 =	vor.u32 v1, v8;
	v5 =	vld [tilespmem:s0+$0x8420]  }
0x21c: {  	v9 =	vshll.u32 v9, $0x4;
	[tilespmem:v3+s23+$0x0] =	vst.idx.add.s32.msk $0xffff, v2;
	v3 =	vor.u32 v1, v10  }
0x21d: {  	v62 =	vshll.u32 v11, $0x4;
	v9 =	vor.u32 v1, v9;
	[tilespmem:v6+s23+$0x0] =	vst.idx.add.s32.msk $0xffff, v2  }
0x21e: {  	v10 =	vor.u32 v1, v62;
	[tilespmem:v4+s23+$0x0] =	vst.idx.add.s32.msk $0xffff, v2;
	v4 =	vshll.u32 v12, $0x4  }
0x21f: {  	[tilespmem:v7+s23+$0x0] =	vst.idx.add.s32.msk $0xffff, v2;
	v6 =	vor.u32 v1, v4;
	v4 =	vshll.u32 v13, $0x4  }
0x220: {  	[tilespmem:v8+s23+$0x0] =	vst.idx.add.s32.msk $0xffff, v2;
	v63 =	vor.u32 v1, v4;
	v4 =	vshll.u32 v5, $0x4  }
0x221: {  	v5 =	vshll.u32 v14, $0x4;
	[tilespmem:v3+s23+$0x0] =	vst.idx.add.s32.msk $0xffff, v2;
	v3 =	vor.u32 v1, v4  }
0x222: {  	[tilespmem:v9+s23+$0x0] =	vst.idx.add.s32.msk $0xffff, v2;
	v4 =	vor.u32 v1, v5;
	v5 =	vshll.u32 v15, $0x4  }
0x223: {  	v7 =	vshll.u32 v16, $0x4;
	[tilespmem:v10+s23+$0x0] =	vst.idx.add.s32.msk $0xffff, v2;
	v5 =	vor.u32 v1, v5  }
0x224: {  	v8 =	vshll.u32 v17, $0x4;
	[tilespmem:v6+s23+$0x0] =	vst.idx.add.s32.msk $0xffff, v2;
	v6 =	vor.u32 v1, v7  }
0x225: {  	s0 =	simm.s32 $0x0;
	v7 =	vor.u32 v1, v8;
	[tilespmem:v63+s23+$0x0] =	vst.idx.add.s32.msk $0xffff, v2  }
.LBB2_18:
0x226: {  	s0 =	sadd.s32 $0x10, s0;
	[tilespmem:v3+s23+$0x0] =	vst.idx.add.s32.msk $0xffff, v2  }
0x227: {  	s30 =	sadd.s32 $0x800, s30;
	s1 =	sshll.u32 s0, $0x4;
	p0 =	slt.u32 s0, $0x7F0;
	[tilespmem:v4+s23+$0x0] =	vst.idx.add.s32.msk $0xffff, v2  }
0x228: {  	s26 =	sand.u32 $0x800, s30;
	s31 =	sshll.u32 s0, $0x2;
	s1 =	sand.u32 $0x7000, s1;
	[tilespmem:v5+s23+$0x0] =	vst.idx.add.s32.msk $0xffff, v2  }
0x229: {  	s31 =	sand.u32 $0x380, s31;
	s1 =	sor.u32 s26, s1;
	[tilespmem:v6+s23+$0x0] =	vst.idx.add.s32.msk $0xffff, v2  }
0x22a: {  	s1 =	sor.u32 s31, s1;
	[tilespmem:v7+s23+$0x0] =	vst.idx.add.s32.msk $0xffff, v2  }
0x22b: {  	v3 =	vld [tilespmem:s1+$0x8470]  }
0x22c: {  	v4 =	vld [tilespmem:s1+$0x8000]  }
0x22d: {  	v5 =	vld [tilespmem:s1+$0x8010]  }
0x22e: {  	v6 =	vld [tilespmem:s1+$0x8020]  }
0x22f: {  	v7 =	vld [tilespmem:s1+$0x8030]  }
0x230: {  	v8 =	vld [tilespmem:s1+$0x8040];
	v3 =	vshll.u32 v3, $0x4  }
0x231: {  	v4 =	vshll.u32 v4, $0x4;
	v9 =	vld [tilespmem:s1+$0x8050];
	v3 =	vor.u32 v1, v3  }
0x232: {  	v4 =	vor.u32 v1, v4;
	v5 =	vshll.u32 v5, $0x4;
	v10 =	vld [tilespmem:s1+$0x8060]  }
0x233: {  	v5 =	vor.u32 v1, v5;
	v6 =	vshll.u32 v6, $0x4;
	v11 =	vld [tilespmem:s1+$0x8070]  }
0x234: {  	v6 =	vor.u32 v1, v6;
	v7 =	vshll.u32 v7, $0x4;
	v12 =	vld [tilespmem:s1+$0x8400]  }
0x235: {  	v7 =	vor.u32 v1, v7;
	v8 =	vshll.u32 v8, $0x4;
	v13 =	vld [tilespmem:s1+$0x8410]  }
0x236: {  	v8 =	vor.u32 v1, v8;
	v9 =	vshll.u32 v9, $0x4;
	[tilespmem:v3+s23+$0x0] =	vst.idx.add.s32.msk $0xffff, v2  }
0x237: {  	v9 =	vor.u32 v1, v9;
	v3 =	vshll.u32 v10, $0x4;
	v10 =	vld [tilespmem:s1+$0x8420]  }
0x238: {  	v14 =	vor.u32 v1, v3;
	v3 =	vshll.u32 v11, $0x4;
	v11 =	vld [tilespmem:s1+$0x8430]  }
0x239: {  	v15 =	vor.u32 v1, v3;
	v3 =	vshll.u32 v12, $0x4;
	v12 =	vld [tilespmem:s1+$0x8440]  }
0x23a: {  	v16 =	vor.u32 v1, v3;
	v3 =	vshll.u32 v13, $0x4;
	v13 =	vld [tilespmem:s1+$0x8450]  }
0x23b: {  	v17 =	vor.u32 v1, v3;
	v18 =	vld [tilespmem:s1+$0x8460]  }
0x23c: {  	[tilespmem:v4+s23+$0x0] =	vst.idx.add.s32.msk $0xffff, v2;
	v3 =	vshll.u32 v10, $0x4  }
0x23d: {  	[tilespmem:v5+s23+$0x0] =	vst.idx.add.s32.msk $0xffff, v2;
	v3 =	vor.u32 v1, v3;
	v4 =	vshll.u32 v11, $0x4  }
0x23e: {  	[tilespmem:v6+s23+$0x0] =	vst.idx.add.s32.msk $0xffff, v2;
	v4 =	vor.u32 v1, v4;
	v5 =	vshll.u32 v12, $0x4  }
0x23f: {  	[tilespmem:v7+s23+$0x0] =	vst.idx.add.s32.msk $0xffff, v2;
	v5 =	vor.u32 v1, v5;
	v6 =	vshll.u32 v13, $0x4  }
0x240: {  	[tilespmem:v8+s23+$0x0] =	vst.idx.add.s32.msk $0xffff, v2;
	v6 =	vor.u32 v1, v6;
	v7 =	vshll.u32 v18, $0x4  }
.Ltmp8:
0x241: {  	[tilespmem:v9+s23+$0x0] =	vst.idx.add.s32.msk $0xffff, v2;
	v7 =	vor.u32 v1, v7;
	(pc) =	sbr.rel @p0 .LBB2_18-.Ltmp8, $4  }
0x242: {  	[tilespmem:v14+s23+$0x0] =	vst.idx.add.s32.msk $0xffff, v2  }
0x243: {  	[tilespmem:v15+s23+$0x0] =	vst.idx.add.s32.msk $0xffff, v2  }
0x244: {  	[tilespmem:v16+s23+$0x0] =	vst.idx.add.s32.msk $0xffff, v2  }
0x245: {  	[tilespmem:v17+s23+$0x0] =	vst.idx.add.s32.msk $0xffff, v2  }
0x246: {  	_ =	sdelay $0x3  }
0x247: {  	[tilespmem:v3+s23+$0x0] =	vst.idx.add.s32.msk $0xffff, v2  }
0x248: {  	[tilespmem:v4+s23+$0x0] =	vst.idx.add.s32.msk $0xffff, v2  }
0x249: {  	[tilespmem:v5+s23+$0x0] =	vst.idx.add.s32.msk $0xffff, v2  }
0x24a: {  	[tilespmem:v6+s23+$0x0] =	vst.idx.add.s32.msk $0xffff, v2  }
0x24b: {  	[tilespmem:v7+s23+$0x0] =	vst.idx.add.s32.msk $0xffff, v2;
	s30 =	simm.s32 $0x0;
	s0 =	simm.s32 $0x0;
	s26 =	simm.s32 $0x0  }
0x24c: {  	[tilespmem:s21], [sflag:$0x2] =	stream.linear.gather [hbm4b:s12+s30], $0x8000, $0x38;
	[tilespmem:$0x14400] =	vst v63  }
0x24d: {  	s0 =	sand.u32 $0x7000, s0;
	s1 =	sand.u32 $0x800, s30;
	_ =	swait.ge [sflag:s22], $0x8000  }
0x24e: {  	s26 =	sand.u32 $0x380, s26;
	s0 =	sor.u32 s1, s0;
	[sflag:s22] =	ssyncset.done $0x0  }
0x24f: {  	s0 =	sor.u32 s26, s0;
	[sflag:s22] =	ssyncadd.s32 $0xFFFF8000  }
0x250: {  	v3 =	vld [tilespmem:s0+$0x470]  }
0x251: {  	v4 =	vld [tilespmem:s0+$0x0]  }
0x252: {  	v5 =	vld [tilespmem:s0+$0x10]  }
0x253: {  	v6 =	vld [tilespmem:s0+$0x20]  }
0x254: {  	v7 =	vld [tilespmem:s0+$0x30]  }
0x255: {  	v8 =	vld [tilespmem:s0+$0x40]  }
0x256: {  	v9 =	vld [tilespmem:s0+$0x50];
	v3 =	vshll.u32 v3, $0x4  }
0x257: {  	v10 =	vld [tilespmem:s0+$0x60];
	v3 =	vor.u32 v1, v3  }
0x258: {  	v11 =	vld [tilespmem:s0+$0x70]  }
0x259: {  	v12 =	vld [tilespmem:s0+$0x400]  }
0x25a: {  	v13 =	vld [tilespmem:s0+$0x410]  }
0x25b: {  	v14 =	vld [tilespmem:s0+$0x430];
	v4 =	vshll.u32 v4, $0x4  }
0x25c: {  	v6 =	vshll.u32 v6, $0x4;
	[tilespmem:v3+s23+$0x0] =	vst.idx.add.s32.msk $0xffff, v2;
	v3 =	vor.u32 v1, v4  }
0x25d: {  	v15 =	vld [tilespmem:s0+$0x440];
	v6 =	vor.u32 v1, v6;
	v4 =	vshll.u32 v5, $0x4  }
0x25e: {  	v16 =	vld [tilespmem:s0+$0x450];
	v7 =	vshll.u32 v7, $0x4;
	v4 =	vor.u32 v1, v4  }
0x25f: {  	v17 =	vld [tilespmem:s0+$0x460];
	v8 =	vshll.u32 v8, $0x4;
	v7 =	vor.u32 v1, v7  }
0x260: {  	v10 =	vshll.u32 v10, $0x4;
	v8 =	vor.u32 v1, v8;
	v5 =	vld [tilespmem:s0+$0x420]  }
0x261: {  	v9 =	vshll.u32 v9, $0x4;
	[tilespmem:v3+s23+$0x0] =	vst.idx.add.s32.msk $0xffff, v2;
	v3 =	vor.u32 v1, v10  }
0x262: {  	v62 =	vshll.u32 v11, $0x4;
	v9 =	vor.u32 v1, v9;
	[tilespmem:v6+s23+$0x0] =	vst.idx.add.s32.msk $0xffff, v2  }
0x263: {  	v10 =	vor.u32 v1, v62;
	[tilespmem:v4+s23+$0x0] =	vst.idx.add.s32.msk $0xffff, v2;
	v4 =	vshll.u32 v12, $0x4  }
0x264: {  	[tilespmem:v7+s23+$0x0] =	vst.idx.add.s32.msk $0xffff, v2;
	v6 =	vor.u32 v1, v4;
	v4 =	vshll.u32 v13, $0x4  }
0x265: {  	[tilespmem:v8+s23+$0x0] =	vst.idx.add.s32.msk $0xffff, v2;
	v63 =	vor.u32 v1, v4;
	v4 =	vshll.u32 v5, $0x4  }
0x266: {  	v5 =	vshll.u32 v14, $0x4;
	[tilespmem:v3+s23+$0x0] =	vst.idx.add.s32.msk $0xffff, v2;
	v3 =	vor.u32 v1, v4  }
0x267: {  	[tilespmem:v9+s23+$0x0] =	vst.idx.add.s32.msk $0xffff, v2;
	v4 =	vor.u32 v1, v5;
	v5 =	vshll.u32 v15, $0x4  }
0x268: {  	v7 =	vshll.u32 v16, $0x4;
	[tilespmem:v10+s23+$0x0] =	vst.idx.add.s32.msk $0xffff, v2;
	v5 =	vor.u32 v1, v5  }
0x269: {  	v8 =	vshll.u32 v17, $0x4;
	[tilespmem:v6+s23+$0x0] =	vst.idx.add.s32.msk $0xffff, v2;
	v6 =	vor.u32 v1, v7  }
0x26a: {  	s0 =	simm.s32 $0x0;
	v7 =	vor.u32 v1, v8;
	[tilespmem:v63+s23+$0x0] =	vst.idx.add.s32.msk $0xffff, v2  }
.LBB2_20:
0x26b: {  	s0 =	sadd.s32 $0x10, s0;
	[tilespmem:v3+s23+$0x0] =	vst.idx.add.s32.msk $0xffff, v2  }
0x26c: {  	s30 =	sadd.s32 $0x800, s30;
	s1 =	sshll.u32 s0, $0x4;
	p0 =	slt.u32 s0, $0x7F0;
	[tilespmem:v4+s23+$0x0] =	vst.idx.add.s32.msk $0xffff, v2  }
0x26d: {  	s26 =	sand.u32 $0x800, s30;
	s31 =	sshll.u32 s0, $0x2;
	s1 =	sand.u32 $0x7000, s1;
	[tilespmem:v5+s23+$0x0] =	vst.idx.add.s32.msk $0xffff, v2  }
0x26e: {  	s31 =	sand.u32 $0x380, s31;
	s1 =	sor.u32 s26, s1;
	[tilespmem:v6+s23+$0x0] =	vst.idx.add.s32.msk $0xffff, v2  }
0x26f: {  	s1 =	sor.u32 s31, s1;
	[tilespmem:v7+s23+$0x0] =	vst.idx.add.s32.msk $0xffff, v2  }
0x270: {  	v3 =	vld [tilespmem:s1+$0x470]  }
0x271: {  	v4 =	vld [tilespmem:s1+$0x0]  }
0x272: {  	v5 =	vld [tilespmem:s1+$0x10]  }
0x273: {  	v6 =	vld [tilespmem:s1+$0x20]  }
0x274: {  	v7 =	vld [tilespmem:s1+$0x30]  }
0x275: {  	v8 =	vld [tilespmem:s1+$0x40];
	v3 =	vshll.u32 v3, $0x4  }
0x276: {  	v4 =	vshll.u32 v4, $0x4;
	v9 =	vld [tilespmem:s1+$0x50];
	v3 =	vor.u32 v1, v3  }
0x277: {  	v4 =	vor.u32 v1, v4;
	v5 =	vshll.u32 v5, $0x4;
	v10 =	vld [tilespmem:s1+$0x60]  }
0x278: {  	v5 =	vor.u32 v1, v5;
	v6 =	vshll.u32 v6, $0x4;
	v11 =	vld [tilespmem:s1+$0x70]  }
0x279: {  	v6 =	vor.u32 v1, v6;
	v7 =	vshll.u32 v7, $0x4;
	v12 =	vld [tilespmem:s1+$0x400]  }
0x27a: {  	v7 =	vor.u32 v1, v7;
	v8 =	vshll.u32 v8, $0x4;
	v13 =	vld [tilespmem:s1+$0x410]  }
0x27b: {  	v8 =	vor.u32 v1, v8;
	v9 =	vshll.u32 v9, $0x4;
	[tilespmem:v3+s23+$0x0] =	vst.idx.add.s32.msk $0xffff, v2  }
0x27c: {  	v9 =	vor.u32 v1, v9;
	v3 =	vshll.u32 v10, $0x4;
	v10 =	vld [tilespmem:s1+$0x420]  }
0x27d: {  	v14 =	vor.u32 v1, v3;
	v3 =	vshll.u32 v11, $0x4;
	v11 =	vld [tilespmem:s1+$0x430]  }
0x27e: {  	v15 =	vor.u32 v1, v3;
	v3 =	vshll.u32 v12, $0x4;
	v12 =	vld [tilespmem:s1+$0x440]  }
0x27f: {  	v16 =	vor.u32 v1, v3;
	v3 =	vshll.u32 v13, $0x4;
	v13 =	vld [tilespmem:s1+$0x450]  }
0x280: {  	v17 =	vor.u32 v1, v3;
	v18 =	vld [tilespmem:s1+$0x460]  }
0x281: {  	[tilespmem:v4+s23+$0x0] =	vst.idx.add.s32.msk $0xffff, v2;
	v3 =	vshll.u32 v10, $0x4  }
0x282: {  	[tilespmem:v5+s23+$0x0] =	vst.idx.add.s32.msk $0xffff, v2;
	v3 =	vor.u32 v1, v3;
	v4 =	vshll.u32 v11, $0x4  }
0x283: {  	[tilespmem:v6+s23+$0x0] =	vst.idx.add.s32.msk $0xffff, v2;
	v4 =	vor.u32 v1, v4;
	v5 =	vshll.u32 v12, $0x4  }
0x284: {  	[tilespmem:v7+s23+$0x0] =	vst.idx.add.s32.msk $0xffff, v2;
	v5 =	vor.u32 v1, v5;
	v6 =	vshll.u32 v13, $0x4  }
0x285: {  	[tilespmem:v8+s23+$0x0] =	vst.idx.add.s32.msk $0xffff, v2;
	v6 =	vor.u32 v1, v6;
	v7 =	vshll.u32 v18, $0x4  }
.Ltmp9:
0x286: {  	[tilespmem:v9+s23+$0x0] =	vst.idx.add.s32.msk $0xffff, v2;
	v7 =	vor.u32 v1, v7;
	(pc) =	sbr.rel @p0 .LBB2_20-.Ltmp9, $4  }
0x287: {  	[tilespmem:v14+s23+$0x0] =	vst.idx.add.s32.msk $0xffff, v2  }
0x288: {  	[tilespmem:v15+s23+$0x0] =	vst.idx.add.s32.msk $0xffff, v2  }
0x289: {  	[tilespmem:v16+s23+$0x0] =	vst.idx.add.s32.msk $0xffff, v2  }
0x28a: {  	[tilespmem:v17+s23+$0x0] =	vst.idx.add.s32.msk $0xffff, v2  }
0x28b: {  	_ =	sdelay $0x3  }
0x28c: {  	[tilespmem:v3+s23+$0x0] =	vst.idx.add.s32.msk $0xffff, v2  }
0x28d: {  	[tilespmem:v4+s23+$0x0] =	vst.idx.add.s32.msk $0xffff, v2  }
0x28e: {  	[tilespmem:v5+s23+$0x0] =	vst.idx.add.s32.msk $0xffff, v2  }
0x28f: {  	[tilespmem:v6+s23+$0x0] =	vst.idx.add.s32.msk $0xffff, v2  }
0x290: {  	[tilespmem:v7+s23+$0x0] =	vst.idx.add.s32.msk $0xffff, v2;
	s30 =	simm.s32 $0x0;
	s0 =	simm.s32 $0x0;
	s26 =	simm.s32 $0x0  }
0x291: {  	[tilespmem:s30], [sflag:$0x1] =	stream.linear.gather [hbm4b:s13+s30], $0x8000, $0x38;
	[tilespmem:$0x14400] =	vst v63  }
0x292: {  	s0 =	sand.u32 $0x7000, s0;
	s1 =	sand.u32 $0x800, s30;
	_ =	swait.ge [sflag:s24], $0x8000  }
0x293: {  	s26 =	sand.u32 $0x380, s26;
	s0 =	sor.u32 s1, s0;
	[sflag:s24] =	ssyncset.done $0x0  }
0x294: {  	s0 =	sor.u32 s26, s0;
	[sflag:s24] =	ssyncadd.s32 $0xFFFF8000  }
0x295: {  	v3 =	vld [tilespmem:s0+$0x8470]  }
0x296: {  	v4 =	vld [tilespmem:s0+$0x8000]  }
0x297: {  	v5 =	vld [tilespmem:s0+$0x8010]  }
0x298: {  	v6 =	vld [tilespmem:s0+$0x8020]  }
0x299: {  	v7 =	vld [tilespmem:s0+$0x8030]  }
0x29a: {  	v8 =	vld [tilespmem:s0+$0x8040]  }
0x29b: {  	v9 =	vld [tilespmem:s0+$0x8050];
	v3 =	vshll.u32 v3, $0x4  }
0x29c: {  	v10 =	vld [tilespmem:s0+$0x8060];
	v3 =	vor.u32 v1, v3  }
0x29d: {  	v11 =	vld [tilespmem:s0+$0x8070]  }
0x29e: {  	v12 =	vld [tilespmem:s0+$0x8400]  }
0x29f: {  	v13 =	vld [tilespmem:s0+$0x8410]  }
0x2a0: {  	v14 =	vld [tilespmem:s0+$0x8430];
	v4 =	vshll.u32 v4, $0x4  }
0x2a1: {  	v6 =	vshll.u32 v6, $0x4;
	[tilespmem:v3+s23+$0x0] =	vst.idx.add.s32.msk $0xffff, v2;
	v3 =	vor.u32 v1, v4  }
0x2a2: {  	v15 =	vld [tilespmem:s0+$0x8440];
	v6 =	vor.u32 v1, v6;
	v4 =	vshll.u32 v5, $0x4  }
0x2a3: {  	v16 =	vld [tilespmem:s0+$0x8450];
	v7 =	vshll.u32 v7, $0x4;
	v4 =	vor.u32 v1, v4  }
0x2a4: {  	v17 =	vld [tilespmem:s0+$0x8460];
	v8 =	vshll.u32 v8, $0x4;
	v7 =	vor.u32 v1, v7  }
0x2a5: {  	v10 =	vshll.u32 v10, $0x4;
	v8 =	vor.u32 v1, v8;
	v5 =	vld [tilespmem:s0+$0x8420]  }
0x2a6: {  	v9 =	vshll.u32 v9, $0x4;
	[tilespmem:v3+s23+$0x0] =	vst.idx.add.s32.msk $0xffff, v2;
	v3 =	vor.u32 v1, v10  }
0x2a7: {  	v62 =	vshll.u32 v11, $0x4;
	v9 =	vor.u32 v1, v9;
	[tilespmem:v6+s23+$0x0] =	vst.idx.add.s32.msk $0xffff, v2  }
0x2a8: {  	v10 =	vor.u32 v1, v62;
	[tilespmem:v4+s23+$0x0] =	vst.idx.add.s32.msk $0xffff, v2;
	v4 =	vshll.u32 v12, $0x4  }
0x2a9: {  	[tilespmem:v7+s23+$0x0] =	vst.idx.add.s32.msk $0xffff, v2;
	v6 =	vor.u32 v1, v4;
	v4 =	vshll.u32 v13, $0x4  }
0x2aa: {  	[tilespmem:v8+s23+$0x0] =	vst.idx.add.s32.msk $0xffff, v2;
	v63 =	vor.u32 v1, v4;
	v4 =	vshll.u32 v5, $0x4  }
0x2ab: {  	v5 =	vshll.u32 v14, $0x4;
	[tilespmem:v3+s23+$0x0] =	vst.idx.add.s32.msk $0xffff, v2;
	v3 =	vor.u32 v1, v4  }
0x2ac: {  	[tilespmem:v9+s23+$0x0] =	vst.idx.add.s32.msk $0xffff, v2;
	v4 =	vor.u32 v1, v5;
	v5 =	vshll.u32 v15, $0x4  }
0x2ad: {  	v7 =	vshll.u32 v16, $0x4;
	[tilespmem:v10+s23+$0x0] =	vst.idx.add.s32.msk $0xffff, v2;
	v5 =	vor.u32 v1, v5  }
0x2ae: {  	v8 =	vshll.u32 v17, $0x4;
	[tilespmem:v6+s23+$0x0] =	vst.idx.add.s32.msk $0xffff, v2;
	v6 =	vor.u32 v1, v7  }
0x2af: {  	s0 =	simm.s32 $0x0;
	v7 =	vor.u32 v1, v8;
	[tilespmem:v63+s23+$0x0] =	vst.idx.add.s32.msk $0xffff, v2  }
.LBB2_22:
0x2b0: {  	s0 =	sadd.s32 $0x10, s0;
	[tilespmem:v3+s23+$0x0] =	vst.idx.add.s32.msk $0xffff, v2  }
0x2b1: {  	s30 =	sadd.s32 $0x800, s30;
	s1 =	sshll.u32 s0, $0x4;
	p0 =	slt.u32 s0, $0x7F0;
	[tilespmem:v4+s23+$0x0] =	vst.idx.add.s32.msk $0xffff, v2  }
0x2b2: {  	s26 =	sand.u32 $0x800, s30;
	s31 =	sshll.u32 s0, $0x2;
	s1 =	sand.u32 $0x7000, s1;
	[tilespmem:v5+s23+$0x0] =	vst.idx.add.s32.msk $0xffff, v2  }
0x2b3: {  	s31 =	sand.u32 $0x380, s31;
	s1 =	sor.u32 s26, s1;
	[tilespmem:v6+s23+$0x0] =	vst.idx.add.s32.msk $0xffff, v2  }
0x2b4: {  	s1 =	sor.u32 s31, s1;
	[tilespmem:v7+s23+$0x0] =	vst.idx.add.s32.msk $0xffff, v2  }
0x2b5: {  	v3 =	vld [tilespmem:s1+$0x8470]  }
0x2b6: {  	v4 =	vld [tilespmem:s1+$0x8000]  }
0x2b7: {  	v5 =	vld [tilespmem:s1+$0x8010]  }
0x2b8: {  	v6 =	vld [tilespmem:s1+$0x8020]  }
0x2b9: {  	v7 =	vld [tilespmem:s1+$0x8030]  }
0x2ba: {  	v8 =	vld [tilespmem:s1+$0x8040];
	v3 =	vshll.u32 v3, $0x4  }
0x2bb: {  	v4 =	vshll.u32 v4, $0x4;
	v9 =	vld [tilespmem:s1+$0x8050];
	v3 =	vor.u32 v1, v3  }
0x2bc: {  	v4 =	vor.u32 v1, v4;
	v5 =	vshll.u32 v5, $0x4;
	v10 =	vld [tilespmem:s1+$0x8060]  }
0x2bd: {  	v5 =	vor.u32 v1, v5;
	v6 =	vshll.u32 v6, $0x4;
	v11 =	vld [tilespmem:s1+$0x8070]  }
0x2be: {  	v6 =	vor.u32 v1, v6;
	v7 =	vshll.u32 v7, $0x4;
	v12 =	vld [tilespmem:s1+$0x8400]  }
0x2bf: {  	v7 =	vor.u32 v1, v7;
	v8 =	vshll.u32 v8, $0x4;
	v13 =	vld [tilespmem:s1+$0x8410]  }
0x2c0: {  	v8 =	vor.u32 v1, v8;
	v9 =	vshll.u32 v9, $0x4;
	[tilespmem:v3+s23+$0x0] =	vst.idx.add.s32.msk $0xffff, v2  }
0x2c1: {  	v9 =	vor.u32 v1, v9;
	v3 =	vshll.u32 v10, $0x4;
	v10 =	vld [tilespmem:s1+$0x8420]  }
0x2c2: {  	v14 =	vor.u32 v1, v3;
	v3 =	vshll.u32 v11, $0x4;
	v11 =	vld [tilespmem:s1+$0x8430]  }
0x2c3: {  	v15 =	vor.u32 v1, v3;
	v3 =	vshll.u32 v12, $0x4;
	v12 =	vld [tilespmem:s1+$0x8440]  }
0x2c4: {  	v16 =	vor.u32 v1, v3;
	v3 =	vshll.u32 v13, $0x4;
	v13 =	vld [tilespmem:s1+$0x8450]  }
0x2c5: {  	v17 =	vor.u32 v1, v3;
	v18 =	vld [tilespmem:s1+$0x8460]  }
0x2c6: {  	[tilespmem:v4+s23+$0x0] =	vst.idx.add.s32.msk $0xffff, v2;
	v3 =	vshll.u32 v10, $0x4  }
0x2c7: {  	[tilespmem:v5+s23+$0x0] =	vst.idx.add.s32.msk $0xffff, v2;
	v3 =	vor.u32 v1, v3;
	v4 =	vshll.u32 v11, $0x4  }
0x2c8: {  	[tilespmem:v6+s23+$0x0] =	vst.idx.add.s32.msk $0xffff, v2;
	v4 =	vor.u32 v1, v4;
	v5 =	vshll.u32 v12, $0x4  }
0x2c9: {  	[tilespmem:v7+s23+$0x0] =	vst.idx.add.s32.msk $0xffff, v2;
	v5 =	vor.u32 v1, v5;
	v6 =	vshll.u32 v13, $0x4  }
0x2ca: {  	[tilespmem:v8+s23+$0x0] =	vst.idx.add.s32.msk $0xffff, v2;
	v6 =	vor.u32 v1, v6;
	v7 =	vshll.u32 v18, $0x4  }
.Ltmp10:
0x2cb: {  	[tilespmem:v9+s23+$0x0] =	vst.idx.add.s32.msk $0xffff, v2;
	v7 =	vor.u32 v1, v7;
	(pc) =	sbr.rel @p0 .LBB2_22-.Ltmp10, $4  }
0x2cc: {  	[tilespmem:v14+s23+$0x0] =	vst.idx.add.s32.msk $0xffff, v2  }
0x2cd: {  	[tilespmem:v15+s23+$0x0] =	vst.idx.add.s32.msk $0xffff, v2  }
0x2ce: {  	[tilespmem:v16+s23+$0x0] =	vst.idx.add.s32.msk $0xffff, v2  }
0x2cf: {  	[tilespmem:v17+s23+$0x0] =	vst.idx.add.s32.msk $0xffff, v2  }
0x2d0: {  	_ =	sdelay $0x3  }
0x2d1: {  	[tilespmem:v3+s23+$0x0] =	vst.idx.add.s32.msk $0xffff, v2  }
0x2d2: {  	[tilespmem:v4+s23+$0x0] =	vst.idx.add.s32.msk $0xffff, v2  }
0x2d3: {  	[tilespmem:v5+s23+$0x0] =	vst.idx.add.s32.msk $0xffff, v2  }
0x2d4: {  	[tilespmem:v6+s23+$0x0] =	vst.idx.add.s32.msk $0xffff, v2  }
0x2d5: {  	[tilespmem:v7+s23+$0x0] =	vst.idx.add.s32.msk $0xffff, v2;
	s30 =	simm.s32 $0x0;
	s0 =	simm.s32 $0x0;
	s26 =	simm.s32 $0x0  }
0x2d6: {  	[tilespmem:s21], [sflag:$0x2] =	stream.linear.gather [hbm4b:s14+s30], $0x8000, $0x38;
	[tilespmem:$0x14400] =	vst v63  }
0x2d7: {  	s0 =	sand.u32 $0x7000, s0;
	s1 =	sand.u32 $0x800, s30;
	_ =	swait.ge [sflag:s22], $0x8000  }
0x2d8: {  	s26 =	sand.u32 $0x380, s26;
	s0 =	sor.u32 s1, s0;
	[sflag:s22] =	ssyncset.done $0x0  }
0x2d9: {  	s0 =	sor.u32 s26, s0;
	[sflag:s22] =	ssyncadd.s32 $0xFFFF8000  }
0x2da: {  	v3 =	vld [tilespmem:s0+$0x470]  }
0x2db: {  	v4 =	vld [tilespmem:s0+$0x0]  }
0x2dc: {  	v5 =	vld [tilespmem:s0+$0x10]  }
0x2dd: {  	v6 =	vld [tilespmem:s0+$0x20]  }
0x2de: {  	v7 =	vld [tilespmem:s0+$0x30]  }
0x2df: {  	v8 =	vld [tilespmem:s0+$0x40]  }
0x2e0: {  	v9 =	vld [tilespmem:s0+$0x50];
	v3 =	vshll.u32 v3, $0x4  }
0x2e1: {  	v10 =	vld [tilespmem:s0+$0x60];
	v3 =	vor.u32 v1, v3  }
0x2e2: {  	v11 =	vld [tilespmem:s0+$0x70]  }
0x2e3: {  	v12 =	vld [tilespmem:s0+$0x400]  }
0x2e4: {  	v13 =	vld [tilespmem:s0+$0x410]  }
0x2e5: {  	v14 =	vld [tilespmem:s0+$0x430];
	v4 =	vshll.u32 v4, $0x4  }
0x2e6: {  	v6 =	vshll.u32 v6, $0x4;
	[tilespmem:v3+s23+$0x0] =	vst.idx.add.s32.msk $0xffff, v2;
	v3 =	vor.u32 v1, v4  }
0x2e7: {  	v15 =	vld [tilespmem:s0+$0x440];
	v6 =	vor.u32 v1, v6;
	v4 =	vshll.u32 v5, $0x4  }
0x2e8: {  	v16 =	vld [tilespmem:s0+$0x450];
	v7 =	vshll.u32 v7, $0x4;
	v4 =	vor.u32 v1, v4  }
0x2e9: {  	v17 =	vld [tilespmem:s0+$0x460];
	v8 =	vshll.u32 v8, $0x4;
	v7 =	vor.u32 v1, v7  }
0x2ea: {  	v10 =	vshll.u32 v10, $0x4;
	v8 =	vor.u32 v1, v8;
	v5 =	vld [tilespmem:s0+$0x420]  }
0x2eb: {  	v9 =	vshll.u32 v9, $0x4;
	[tilespmem:v3+s23+$0x0] =	vst.idx.add.s32.msk $0xffff, v2;
	v3 =	vor.u32 v1, v10  }
0x2ec: {  	v62 =	vshll.u32 v11, $0x4;
	v9 =	vor.u32 v1, v9;
	[tilespmem:v6+s23+$0x0] =	vst.idx.add.s32.msk $0xffff, v2  }
0x2ed: {  	v10 =	vor.u32 v1, v62;
	[tilespmem:v4+s23+$0x0] =	vst.idx.add.s32.msk $0xffff, v2;
	v4 =	vshll.u32 v12, $0x4  }
0x2ee: {  	[tilespmem:v7+s23+$0x0] =	vst.idx.add.s32.msk $0xffff, v2;
	v6 =	vor.u32 v1, v4;
	v4 =	vshll.u32 v13, $0x4  }
0x2ef: {  	[tilespmem:v8+s23+$0x0] =	vst.idx.add.s32.msk $0xffff, v2;
	v63 =	vor.u32 v1, v4;
	v4 =	vshll.u32 v5, $0x4  }
0x2f0: {  	v5 =	vshll.u32 v14, $0x4;
	[tilespmem:v3+s23+$0x0] =	vst.idx.add.s32.msk $0xffff, v2;
	v3 =	vor.u32 v1, v4  }
0x2f1: {  	[tilespmem:v9+s23+$0x0] =	vst.idx.add.s32.msk $0xffff, v2;
	v4 =	vor.u32 v1, v5;
	v5 =	vshll.u32 v15, $0x4  }
0x2f2: {  	v7 =	vshll.u32 v16, $0x4;
	[tilespmem:v10+s23+$0x0] =	vst.idx.add.s32.msk $0xffff, v2;
	v5 =	vor.u32 v1, v5  }
0x2f3: {  	v8 =	vshll.u32 v17, $0x4;
	[tilespmem:v6+s23+$0x0] =	vst.idx.add.s32.msk $0xffff, v2;
	v6 =	vor.u32 v1, v7  }
0x2f4: {  	s0 =	simm.s32 $0x0;
	v7 =	vor.u32 v1, v8;
	[tilespmem:v63+s23+$0x0] =	vst.idx.add.s32.msk $0xffff, v2  }
.LBB2_24:
0x2f5: {  	s0 =	sadd.s32 $0x10, s0;
	[tilespmem:v3+s23+$0x0] =	vst.idx.add.s32.msk $0xffff, v2  }
0x2f6: {  	s30 =	sadd.s32 $0x800, s30;
	s1 =	sshll.u32 s0, $0x4;
	p0 =	slt.u32 s0, $0x7F0;
	[tilespmem:v4+s23+$0x0] =	vst.idx.add.s32.msk $0xffff, v2  }
0x2f7: {  	s26 =	sand.u32 $0x800, s30;
	s31 =	sshll.u32 s0, $0x2;
	s1 =	sand.u32 $0x7000, s1;
	[tilespmem:v5+s23+$0x0] =	vst.idx.add.s32.msk $0xffff, v2  }
0x2f8: {  	s31 =	sand.u32 $0x380, s31;
	s1 =	sor.u32 s26, s1;
	[tilespmem:v6+s23+$0x0] =	vst.idx.add.s32.msk $0xffff, v2  }
0x2f9: {  	s1 =	sor.u32 s31, s1;
	[tilespmem:v7+s23+$0x0] =	vst.idx.add.s32.msk $0xffff, v2  }
0x2fa: {  	v3 =	vld [tilespmem:s1+$0x470]  }
0x2fb: {  	v4 =	vld [tilespmem:s1+$0x0]  }
0x2fc: {  	v5 =	vld [tilespmem:s1+$0x10]  }
0x2fd: {  	v6 =	vld [tilespmem:s1+$0x20]  }
0x2fe: {  	v7 =	vld [tilespmem:s1+$0x30]  }
0x2ff: {  	v8 =	vld [tilespmem:s1+$0x40];
	v3 =	vshll.u32 v3, $0x4  }
0x300: {  	v4 =	vshll.u32 v4, $0x4;
	v9 =	vld [tilespmem:s1+$0x50];
	v3 =	vor.u32 v1, v3  }
0x301: {  	v4 =	vor.u32 v1, v4;
	v5 =	vshll.u32 v5, $0x4;
	v10 =	vld [tilespmem:s1+$0x60]  }
0x302: {  	v5 =	vor.u32 v1, v5;
	v6 =	vshll.u32 v6, $0x4;
	v11 =	vld [tilespmem:s1+$0x70]  }
0x303: {  	v6 =	vor.u32 v1, v6;
	v7 =	vshll.u32 v7, $0x4;
	v12 =	vld [tilespmem:s1+$0x400]  }
0x304: {  	v7 =	vor.u32 v1, v7;
	v8 =	vshll.u32 v8, $0x4;
	v13 =	vld [tilespmem:s1+$0x410]  }
0x305: {  	v8 =	vor.u32 v1, v8;
	v9 =	vshll.u32 v9, $0x4;
	[tilespmem:v3+s23+$0x0] =	vst.idx.add.s32.msk $0xffff, v2  }
0x306: {  	v9 =	vor.u32 v1, v9;
	v3 =	vshll.u32 v10, $0x4;
	v10 =	vld [tilespmem:s1+$0x420]  }
0x307: {  	v14 =	vor.u32 v1, v3;
	v3 =	vshll.u32 v11, $0x4;
	v11 =	vld [tilespmem:s1+$0x430]  }
0x308: {  	v15 =	vor.u32 v1, v3;
	v3 =	vshll.u32 v12, $0x4;
	v12 =	vld [tilespmem:s1+$0x440]  }
0x309: {  	v16 =	vor.u32 v1, v3;
	v3 =	vshll.u32 v13, $0x4;
	v13 =	vld [tilespmem:s1+$0x450]  }
0x30a: {  	v17 =	vor.u32 v1, v3;
	v18 =	vld [tilespmem:s1+$0x460]  }
0x30b: {  	[tilespmem:v4+s23+$0x0] =	vst.idx.add.s32.msk $0xffff, v2;
	v3 =	vshll.u32 v10, $0x4  }
0x30c: {  	[tilespmem:v5+s23+$0x0] =	vst.idx.add.s32.msk $0xffff, v2;
	v3 =	vor.u32 v1, v3;
	v4 =	vshll.u32 v11, $0x4  }
0x30d: {  	[tilespmem:v6+s23+$0x0] =	vst.idx.add.s32.msk $0xffff, v2;
	v4 =	vor.u32 v1, v4;
	v5 =	vshll.u32 v12, $0x4  }
0x30e: {  	[tilespmem:v7+s23+$0x0] =	vst.idx.add.s32.msk $0xffff, v2;
	v5 =	vor.u32 v1, v5;
	v6 =	vshll.u32 v13, $0x4  }
0x30f: {  	[tilespmem:v8+s23+$0x0] =	vst.idx.add.s32.msk $0xffff, v2;
	v6 =	vor.u32 v1, v6;
	v7 =	vshll.u32 v18, $0x4  }
.Ltmp11:
0x310: {  	[tilespmem:v9+s23+$0x0] =	vst.idx.add.s32.msk $0xffff, v2;
	v7 =	vor.u32 v1, v7;
	(pc) =	sbr.rel @p0 .LBB2_24-.Ltmp11, $4  }
0x311: {  	[tilespmem:v14+s23+$0x0] =	vst.idx.add.s32.msk $0xffff, v2  }
0x312: {  	[tilespmem:v15+s23+$0x0] =	vst.idx.add.s32.msk $0xffff, v2  }
0x313: {  	[tilespmem:v16+s23+$0x0] =	vst.idx.add.s32.msk $0xffff, v2  }
0x314: {  	[tilespmem:v17+s23+$0x0] =	vst.idx.add.s32.msk $0xffff, v2  }
0x315: {  	_ =	sdelay $0x3  }
0x316: {  	[tilespmem:v3+s23+$0x0] =	vst.idx.add.s32.msk $0xffff, v2  }
0x317: {  	[tilespmem:v4+s23+$0x0] =	vst.idx.add.s32.msk $0xffff, v2  }
0x318: {  	[tilespmem:v5+s23+$0x0] =	vst.idx.add.s32.msk $0xffff, v2  }
0x319: {  	[tilespmem:v6+s23+$0x0] =	vst.idx.add.s32.msk $0xffff, v2  }
0x31a: {  	[tilespmem:v7+s23+$0x0] =	vst.idx.add.s32.msk $0xffff, v2;
	s30 =	simm.s32 $0x0;
	s0 =	simm.s32 $0x0;
	s26 =	simm.s32 $0x0  }
0x31b: {  	[tilespmem:s30], [sflag:$0x1] =	stream.linear.gather [hbm4b:s15+s30], $0x8000, $0x38;
	[tilespmem:$0x14400] =	vst v63  }
0x31c: {  	s0 =	sand.u32 $0x7000, s0;
	s1 =	sand.u32 $0x800, s30;
	_ =	swait.ge [sflag:s24], $0x8000  }
0x31d: {  	s26 =	sand.u32 $0x380, s26;
	s0 =	sor.u32 s1, s0;
	[sflag:s24] =	ssyncset.done $0x0  }
0x31e: {  	s0 =	sor.u32 s26, s0;
	[sflag:s24] =	ssyncadd.s32 $0xFFFF8000  }
0x31f: {  	v3 =	vld [tilespmem:s0+$0x8470]  }
0x320: {  	v4 =	vld [tilespmem:s0+$0x8000]  }
0x321: {  	v5 =	vld [tilespmem:s0+$0x8010]  }
0x322: {  	v6 =	vld [tilespmem:s0+$0x8020]  }
0x323: {  	v7 =	vld [tilespmem:s0+$0x8030]  }
0x324: {  	v8 =	vld [tilespmem:s0+$0x8040]  }
0x325: {  	v9 =	vld [tilespmem:s0+$0x8050];
	v3 =	vshll.u32 v3, $0x4  }
0x326: {  	v10 =	vld [tilespmem:s0+$0x8060];
	v3 =	vor.u32 v1, v3  }
0x327: {  	v11 =	vld [tilespmem:s0+$0x8070]  }
0x328: {  	v12 =	vld [tilespmem:s0+$0x8400]  }
0x329: {  	v13 =	vld [tilespmem:s0+$0x8410]  }
0x32a: {  	v14 =	vld [tilespmem:s0+$0x8430];
	v4 =	vshll.u32 v4, $0x4  }
0x32b: {  	v6 =	vshll.u32 v6, $0x4;
	[tilespmem:v3+s23+$0x0] =	vst.idx.add.s32.msk $0xffff, v2;
	v3 =	vor.u32 v1, v4  }
0x32c: {  	v15 =	vld [tilespmem:s0+$0x8440];
	v6 =	vor.u32 v1, v6;
	v4 =	vshll.u32 v5, $0x4  }
0x32d: {  	v16 =	vld [tilespmem:s0+$0x8450];
	v7 =	vshll.u32 v7, $0x4;
	v4 =	vor.u32 v1, v4  }
0x32e: {  	v17 =	vld [tilespmem:s0+$0x8460];
	v8 =	vshll.u32 v8, $0x4;
	v7 =	vor.u32 v1, v7  }
0x32f: {  	v10 =	vshll.u32 v10, $0x4;
	v8 =	vor.u32 v1, v8;
	v5 =	vld [tilespmem:s0+$0x8420]  }
0x330: {  	v9 =	vshll.u32 v9, $0x4;
	[tilespmem:v3+s23+$0x0] =	vst.idx.add.s32.msk $0xffff, v2;
	v3 =	vor.u32 v1, v10  }
0x331: {  	v62 =	vshll.u32 v11, $0x4;
	v9 =	vor.u32 v1, v9;
	[tilespmem:v6+s23+$0x0] =	vst.idx.add.s32.msk $0xffff, v2  }
0x332: {  	v10 =	vor.u32 v1, v62;
	[tilespmem:v4+s23+$0x0] =	vst.idx.add.s32.msk $0xffff, v2;
	v4 =	vshll.u32 v12, $0x4  }
0x333: {  	[tilespmem:v7+s23+$0x0] =	vst.idx.add.s32.msk $0xffff, v2;
	v6 =	vor.u32 v1, v4;
	v4 =	vshll.u32 v13, $0x4  }
0x334: {  	[tilespmem:v8+s23+$0x0] =	vst.idx.add.s32.msk $0xffff, v2;
	v63 =	vor.u32 v1, v4;
	v4 =	vshll.u32 v5, $0x4  }
0x335: {  	v5 =	vshll.u32 v14, $0x4;
	[tilespmem:v3+s23+$0x0] =	vst.idx.add.s32.msk $0xffff, v2;
	v3 =	vor.u32 v1, v4  }
0x336: {  	[tilespmem:v9+s23+$0x0] =	vst.idx.add.s32.msk $0xffff, v2;
	v4 =	vor.u32 v1, v5;
	v5 =	vshll.u32 v15, $0x4  }
0x337: {  	v7 =	vshll.u32 v16, $0x4;
	[tilespmem:v10+s23+$0x0] =	vst.idx.add.s32.msk $0xffff, v2;
	v5 =	vor.u32 v1, v5  }
0x338: {  	v8 =	vshll.u32 v17, $0x4;
	[tilespmem:v6+s23+$0x0] =	vst.idx.add.s32.msk $0xffff, v2;
	v6 =	vor.u32 v1, v7  }
0x339: {  	s0 =	simm.s32 $0x0;
	v7 =	vor.u32 v1, v8;
	[tilespmem:v63+s23+$0x0] =	vst.idx.add.s32.msk $0xffff, v2  }
.LBB2_26:
0x33a: {  	s0 =	sadd.s32 $0x10, s0;
	[tilespmem:v3+s23+$0x0] =	vst.idx.add.s32.msk $0xffff, v2  }
0x33b: {  	s30 =	sadd.s32 $0x800, s30;
	s1 =	sshll.u32 s0, $0x4;
	p0 =	slt.u32 s0, $0x7F0;
	[tilespmem:v4+s23+$0x0] =	vst.idx.add.s32.msk $0xffff, v2  }
0x33c: {  	s26 =	sand.u32 $0x800, s30;
	s31 =	sshll.u32 s0, $0x2;
	s1 =	sand.u32 $0x7000, s1;
	[tilespmem:v5+s23+$0x0] =	vst.idx.add.s32.msk $0xffff, v2  }
0x33d: {  	s31 =	sand.u32 $0x380, s31;
	s1 =	sor.u32 s26, s1;
	[tilespmem:v6+s23+$0x0] =	vst.idx.add.s32.msk $0xffff, v2  }
0x33e: {  	s1 =	sor.u32 s31, s1;
	[tilespmem:v7+s23+$0x0] =	vst.idx.add.s32.msk $0xffff, v2  }
0x33f: {  	v3 =	vld [tilespmem:s1+$0x8470]  }
0x340: {  	v4 =	vld [tilespmem:s1+$0x8000]  }
0x341: {  	v5 =	vld [tilespmem:s1+$0x8010]  }
0x342: {  	v6 =	vld [tilespmem:s1+$0x8020]  }
0x343: {  	v7 =	vld [tilespmem:s1+$0x8030]  }
0x344: {  	v8 =	vld [tilespmem:s1+$0x8040];
	v3 =	vshll.u32 v3, $0x4  }
0x345: {  	v4 =	vshll.u32 v4, $0x4;
	v9 =	vld [tilespmem:s1+$0x8050];
	v3 =	vor.u32 v1, v3  }
0x346: {  	v4 =	vor.u32 v1, v4;
	v5 =	vshll.u32 v5, $0x4;
	v10 =	vld [tilespmem:s1+$0x8060]  }
0x347: {  	v5 =	vor.u32 v1, v5;
	v6 =	vshll.u32 v6, $0x4;
	v11 =	vld [tilespmem:s1+$0x8070]  }
0x348: {  	v6 =	vor.u32 v1, v6;
	v7 =	vshll.u32 v7, $0x4;
	v12 =	vld [tilespmem:s1+$0x8400]  }
0x349: {  	v7 =	vor.u32 v1, v7;
	v8 =	vshll.u32 v8, $0x4;
	v13 =	vld [tilespmem:s1+$0x8410]  }
0x34a: {  	v8 =	vor.u32 v1, v8;
	v9 =	vshll.u32 v9, $0x4;
	[tilespmem:v3+s23+$0x0] =	vst.idx.add.s32.msk $0xffff, v2  }
0x34b: {  	v9 =	vor.u32 v1, v9;
	v3 =	vshll.u32 v10, $0x4;
	v10 =	vld [tilespmem:s1+$0x8420]  }
0x34c: {  	v14 =	vor.u32 v1, v3;
	v3 =	vshll.u32 v11, $0x4;
	v11 =	vld [tilespmem:s1+$0x8430]  }
0x34d: {  	v15 =	vor.u32 v1, v3;
	v3 =	vshll.u32 v12, $0x4;
	v12 =	vld [tilespmem:s1+$0x8440]  }
0x34e: {  	v16 =	vor.u32 v1, v3;
	v3 =	vshll.u32 v13, $0x4;
	v13 =	vld [tilespmem:s1+$0x8450]  }
0x34f: {  	v17 =	vor.u32 v1, v3;
	v18 =	vld [tilespmem:s1+$0x8460]  }
0x350: {  	[tilespmem:v4+s23+$0x0] =	vst.idx.add.s32.msk $0xffff, v2;
	v3 =	vshll.u32 v10, $0x4  }
0x351: {  	[tilespmem:v5+s23+$0x0] =	vst.idx.add.s32.msk $0xffff, v2;
	v3 =	vor.u32 v1, v3;
	v4 =	vshll.u32 v11, $0x4  }
0x352: {  	[tilespmem:v6+s23+$0x0] =	vst.idx.add.s32.msk $0xffff, v2;
	v4 =	vor.u32 v1, v4;
	v5 =	vshll.u32 v12, $0x4  }
0x353: {  	[tilespmem:v7+s23+$0x0] =	vst.idx.add.s32.msk $0xffff, v2;
	v5 =	vor.u32 v1, v5;
	v6 =	vshll.u32 v13, $0x4  }
0x354: {  	[tilespmem:v8+s23+$0x0] =	vst.idx.add.s32.msk $0xffff, v2;
	v6 =	vor.u32 v1, v6;
	v7 =	vshll.u32 v18, $0x4  }
.Ltmp12:
0x355: {  	[tilespmem:v9+s23+$0x0] =	vst.idx.add.s32.msk $0xffff, v2;
	v7 =	vor.u32 v1, v7;
	(pc) =	sbr.rel @p0 .LBB2_26-.Ltmp12, $4  }
0x356: {  	[tilespmem:v14+s23+$0x0] =	vst.idx.add.s32.msk $0xffff, v2  }
0x357: {  	[tilespmem:v15+s23+$0x0] =	vst.idx.add.s32.msk $0xffff, v2  }
0x358: {  	[tilespmem:v16+s23+$0x0] =	vst.idx.add.s32.msk $0xffff, v2  }
0x359: {  	[tilespmem:v17+s23+$0x0] =	vst.idx.add.s32.msk $0xffff, v2  }
0x35a: {  	_ =	sdelay $0x3  }
0x35b: {  	[tilespmem:v3+s23+$0x0] =	vst.idx.add.s32.msk $0xffff, v2  }
0x35c: {  	[tilespmem:v4+s23+$0x0] =	vst.idx.add.s32.msk $0xffff, v2  }
0x35d: {  	[tilespmem:v5+s23+$0x0] =	vst.idx.add.s32.msk $0xffff, v2  }
0x35e: {  	[tilespmem:v6+s23+$0x0] =	vst.idx.add.s32.msk $0xffff, v2  }
0x35f: {  	[tilespmem:v7+s23+$0x0] =	vst.idx.add.s32.msk $0xffff, v2;
	s30 =	simm.s32 $0x0;
	s0 =	simm.s32 $0x0;
	s26 =	simm.s32 $0x0  }
0x360: {  	[tilespmem:s21], [sflag:$0x2] =	stream.linear.gather [hbm4b:s16+s30], $0x8000, $0x38;
	[tilespmem:$0x14400] =	vst v63  }
0x361: {  	s0 =	sand.u32 $0x7000, s0;
	s1 =	sand.u32 $0x800, s30;
	_ =	swait.ge [sflag:s22], $0x8000  }
0x362: {  	s26 =	sand.u32 $0x380, s26;
	s0 =	sor.u32 s1, s0;
	[sflag:s22] =	ssyncset.done $0x0  }
0x363: {  	s0 =	sor.u32 s26, s0;
	[sflag:s22] =	ssyncadd.s32 $0xFFFF8000  }
0x364: {  	v3 =	vld [tilespmem:s0+$0x470]  }
0x365: {  	v4 =	vld [tilespmem:s0+$0x0]  }
0x366: {  	v5 =	vld [tilespmem:s0+$0x10]  }
0x367: {  	v6 =	vld [tilespmem:s0+$0x20]  }
0x368: {  	v7 =	vld [tilespmem:s0+$0x30]  }
0x369: {  	v8 =	vld [tilespmem:s0+$0x40]  }
0x36a: {  	v9 =	vld [tilespmem:s0+$0x50];
	v3 =	vshll.u32 v3, $0x4  }
0x36b: {  	v10 =	vld [tilespmem:s0+$0x60];
	v3 =	vor.u32 v1, v3  }
0x36c: {  	v11 =	vld [tilespmem:s0+$0x70]  }
0x36d: {  	v12 =	vld [tilespmem:s0+$0x400]  }
0x36e: {  	v13 =	vld [tilespmem:s0+$0x410]  }
0x36f: {  	v14 =	vld [tilespmem:s0+$0x430];
	v4 =	vshll.u32 v4, $0x4  }
0x370: {  	v6 =	vshll.u32 v6, $0x4;
	[tilespmem:v3+s23+$0x0] =	vst.idx.add.s32.msk $0xffff, v2;
	v3 =	vor.u32 v1, v4  }
0x371: {  	v15 =	vld [tilespmem:s0+$0x440];
	v6 =	vor.u32 v1, v6;
	v4 =	vshll.u32 v5, $0x4  }
0x372: {  	v16 =	vld [tilespmem:s0+$0x450];
	v7 =	vshll.u32 v7, $0x4;
	v4 =	vor.u32 v1, v4  }
0x373: {  	v17 =	vld [tilespmem:s0+$0x460];
	v8 =	vshll.u32 v8, $0x4;
	v7 =	vor.u32 v1, v7  }
0x374: {  	v10 =	vshll.u32 v10, $0x4;
	v8 =	vor.u32 v1, v8;
	v5 =	vld [tilespmem:s0+$0x420]  }
0x375: {  	v9 =	vshll.u32 v9, $0x4;
	[tilespmem:v3+s23+$0x0] =	vst.idx.add.s32.msk $0xffff, v2;
	v3 =	vor.u32 v1, v10  }
0x376: {  	v62 =	vshll.u32 v11, $0x4;
	v9 =	vor.u32 v1, v9;
	[tilespmem:v6+s23+$0x0] =	vst.idx.add.s32.msk $0xffff, v2  }
0x377: {  	v10 =	vor.u32 v1, v62;
	[tilespmem:v4+s23+$0x0] =	vst.idx.add.s32.msk $0xffff, v2;
	v4 =	vshll.u32 v12, $0x4  }
0x378: {  	[tilespmem:v7+s23+$0x0] =	vst.idx.add.s32.msk $0xffff, v2;
	v6 =	vor.u32 v1, v4;
	v4 =	vshll.u32 v13, $0x4  }
0x379: {  	[tilespmem:v8+s23+$0x0] =	vst.idx.add.s32.msk $0xffff, v2;
	v63 =	vor.u32 v1, v4;
	v4 =	vshll.u32 v5, $0x4  }
0x37a: {  	v5 =	vshll.u32 v14, $0x4;
	[tilespmem:v3+s23+$0x0] =	vst.idx.add.s32.msk $0xffff, v2;
	v3 =	vor.u32 v1, v4  }
0x37b: {  	[tilespmem:v9+s23+$0x0] =	vst.idx.add.s32.msk $0xffff, v2;
	v4 =	vor.u32 v1, v5;
	v5 =	vshll.u32 v15, $0x4  }
0x37c: {  	v7 =	vshll.u32 v16, $0x4;
	[tilespmem:v10+s23+$0x0] =	vst.idx.add.s32.msk $0xffff, v2;
	v5 =	vor.u32 v1, v5  }
0x37d: {  	v8 =	vshll.u32 v17, $0x4;
	[tilespmem:v6+s23+$0x0] =	vst.idx.add.s32.msk $0xffff, v2;
	v6 =	vor.u32 v1, v7  }
0x37e: {  	s0 =	simm.s32 $0x0;
	v7 =	vor.u32 v1, v8;
	[tilespmem:v63+s23+$0x0] =	vst.idx.add.s32.msk $0xffff, v2  }
.LBB2_28:
0x37f: {  	s0 =	sadd.s32 $0x10, s0;
	[tilespmem:v3+s23+$0x0] =	vst.idx.add.s32.msk $0xffff, v2  }
0x380: {  	s30 =	sadd.s32 $0x800, s30;
	s1 =	sshll.u32 s0, $0x4;
	p0 =	slt.u32 s0, $0x7F0;
	[tilespmem:v4+s23+$0x0] =	vst.idx.add.s32.msk $0xffff, v2  }
0x381: {  	s26 =	sand.u32 $0x800, s30;
	s31 =	sshll.u32 s0, $0x2;
	s1 =	sand.u32 $0x7000, s1;
	[tilespmem:v5+s23+$0x0] =	vst.idx.add.s32.msk $0xffff, v2  }
0x382: {  	s31 =	sand.u32 $0x380, s31;
	s1 =	sor.u32 s26, s1;
	[tilespmem:v6+s23+$0x0] =	vst.idx.add.s32.msk $0xffff, v2  }
0x383: {  	s1 =	sor.u32 s31, s1;
	[tilespmem:v7+s23+$0x0] =	vst.idx.add.s32.msk $0xffff, v2  }
0x384: {  	v3 =	vld [tilespmem:s1+$0x470]  }
0x385: {  	v4 =	vld [tilespmem:s1+$0x0]  }
0x386: {  	v5 =	vld [tilespmem:s1+$0x10]  }
0x387: {  	v6 =	vld [tilespmem:s1+$0x20]  }
0x388: {  	v7 =	vld [tilespmem:s1+$0x30]  }
0x389: {  	v8 =	vld [tilespmem:s1+$0x40];
	v3 =	vshll.u32 v3, $0x4  }
0x38a: {  	v4 =	vshll.u32 v4, $0x4;
	v9 =	vld [tilespmem:s1+$0x50];
	v3 =	vor.u32 v1, v3  }
0x38b: {  	v4 =	vor.u32 v1, v4;
	v5 =	vshll.u32 v5, $0x4;
	v10 =	vld [tilespmem:s1+$0x60]  }
0x38c: {  	v5 =	vor.u32 v1, v5;
	v6 =	vshll.u32 v6, $0x4;
	v11 =	vld [tilespmem:s1+$0x70]  }
0x38d: {  	v6 =	vor.u32 v1, v6;
	v7 =	vshll.u32 v7, $0x4;
	v12 =	vld [tilespmem:s1+$0x400]  }
0x38e: {  	v7 =	vor.u32 v1, v7;
	v8 =	vshll.u32 v8, $0x4;
	v13 =	vld [tilespmem:s1+$0x410]  }
0x38f: {  	v8 =	vor.u32 v1, v8;
	v9 =	vshll.u32 v9, $0x4;
	[tilespmem:v3+s23+$0x0] =	vst.idx.add.s32.msk $0xffff, v2  }
0x390: {  	v9 =	vor.u32 v1, v9;
	v3 =	vshll.u32 v10, $0x4;
	v10 =	vld [tilespmem:s1+$0x420]  }
0x391: {  	v14 =	vor.u32 v1, v3;
	v3 =	vshll.u32 v11, $0x4;
	v11 =	vld [tilespmem:s1+$0x430]  }
0x392: {  	v15 =	vor.u32 v1, v3;
	v3 =	vshll.u32 v12, $0x4;
	v12 =	vld [tilespmem:s1+$0x440]  }
0x393: {  	v16 =	vor.u32 v1, v3;
	v3 =	vshll.u32 v13, $0x4;
	v13 =	vld [tilespmem:s1+$0x450]  }
0x394: {  	v17 =	vor.u32 v1, v3;
	v18 =	vld [tilespmem:s1+$0x460]  }
0x395: {  	[tilespmem:v4+s23+$0x0] =	vst.idx.add.s32.msk $0xffff, v2;
	v3 =	vshll.u32 v10, $0x4  }
0x396: {  	[tilespmem:v5+s23+$0x0] =	vst.idx.add.s32.msk $0xffff, v2;
	v3 =	vor.u32 v1, v3;
	v4 =	vshll.u32 v11, $0x4  }
0x397: {  	[tilespmem:v6+s23+$0x0] =	vst.idx.add.s32.msk $0xffff, v2;
	v4 =	vor.u32 v1, v4;
	v5 =	vshll.u32 v12, $0x4  }
0x398: {  	[tilespmem:v7+s23+$0x0] =	vst.idx.add.s32.msk $0xffff, v2;
	v5 =	vor.u32 v1, v5;
	v6 =	vshll.u32 v13, $0x4  }
0x399: {  	[tilespmem:v8+s23+$0x0] =	vst.idx.add.s32.msk $0xffff, v2;
	v6 =	vor.u32 v1, v6;
	v7 =	vshll.u32 v18, $0x4  }
.Ltmp13:
0x39a: {  	[tilespmem:v9+s23+$0x0] =	vst.idx.add.s32.msk $0xffff, v2;
	v7 =	vor.u32 v1, v7;
	(pc) =	sbr.rel @p0 .LBB2_28-.Ltmp13, $4  }
0x39b: {  	[tilespmem:v14+s23+$0x0] =	vst.idx.add.s32.msk $0xffff, v2  }
0x39c: {  	[tilespmem:v15+s23+$0x0] =	vst.idx.add.s32.msk $0xffff, v2  }
0x39d: {  	[tilespmem:v16+s23+$0x0] =	vst.idx.add.s32.msk $0xffff, v2  }
0x39e: {  	[tilespmem:v17+s23+$0x0] =	vst.idx.add.s32.msk $0xffff, v2  }
0x39f: {  	_ =	sdelay $0x3  }
0x3a0: {  	[tilespmem:v3+s23+$0x0] =	vst.idx.add.s32.msk $0xffff, v2  }
0x3a1: {  	[tilespmem:v4+s23+$0x0] =	vst.idx.add.s32.msk $0xffff, v2  }
0x3a2: {  	[tilespmem:v5+s23+$0x0] =	vst.idx.add.s32.msk $0xffff, v2  }
0x3a3: {  	[tilespmem:v6+s23+$0x0] =	vst.idx.add.s32.msk $0xffff, v2  }
0x3a4: {  	[tilespmem:v7+s23+$0x0] =	vst.idx.add.s32.msk $0xffff, v2;
	s30 =	simm.s32 $0x0;
	s0 =	simm.s32 $0x0;
	s26 =	simm.s32 $0x0  }
0x3a5: {  	[tilespmem:s30], [sflag:$0x1] =	stream.linear.gather [hbm4b:s17+s30], $0x8000, $0x38;
	[tilespmem:$0x14400] =	vst v63  }
0x3a6: {  	s0 =	sand.u32 $0x7000, s0;
	s1 =	sand.u32 $0x800, s30;
	_ =	swait.ge [sflag:s24], $0x8000  }
0x3a7: {  	s26 =	sand.u32 $0x380, s26;
	s0 =	sor.u32 s1, s0;
	[sflag:s24] =	ssyncset.done $0x0  }
0x3a8: {  	s0 =	sor.u32 s26, s0;
	[sflag:s24] =	ssyncadd.s32 $0xFFFF8000  }
0x3a9: {  	v3 =	vld [tilespmem:s0+$0x8470]  }
0x3aa: {  	v4 =	vld [tilespmem:s0+$0x8000]  }
0x3ab: {  	v5 =	vld [tilespmem:s0+$0x8010]  }
0x3ac: {  	v6 =	vld [tilespmem:s0+$0x8020]  }
0x3ad: {  	v7 =	vld [tilespmem:s0+$0x8030]  }
0x3ae: {  	v8 =	vld [tilespmem:s0+$0x8040]  }
0x3af: {  	v9 =	vld [tilespmem:s0+$0x8050];
	v3 =	vshll.u32 v3, $0x4  }
0x3b0: {  	v10 =	vld [tilespmem:s0+$0x8060];
	v3 =	vor.u32 v1, v3  }
0x3b1: {  	v11 =	vld [tilespmem:s0+$0x8070]  }
0x3b2: {  	v12 =	vld [tilespmem:s0+$0x8400]  }
0x3b3: {  	v13 =	vld [tilespmem:s0+$0x8410]  }
0x3b4: {  	v14 =	vld [tilespmem:s0+$0x8430];
	v4 =	vshll.u32 v4, $0x4  }
0x3b5: {  	v6 =	vshll.u32 v6, $0x4;
	[tilespmem:v3+s23+$0x0] =	vst.idx.add.s32.msk $0xffff, v2;
	v3 =	vor.u32 v1, v4  }
0x3b6: {  	v15 =	vld [tilespmem:s0+$0x8440];
	v6 =	vor.u32 v1, v6;
	v4 =	vshll.u32 v5, $0x4  }
0x3b7: {  	v16 =	vld [tilespmem:s0+$0x8450];
	v7 =	vshll.u32 v7, $0x4;
	v4 =	vor.u32 v1, v4  }
0x3b8: {  	v17 =	vld [tilespmem:s0+$0x8460];
	v8 =	vshll.u32 v8, $0x4;
	v7 =	vor.u32 v1, v7  }
0x3b9: {  	v10 =	vshll.u32 v10, $0x4;
	v8 =	vor.u32 v1, v8;
	v5 =	vld [tilespmem:s0+$0x8420]  }
0x3ba: {  	v9 =	vshll.u32 v9, $0x4;
	[tilespmem:v3+s23+$0x0] =	vst.idx.add.s32.msk $0xffff, v2;
	v3 =	vor.u32 v1, v10  }
0x3bb: {  	v62 =	vshll.u32 v11, $0x4;
	v9 =	vor.u32 v1, v9;
	[tilespmem:v6+s23+$0x0] =	vst.idx.add.s32.msk $0xffff, v2  }
0x3bc: {  	v10 =	vor.u32 v1, v62;
	[tilespmem:v4+s23+$0x0] =	vst.idx.add.s32.msk $0xffff, v2;
	v4 =	vshll.u32 v12, $0x4  }
0x3bd: {  	[tilespmem:v7+s23+$0x0] =	vst.idx.add.s32.msk $0xffff, v2;
	v6 =	vor.u32 v1, v4;
	v4 =	vshll.u32 v13, $0x4  }
0x3be: {  	[tilespmem:v8+s23+$0x0] =	vst.idx.add.s32.msk $0xffff, v2;
	v63 =	vor.u32 v1, v4;
	v4 =	vshll.u32 v5, $0x4  }
0x3bf: {  	v5 =	vshll.u32 v14, $0x4;
	[tilespmem:v3+s23+$0x0] =	vst.idx.add.s32.msk $0xffff, v2;
	v3 =	vor.u32 v1, v4  }
0x3c0: {  	[tilespmem:v9+s23+$0x0] =	vst.idx.add.s32.msk $0xffff, v2;
	v4 =	vor.u32 v1, v5;
	v5 =	vshll.u32 v15, $0x4  }
0x3c1: {  	v7 =	vshll.u32 v16, $0x4;
	[tilespmem:v10+s23+$0x0] =	vst.idx.add.s32.msk $0xffff, v2;
	v5 =	vor.u32 v1, v5  }
0x3c2: {  	v8 =	vshll.u32 v17, $0x4;
	[tilespmem:v6+s23+$0x0] =	vst.idx.add.s32.msk $0xffff, v2;
	v6 =	vor.u32 v1, v7  }
0x3c3: {  	s0 =	simm.s32 $0x0;
	v7 =	vor.u32 v1, v8;
	[tilespmem:v63+s23+$0x0] =	vst.idx.add.s32.msk $0xffff, v2  }
.LBB2_30:
0x3c4: {  	s0 =	sadd.s32 $0x10, s0;
	[tilespmem:v3+s23+$0x0] =	vst.idx.add.s32.msk $0xffff, v2  }
0x3c5: {  	s30 =	sadd.s32 $0x800, s30;
	s1 =	sshll.u32 s0, $0x4;
	p0 =	slt.u32 s0, $0x7F0;
	[tilespmem:v4+s23+$0x0] =	vst.idx.add.s32.msk $0xffff, v2  }
0x3c6: {  	s26 =	sand.u32 $0x800, s30;
	s31 =	sshll.u32 s0, $0x2;
	s1 =	sand.u32 $0x7000, s1;
	[tilespmem:v5+s23+$0x0] =	vst.idx.add.s32.msk $0xffff, v2  }
0x3c7: {  	s31 =	sand.u32 $0x380, s31;
	s1 =	sor.u32 s26, s1;
	[tilespmem:v6+s23+$0x0] =	vst.idx.add.s32.msk $0xffff, v2  }
0x3c8: {  	s1 =	sor.u32 s31, s1;
	[tilespmem:v7+s23+$0x0] =	vst.idx.add.s32.msk $0xffff, v2  }
0x3c9: {  	v3 =	vld [tilespmem:s1+$0x8470]  }
0x3ca: {  	v4 =	vld [tilespmem:s1+$0x8000]  }
0x3cb: {  	v5 =	vld [tilespmem:s1+$0x8010]  }
0x3cc: {  	v6 =	vld [tilespmem:s1+$0x8020]  }
0x3cd: {  	v7 =	vld [tilespmem:s1+$0x8030]  }
0x3ce: {  	v8 =	vld [tilespmem:s1+$0x8040];
	v3 =	vshll.u32 v3, $0x4  }
0x3cf: {  	v4 =	vshll.u32 v4, $0x4;
	v9 =	vld [tilespmem:s1+$0x8050];
	v3 =	vor.u32 v1, v3  }
0x3d0: {  	v4 =	vor.u32 v1, v4;
	v5 =	vshll.u32 v5, $0x4;
	v10 =	vld [tilespmem:s1+$0x8060]  }
0x3d1: {  	v5 =	vor.u32 v1, v5;
	v6 =	vshll.u32 v6, $0x4;
	v11 =	vld [tilespmem:s1+$0x8070]  }
0x3d2: {  	v6 =	vor.u32 v1, v6;
	v7 =	vshll.u32 v7, $0x4;
	v12 =	vld [tilespmem:s1+$0x8400]  }
0x3d3: {  	v7 =	vor.u32 v1, v7;
	v8 =	vshll.u32 v8, $0x4;
	v13 =	vld [tilespmem:s1+$0x8410]  }
0x3d4: {  	v8 =	vor.u32 v1, v8;
	v9 =	vshll.u32 v9, $0x4;
	[tilespmem:v3+s23+$0x0] =	vst.idx.add.s32.msk $0xffff, v2  }
0x3d5: {  	v9 =	vor.u32 v1, v9;
	v3 =	vshll.u32 v10, $0x4;
	v10 =	vld [tilespmem:s1+$0x8420]  }
0x3d6: {  	v14 =	vor.u32 v1, v3;
	v3 =	vshll.u32 v11, $0x4;
	v11 =	vld [tilespmem:s1+$0x8430]  }
0x3d7: {  	v15 =	vor.u32 v1, v3;
	v3 =	vshll.u32 v12, $0x4;
	v12 =	vld [tilespmem:s1+$0x8440]  }
0x3d8: {  	v16 =	vor.u32 v1, v3;
	v3 =	vshll.u32 v13, $0x4;
	v13 =	vld [tilespmem:s1+$0x8450]  }
0x3d9: {  	v17 =	vor.u32 v1, v3;
	v18 =	vld [tilespmem:s1+$0x8460]  }
0x3da: {  	[tilespmem:v4+s23+$0x0] =	vst.idx.add.s32.msk $0xffff, v2;
	v3 =	vshll.u32 v10, $0x4  }
0x3db: {  	[tilespmem:v5+s23+$0x0] =	vst.idx.add.s32.msk $0xffff, v2;
	v3 =	vor.u32 v1, v3;
	v4 =	vshll.u32 v11, $0x4  }
0x3dc: {  	[tilespmem:v6+s23+$0x0] =	vst.idx.add.s32.msk $0xffff, v2;
	v4 =	vor.u32 v1, v4;
	v5 =	vshll.u32 v12, $0x4  }
0x3dd: {  	[tilespmem:v7+s23+$0x0] =	vst.idx.add.s32.msk $0xffff, v2;
	v5 =	vor.u32 v1, v5;
	v6 =	vshll.u32 v13, $0x4  }
0x3de: {  	[tilespmem:v8+s23+$0x0] =	vst.idx.add.s32.msk $0xffff, v2;
	v6 =	vor.u32 v1, v6;
	v7 =	vshll.u32 v18, $0x4  }
.Ltmp14:
0x3df: {  	[tilespmem:v9+s23+$0x0] =	vst.idx.add.s32.msk $0xffff, v2;
	v7 =	vor.u32 v1, v7;
	(pc) =	sbr.rel @p0 .LBB2_30-.Ltmp14, $4  }
0x3e0: {  	[tilespmem:v14+s23+$0x0] =	vst.idx.add.s32.msk $0xffff, v2  }
0x3e1: {  	[tilespmem:v15+s23+$0x0] =	vst.idx.add.s32.msk $0xffff, v2  }
0x3e2: {  	[tilespmem:v16+s23+$0x0] =	vst.idx.add.s32.msk $0xffff, v2  }
0x3e3: {  	[tilespmem:v17+s23+$0x0] =	vst.idx.add.s32.msk $0xffff, v2  }
0x3e4: {  	_ =	sdelay $0x3  }
0x3e5: {  	[tilespmem:v3+s23+$0x0] =	vst.idx.add.s32.msk $0xffff, v2  }
0x3e6: {  	[tilespmem:v4+s23+$0x0] =	vst.idx.add.s32.msk $0xffff, v2  }
0x3e7: {  	[tilespmem:v5+s23+$0x0] =	vst.idx.add.s32.msk $0xffff, v2  }
0x3e8: {  	[tilespmem:v6+s23+$0x0] =	vst.idx.add.s32.msk $0xffff, v2  }
0x3e9: {  	[tilespmem:v7+s23+$0x0] =	vst.idx.add.s32.msk $0xffff, v2;
	s30 =	simm.s32 $0x0;
	s0 =	simm.s32 $0x0;
	s26 =	simm.s32 $0x0  }
0x3ea: {  	[tilespmem:s21], [sflag:$0x2] =	stream.linear.gather [hbm4b:s18+s30], $0x8000, $0x38;
	[tilespmem:$0x14400] =	vst v63  }
0x3eb: {  	s0 =	sand.u32 $0x7000, s0;
	s1 =	sand.u32 $0x800, s30;
	_ =	swait.ge [sflag:s22], $0x8000  }
0x3ec: {  	s26 =	sand.u32 $0x380, s26;
	s0 =	sor.u32 s1, s0;
	[sflag:s22] =	ssyncset.done $0x0  }
0x3ed: {  	s0 =	sor.u32 s26, s0;
	[sflag:s22] =	ssyncadd.s32 $0xFFFF8000  }
0x3ee: {  	v3 =	vld [tilespmem:s0+$0x470]  }
0x3ef: {  	v4 =	vld [tilespmem:s0+$0x0]  }
0x3f0: {  	v5 =	vld [tilespmem:s0+$0x10]  }
0x3f1: {  	v6 =	vld [tilespmem:s0+$0x20]  }
0x3f2: {  	v7 =	vld [tilespmem:s0+$0x30]  }
0x3f3: {  	v8 =	vld [tilespmem:s0+$0x40]  }
0x3f4: {  	v9 =	vld [tilespmem:s0+$0x50];
	v3 =	vshll.u32 v3, $0x4  }
0x3f5: {  	v10 =	vld [tilespmem:s0+$0x60];
	v3 =	vor.u32 v1, v3  }
0x3f6: {  	v11 =	vld [tilespmem:s0+$0x70]  }
0x3f7: {  	v12 =	vld [tilespmem:s0+$0x400]  }
0x3f8: {  	v13 =	vld [tilespmem:s0+$0x410]  }
0x3f9: {  	v14 =	vld [tilespmem:s0+$0x430];
	v4 =	vshll.u32 v4, $0x4  }
0x3fa: {  	v6 =	vshll.u32 v6, $0x4;
	[tilespmem:v3+s23+$0x0] =	vst.idx.add.s32.msk $0xffff, v2;
	v3 =	vor.u32 v1, v4  }
0x3fb: {  	v15 =	vld [tilespmem:s0+$0x440];
	v6 =	vor.u32 v1, v6;
	v4 =	vshll.u32 v5, $0x4  }
0x3fc: {  	v16 =	vld [tilespmem:s0+$0x450];
	v7 =	vshll.u32 v7, $0x4;
	v4 =	vor.u32 v1, v4  }
0x3fd: {  	v17 =	vld [tilespmem:s0+$0x460];
	v8 =	vshll.u32 v8, $0x4;
	v7 =	vor.u32 v1, v7  }
0x3fe: {  	v10 =	vshll.u32 v10, $0x4;
	v8 =	vor.u32 v1, v8;
	v5 =	vld [tilespmem:s0+$0x420]  }
0x3ff: {  	v9 =	vshll.u32 v9, $0x4;
	[tilespmem:v3+s23+$0x0] =	vst.idx.add.s32.msk $0xffff, v2;
	v3 =	vor.u32 v1, v10  }
0x400: {  	v62 =	vshll.u32 v11, $0x4;
	v9 =	vor.u32 v1, v9;
	[tilespmem:v6+s23+$0x0] =	vst.idx.add.s32.msk $0xffff, v2  }
0x401: {  	v10 =	vor.u32 v1, v62;
	[tilespmem:v4+s23+$0x0] =	vst.idx.add.s32.msk $0xffff, v2;
	v4 =	vshll.u32 v12, $0x4  }
0x402: {  	[tilespmem:v7+s23+$0x0] =	vst.idx.add.s32.msk $0xffff, v2;
	v6 =	vor.u32 v1, v4;
	v4 =	vshll.u32 v13, $0x4  }
0x403: {  	[tilespmem:v8+s23+$0x0] =	vst.idx.add.s32.msk $0xffff, v2;
	v63 =	vor.u32 v1, v4;
	v4 =	vshll.u32 v5, $0x4  }
0x404: {  	v5 =	vshll.u32 v14, $0x4;
	[tilespmem:v3+s23+$0x0] =	vst.idx.add.s32.msk $0xffff, v2;
	v3 =	vor.u32 v1, v4  }
0x405: {  	[tilespmem:v9+s23+$0x0] =	vst.idx.add.s32.msk $0xffff, v2;
	v4 =	vor.u32 v1, v5;
	v5 =	vshll.u32 v15, $0x4  }
0x406: {  	v7 =	vshll.u32 v16, $0x4;
	[tilespmem:v10+s23+$0x0] =	vst.idx.add.s32.msk $0xffff, v2;
	v5 =	vor.u32 v1, v5  }
0x407: {  	v8 =	vshll.u32 v17, $0x4;
	[tilespmem:v6+s23+$0x0] =	vst.idx.add.s32.msk $0xffff, v2;
	v6 =	vor.u32 v1, v7  }
0x408: {  	s0 =	simm.s32 $0x0;
	v7 =	vor.u32 v1, v8;
	[tilespmem:v63+s23+$0x0] =	vst.idx.add.s32.msk $0xffff, v2  }
.LBB2_32:
0x409: {  	s0 =	sadd.s32 $0x10, s0;
	[tilespmem:v3+s23+$0x0] =	vst.idx.add.s32.msk $0xffff, v2  }
0x40a: {  	s30 =	sadd.s32 $0x800, s30;
	s1 =	sshll.u32 s0, $0x4;
	p0 =	slt.u32 s0, $0x7F0;
	[tilespmem:v4+s23+$0x0] =	vst.idx.add.s32.msk $0xffff, v2  }
0x40b: {  	s26 =	sand.u32 $0x800, s30;
	s31 =	sshll.u32 s0, $0x2;
	s1 =	sand.u32 $0x7000, s1;
	[tilespmem:v5+s23+$0x0] =	vst.idx.add.s32.msk $0xffff, v2  }
0x40c: {  	s31 =	sand.u32 $0x380, s31;
	s1 =	sor.u32 s26, s1;
	[tilespmem:v6+s23+$0x0] =	vst.idx.add.s32.msk $0xffff, v2  }
0x40d: {  	s1 =	sor.u32 s31, s1;
	[tilespmem:v7+s23+$0x0] =	vst.idx.add.s32.msk $0xffff, v2  }
0x40e: {  	v3 =	vld [tilespmem:s1+$0x470]  }
0x40f: {  	v4 =	vld [tilespmem:s1+$0x0]  }
0x410: {  	v5 =	vld [tilespmem:s1+$0x10]  }
0x411: {  	v6 =	vld [tilespmem:s1+$0x20]  }
0x412: {  	v7 =	vld [tilespmem:s1+$0x30]  }
0x413: {  	v8 =	vld [tilespmem:s1+$0x40];
	v3 =	vshll.u32 v3, $0x4  }
0x414: {  	v4 =	vshll.u32 v4, $0x4;
	v9 =	vld [tilespmem:s1+$0x50];
	v3 =	vor.u32 v1, v3  }
0x415: {  	v4 =	vor.u32 v1, v4;
	v5 =	vshll.u32 v5, $0x4;
	v10 =	vld [tilespmem:s1+$0x60]  }
0x416: {  	v5 =	vor.u32 v1, v5;
	v6 =	vshll.u32 v6, $0x4;
	v11 =	vld [tilespmem:s1+$0x70]  }
0x417: {  	v6 =	vor.u32 v1, v6;
	v7 =	vshll.u32 v7, $0x4;
	v12 =	vld [tilespmem:s1+$0x400]  }
0x418: {  	v7 =	vor.u32 v1, v7;
	v8 =	vshll.u32 v8, $0x4;
	v13 =	vld [tilespmem:s1+$0x410]  }
0x419: {  	v8 =	vor.u32 v1, v8;
	v9 =	vshll.u32 v9, $0x4;
	[tilespmem:v3+s23+$0x0] =	vst.idx.add.s32.msk $0xffff, v2  }
0x41a: {  	v9 =	vor.u32 v1, v9;
	v3 =	vshll.u32 v10, $0x4;
	v10 =	vld [tilespmem:s1+$0x420]  }
0x41b: {  	v14 =	vor.u32 v1, v3;
	v3 =	vshll.u32 v11, $0x4;
	v11 =	vld [tilespmem:s1+$0x430]  }
0x41c: {  	v15 =	vor.u32 v1, v3;
	v3 =	vshll.u32 v12, $0x4;
	v12 =	vld [tilespmem:s1+$0x440]  }
0x41d: {  	v16 =	vor.u32 v1, v3;
	v3 =	vshll.u32 v13, $0x4;
	v13 =	vld [tilespmem:s1+$0x450]  }
0x41e: {  	v17 =	vor.u32 v1, v3;
	v18 =	vld [tilespmem:s1+$0x460]  }
0x41f: {  	[tilespmem:v4+s23+$0x0] =	vst.idx.add.s32.msk $0xffff, v2;
	v3 =	vshll.u32 v10, $0x4  }
0x420: {  	[tilespmem:v5+s23+$0x0] =	vst.idx.add.s32.msk $0xffff, v2;
	v3 =	vor.u32 v1, v3;
	v4 =	vshll.u32 v11, $0x4  }
0x421: {  	[tilespmem:v6+s23+$0x0] =	vst.idx.add.s32.msk $0xffff, v2;
	v4 =	vor.u32 v1, v4;
	v5 =	vshll.u32 v12, $0x4  }
0x422: {  	[tilespmem:v7+s23+$0x0] =	vst.idx.add.s32.msk $0xffff, v2;
	v5 =	vor.u32 v1, v5;
	v6 =	vshll.u32 v13, $0x4  }
0x423: {  	[tilespmem:v8+s23+$0x0] =	vst.idx.add.s32.msk $0xffff, v2;
	v6 =	vor.u32 v1, v6;
	v7 =	vshll.u32 v18, $0x4  }
.Ltmp15:
0x424: {  	[tilespmem:v9+s23+$0x0] =	vst.idx.add.s32.msk $0xffff, v2;
	v7 =	vor.u32 v1, v7;
	(pc) =	sbr.rel @p0 .LBB2_32-.Ltmp15, $4  }
0x425: {  	[tilespmem:v14+s23+$0x0] =	vst.idx.add.s32.msk $0xffff, v2  }
0x426: {  	[tilespmem:v15+s23+$0x0] =	vst.idx.add.s32.msk $0xffff, v2  }
0x427: {  	[tilespmem:v16+s23+$0x0] =	vst.idx.add.s32.msk $0xffff, v2  }
0x428: {  	[tilespmem:v17+s23+$0x0] =	vst.idx.add.s32.msk $0xffff, v2  }
0x429: {  	_ =	sdelay $0x3  }
0x42a: {  	[tilespmem:v3+s23+$0x0] =	vst.idx.add.s32.msk $0xffff, v2  }
0x42b: {  	[tilespmem:v4+s23+$0x0] =	vst.idx.add.s32.msk $0xffff, v2  }
0x42c: {  	[tilespmem:v5+s23+$0x0] =	vst.idx.add.s32.msk $0xffff, v2  }
0x42d: {  	[tilespmem:v6+s23+$0x0] =	vst.idx.add.s32.msk $0xffff, v2  }
0x42e: {  	[tilespmem:v7+s23+$0x0] =	vst.idx.add.s32.msk $0xffff, v2;
	s30 =	simm.s32 $0x0;
	s0 =	simm.s32 $0x0;
	s26 =	simm.s32 $0x0  }
0x42f: {  	_ =	swait.ge [sflag:s24], $0x8000;
	s0 =	sand.u32 $0x7000, s0;
	s1 =	sand.u32 $0x800, s30  }
0x430: {  	s26 =	sand.u32 $0x380, s26;
	[sflag:s24] =	ssyncset.done $0x0;
	s0 =	sor.u32 s1, s0  }
0x431: {  	[sflag:s24] =	ssyncadd.s32 $0xFFFF8000;
	s0 =	sor.u32 s26, s0  }
0x432: {  	v3 =	vld [tilespmem:s0+$0x8470]  }
0x433: {  	v4 =	vld [tilespmem:s0+$0x8000]  }
0x434: {  	v5 =	vld [tilespmem:s0+$0x8010]  }
0x435: {  	v6 =	vld [tilespmem:s0+$0x8020]  }
0x436: {  	v7 =	vld [tilespmem:s0+$0x8030]  }
0x437: {  	v8 =	vld [tilespmem:s0+$0x8040]  }
0x438: {  	v9 =	vld [tilespmem:s0+$0x8050];
	v3 =	vshll.u32 v3, $0x4  }
0x439: {  	v10 =	vld [tilespmem:s0+$0x8060];
	v3 =	vor.u32 v1, v3  }
0x43a: {  	v11 =	vld [tilespmem:s0+$0x8070]  }
0x43b: {  	v12 =	vld [tilespmem:s0+$0x8400]  }
0x43c: {  	v13 =	vld [tilespmem:s0+$0x8410]  }
0x43d: {  	v14 =	vld [tilespmem:s0+$0x8430];
	v4 =	vshll.u32 v4, $0x4  }
0x43e: {  	v6 =	vshll.u32 v6, $0x4;
	[tilespmem:v3+s23+$0x0] =	vst.idx.add.s32.msk $0xffff, v2;
	v3 =	vor.u32 v1, v4  }
0x43f: {  	v15 =	vld [tilespmem:s0+$0x8440];
	v6 =	vor.u32 v1, v6;
	v4 =	vshll.u32 v5, $0x4  }
0x440: {  	v16 =	vld [tilespmem:s0+$0x8450];
	v7 =	vshll.u32 v7, $0x4;
	v4 =	vor.u32 v1, v4  }
0x441: {  	v17 =	vld [tilespmem:s0+$0x8460];
	v8 =	vshll.u32 v8, $0x4;
	v7 =	vor.u32 v1, v7  }
0x442: {  	v10 =	vshll.u32 v10, $0x4;
	v8 =	vor.u32 v1, v8;
	v5 =	vld [tilespmem:s0+$0x8420]  }
0x443: {  	v9 =	vshll.u32 v9, $0x4;
	[tilespmem:v3+s23+$0x0] =	vst.idx.add.s32.msk $0xffff, v2;
	v3 =	vor.u32 v1, v10  }
0x444: {  	v62 =	vshll.u32 v11, $0x4;
	v9 =	vor.u32 v1, v9;
	[tilespmem:v6+s23+$0x0] =	vst.idx.add.s32.msk $0xffff, v2  }
0x445: {  	v10 =	vor.u32 v1, v62;
	[tilespmem:v4+s23+$0x0] =	vst.idx.add.s32.msk $0xffff, v2;
	v4 =	vshll.u32 v12, $0x4  }
0x446: {  	[tilespmem:v7+s23+$0x0] =	vst.idx.add.s32.msk $0xffff, v2;
	v6 =	vor.u32 v1, v4;
	v4 =	vshll.u32 v13, $0x4  }
0x447: {  	[tilespmem:v8+s23+$0x0] =	vst.idx.add.s32.msk $0xffff, v2;
	v63 =	vor.u32 v1, v4;
	v4 =	vshll.u32 v5, $0x4  }
0x448: {  	v5 =	vshll.u32 v14, $0x4;
	[tilespmem:v3+s23+$0x0] =	vst.idx.add.s32.msk $0xffff, v2;
	v3 =	vor.u32 v1, v4  }
0x449: {  	[tilespmem:v9+s23+$0x0] =	vst.idx.add.s32.msk $0xffff, v2;
	v4 =	vor.u32 v1, v5;
	v5 =	vshll.u32 v15, $0x4  }
0x44a: {  	v7 =	vshll.u32 v16, $0x4;
	[tilespmem:v10+s23+$0x0] =	vst.idx.add.s32.msk $0xffff, v2;
	v5 =	vor.u32 v1, v5  }
0x44b: {  	v8 =	vshll.u32 v17, $0x4;
	[tilespmem:v6+s23+$0x0] =	vst.idx.add.s32.msk $0xffff, v2;
	v6 =	vor.u32 v1, v7  }
0x44c: {  	s31 =	simm.s32 $0x10020;
	s1 =	simm.s32 $0x0;
	s0 =	simm.s32 $0x0;
	v7 =	vor.u32 v1, v8;
	[tilespmem:v63+s23+$0x0] =	vst.idx.add.s32.msk $0xffff, v2  }
.LBB2_34:
0x44d: {  	s0 =	sadd.s32 $0x10, s0;
	[tilespmem:v3+s23+$0x0] =	vst.idx.add.s32.msk $0xffff, v2  }
0x44e: {  	s1 =	sadd.s32 $0x800, s1;
	s26 =	sshll.u32 s0, $0x4;
	p0 =	slt.u32 s0, $0x7F0;
	[tilespmem:v4+s23+$0x0] =	vst.idx.add.s32.msk $0xffff, v2  }
0x44f: {  	s28 =	sand.u32 $0x800, s1;
	s4 =	sshll.u32 s0, $0x2;
	s26 =	sand.u32 $0x7000, s26;
	[tilespmem:v5+s23+$0x0] =	vst.idx.add.s32.msk $0xffff, v2  }
0x450: {  	s4 =	sand.u32 $0x380, s4;
	s26 =	sor.u32 s28, s26;
	[tilespmem:v6+s23+$0x0] =	vst.idx.add.s32.msk $0xffff, v2  }
0x451: {  	s4 =	sor.u32 s4, s26;
	[tilespmem:v7+s23+$0x0] =	vst.idx.add.s32.msk $0xffff, v2  }
0x452: {  	v3 =	vld [tilespmem:s4+$0x8470]  }
0x453: {  	v4 =	vld [tilespmem:s4+$0x8000]  }
0x454: {  	v5 =	vld [tilespmem:s4+$0x8010]  }
0x455: {  	v6 =	vld [tilespmem:s4+$0x8020]  }
0x456: {  	v7 =	vld [tilespmem:s4+$0x8030]  }
0x457: {  	v8 =	vld [tilespmem:s4+$0x8040];
	v3 =	vshll.u32 v3, $0x4  }
0x458: {  	v4 =	vshll.u32 v4, $0x4;
	v9 =	vld [tilespmem:s4+$0x8050];
	v3 =	vor.u32 v1, v3  }
0x459: {  	v4 =	vor.u32 v1, v4;
	v5 =	vshll.u32 v5, $0x4;
	v10 =	vld [tilespmem:s4+$0x8060]  }
0x45a: {  	v5 =	vor.u32 v1, v5;
	v6 =	vshll.u32 v6, $0x4;
	v11 =	vld [tilespmem:s4+$0x8070]  }
0x45b: {  	v6 =	vor.u32 v1, v6;
	v7 =	vshll.u32 v7, $0x4;
	v12 =	vld [tilespmem:s4+$0x8400]  }
0x45c: {  	v7 =	vor.u32 v1, v7;
	v8 =	vshll.u32 v8, $0x4;
	v13 =	vld [tilespmem:s4+$0x8410]  }
0x45d: {  	v8 =	vor.u32 v1, v8;
	v9 =	vshll.u32 v9, $0x4;
	[tilespmem:v3+s23+$0x0] =	vst.idx.add.s32.msk $0xffff, v2  }
0x45e: {  	v9 =	vor.u32 v1, v9;
	v3 =	vshll.u32 v10, $0x4;
	v10 =	vld [tilespmem:s4+$0x8420]  }
0x45f: {  	v14 =	vor.u32 v1, v3;
	v3 =	vshll.u32 v11, $0x4;
	v11 =	vld [tilespmem:s4+$0x8430]  }
0x460: {  	v15 =	vor.u32 v1, v3;
	v3 =	vshll.u32 v12, $0x4;
	v12 =	vld [tilespmem:s4+$0x8440]  }
0x461: {  	v16 =	vor.u32 v1, v3;
	v3 =	vshll.u32 v13, $0x4;
	v13 =	vld [tilespmem:s4+$0x8450]  }
0x462: {  	v17 =	vor.u32 v1, v3;
	v18 =	vld [tilespmem:s4+$0x8460]  }
0x463: {  	[tilespmem:v4+s23+$0x0] =	vst.idx.add.s32.msk $0xffff, v2;
	v3 =	vshll.u32 v10, $0x4  }
0x464: {  	[tilespmem:v5+s23+$0x0] =	vst.idx.add.s32.msk $0xffff, v2;
	v3 =	vor.u32 v1, v3;
	v4 =	vshll.u32 v11, $0x4  }
0x465: {  	[tilespmem:v6+s23+$0x0] =	vst.idx.add.s32.msk $0xffff, v2;
	v4 =	vor.u32 v1, v4;
	v5 =	vshll.u32 v12, $0x4  }
0x466: {  	[tilespmem:v7+s23+$0x0] =	vst.idx.add.s32.msk $0xffff, v2;
	v5 =	vor.u32 v1, v5;
	v6 =	vshll.u32 v13, $0x4  }
0x467: {  	[tilespmem:v8+s23+$0x0] =	vst.idx.add.s32.msk $0xffff, v2;
	v6 =	vor.u32 v1, v6;
	v7 =	vshll.u32 v18, $0x4  }
.Ltmp16:
0x468: {  	[tilespmem:v9+s23+$0x0] =	vst.idx.add.s32.msk $0xffff, v2;
	v7 =	vor.u32 v1, v7;
	(pc) =	sbr.rel @p0 .LBB2_34-.Ltmp16, $4  }
0x469: {  	[tilespmem:v14+s23+$0x0] =	vst.idx.add.s32.msk $0xffff, v2  }
0x46a: {  	[tilespmem:v15+s23+$0x0] =	vst.idx.add.s32.msk $0xffff, v2  }
0x46b: {  	[tilespmem:v16+s23+$0x0] =	vst.idx.add.s32.msk $0xffff, v2  }
0x46c: {  	[tilespmem:v17+s23+$0x0] =	vst.idx.add.s32.msk $0xffff, v2  }
0x46d: {  	_ =	sdelay $0x3  }
0x46e: {  	[tilespmem:v3+s23+$0x0] =	vst.idx.add.s32.msk $0xffff, v2  }
0x46f: {  	[tilespmem:v4+s23+$0x0] =	vst.idx.add.s32.msk $0xffff, v2  }
0x470: {  	[tilespmem:v5+s23+$0x0] =	vst.idx.add.s32.msk $0xffff, v2  }
0x471: {  	[tilespmem:v6+s23+$0x0] =	vst.idx.add.s32.msk $0xffff, v2  }
0x472: {  	[tilespmem:v7+s23+$0x0] =	vst.idx.add.s32.msk $0xffff, v2  }
0x473: {  	v3 =	vld [tilespmem:s31+$0x10];
	_ =	sdelay $0x1  }
0x474: {  	v4 =	vld [tilespmem:s31+$0xFFFFFFF0]  }
0x475: {  	v5 =	vld [tilespmem:s31+$0x0]  }
0x476: {  	v6 =	vld [tilespmem:s31+$0xFFFFFFE0]  }
0x477: {  	s4 =	simm.s32 $0x10060;
	(xrf0) =	vadd.scan.msk.s32 $0xffff, v3  }
0x478: {  	v10 =	vld [tilespmem:s4+$0x10]  }
0x479: {  	s0 =	simm.s32 $0x1;
	s28 =	simm.s32 $0x2;
	(xrf0) =	vadd.scan.msk.s32 $0xffff, v4  }
0x47a: {  	v8 =	vld [tilespmem:s4+$0xFFFFFFF0];
	v9 =	vmov s28;
	v3 =	vmov s0;
	(xrf0) =	vadd.scan.msk.s32 $0xffff, v5  }
0x47b: {  	s26 =	simm.s32 $0x3;
	v7 =	vld [tilespmem:s4+$0x0];
	v4 =	vmov s30;
	v3 =	vand.u32 $0xFFFFFFFD, v3;
	v5 =	vand.u32 $0xFFFFFFFE, v9;
	(xrf0) =	vadd.scan.msk.s32 $0xffff, v6  }
0x47c: {  	s1 =	simm.s32 $0x8;
	v3 =	vbroadcast v3, $0x0;
	v11 =	vand.u32 $0xFFFFFFFC, v4;
	v9 =	vld [tilespmem:s4+$0xFFFFFFE0];
	v6 =	vmov s26  }
0x47d: {  	s31 =	simm.s32 $0x5;
	s0 =	simm.s32 $0x4;
	s30 =	simm.s32 $0x100A0;
	v4 =	vbroadcast v5, $0x0;
	v5 =	vbroadcast v11, $0x0;
	(xrf0) =	vadd.scan.msk.s32 $0xffff, v10;
	v10, _, _ =	vpop (xrf0)  }
.LBB2_36:
0x47e: {  	p0 =	slt.u32 s1, $0x3FC  }
0x47f: {  	v11 =	vld [tilespmem:s30+$0x10];
	v12 =	vmov s0;
	v13 =	vmov s31;
	s4 =	sadd.s32 $0x2, s0;
	(xrf0) =	vadd.scan.msk.s32 $0xffff, v8;
	v17 =	vbroadcast v10, $0xF;
	v14, _, _ =	vpop (xrf0);
	s26 =	smov.u32 s1;
	s1 =	sadd.s32 $0x4, s1  }
.Ltmp17:
0x480: {  	v8 =	vld [tilespmem:s30+$0xFFFFFFF0];
	v13 =	vand.u32 $0xFFFFFFFD, v13;
	v15 =	vmov s4;
	(xrf0) =	vadd.scan.msk.s32 $0xffff, v7;
	v14 =	vbroadcast v14, $0xF;
	v16, _, _ =	vpop (xrf0);
	(pc) =	sbr.rel @p0 .LBB2_36-.Ltmp17, $4  }
0x481: {  	s4 =	sadd.s32 $0x3, s0;
	s0 =	smov.u32 s26;
	v7 =	vld [tilespmem:s30+$0x0];
	v15 =	vand.u32 $0xFFFFFFFE, v15;
	(xrf0) =	vadd.scan.msk.s32 $0xffff, v9;
	v16 =	vbroadcast v16, $0xF;
	[tilespmem:v6+s25+$0x0] =	vst.idx.msk $0x1, v17;
	v10, _, _ =	vpop (xrf0)  }
0x482: {  	v6 =	vmov s4;
	v9 =	vld [tilespmem:s30+$0xFFFFFFE0];
	v17 =	vbroadcast v10, $0xF;
	[tilespmem:v3+s25+$0x0] =	vst.idx.msk $0x1, v14;
	v3 =	vbroadcast v13, $0x0  }
0x483: {  	v12 =	vand.u32 $0xFFFFFFFC, v12;
	[tilespmem:v4+s25+$0x0] =	vst.idx.msk $0x1, v16;
	v4 =	vbroadcast v15, $0x0  }
0x484: {  	s31 =	sadd.s32 $0x1, s0;
	s30 =	sadd.s32 $0x40, s30;
	(xrf0) =	vadd.scan.msk.s32 $0xffff, v11;
	v10, _, _ =	vpop (xrf0);
	[tilespmem:v5+s25+$0x0] =	vst.idx.msk $0x1, v17;
	v5 =	vbroadcast v12, $0x0  }
0x485: {  	(xrf0) =	vadd.scan.msk.s32 $0xffff, v8  }
0x486: {  	v52 =	vmov s0;
	v11 =	vmov s31;
	s1 =	sadd.s32 $0x2, s0;
	v10 =	vbroadcast v10, $0xF;
	v12, _, _ =	vpop (xrf0);
	(xrf0) =	vadd.scan.msk.s32 $0xffff, v7  }
0x487: {  	s28 =	sadd.s32 $0x3, s0;
	v53 =	vand.u32 $0xFFFFFFFD, v11;
	v54 =	vmov s1;
	v12 =	vbroadcast v12, $0xF;
	(xrf0) =	vadd.scan.msk.s32 $0xffff, v9  }
0x488: {  	v55, _, _ =	vpop (xrf0);
	v13 =	vmov s28;
	v11 =	vand.u32 $0xFFFFFFFE, v54;
	v7 =	vbroadcast v53, $0x0  }
0x489: {  	v8 =	vand.u32 $0xFFFFFFFC, v52;
	v9 =	vbroadcast v55, $0xF;
	[tilespmem:v6+s25+$0x0] =	vst.idx.msk $0x1, v10;
	v56, _, _ =	vpop (xrf0);
	v57 =	vbroadcast v11, $0x0  }
0x48a: {  	v6 =	vbroadcast v56, $0xF;
	[tilespmem:v3+s25+$0x0] =	vst.idx.msk $0x1, v12;
	v3 =	vbroadcast v8, $0x0;
	v58, _, _ =	vpop (xrf0)  }
0x48b: {  	[tilespmem:v4+s25+$0x0] =	vst.idx.msk $0x1, v9;
	v59 =	vbroadcast v58, $0xF;
	v60, _, _ =	vpop (xrf0)  }
0x48c: {  	[tilespmem:v5+s25+$0x0] =	vst.idx.msk $0x1, v6;
	v61 =	vbroadcast v60, $0xF;
	v62, _, _ =	vpop (xrf0)  }
0x48d: {  	v6 =	vbroadcast v62, $0xF;
	[tilespmem:v13+s25+$0x0] =	vst.idx.msk $0x1, v59;
	v63, _, _ =	vpop (xrf0)  }
0x48e: {  	s2 =	sadd.s32 $0x1, s2;
	v4 =	vbroadcast v63, $0xF;
	[tilespmem:v7+s25+$0x0] =	vst.idx.msk $0x1, v61  }
0x48f: {  	p0 =	sne.s32 s2, s20;
	[tilespmem:v57+s25+$0x0] =	vst.idx.msk $0x1, v6  }
.Ltmp18:
0x490: {  	s30 =	simm.s32 $0x80;
	s31 =	simm.s32 $0x400;
	[tilespmem:v3+s25+$0x0] =	vst.idx.msk $0x1, v4;
	(pc) =	sbr.rel @p0 .LBB2_1-.Ltmp18, $4  }
0x491: {  	[hbm4b:s19+s30] =	stream.strided.scatter [tilespmem:s25], [sflag:$0x3], $0x400, s31, s30, $0x38;
	[tilespmem:$0x14400] =	vst v63  }
0x492: {  	_ =	swait.ge [sflag:s29], $0x400  }
0x493: {  	[sflag:s29] =	ssyncset.done $0x0  }
0x494: {  	[sflag:s29] =	ssyncadd.s32 $0xFFFFFC00  }
0x495: {  	_ =	sfence.sel $0x180000  }
0x496: {  	[bflag:$0x0] =	sbarrier.arrive $0xFFFF  }
0x497: {  	_ =	strace $0x90000047  }
0x498: {  	s0 =	stileid.u32;
	[bflag:$0x2] =	sbarrier.arrive $0xFFFF  }
0x499: {  	p0 =	sne.s32 s0, $0x0;
	s0 =	rddreg [dreg:$0x2]  }
0x49a: {  	s0 =	sadd.s32 @!p0 $0x100000, s0  }
0x49b: {  	[sflag:s0] =	ssyncadd.tile.s32 @!p0 $0x1;
	_ =	shalt  }
.Lfunc_end2:
_tile_overlayer_lowered:
.L_overlay_start_2:
0x49c: {  	(tag) =	ssettag $0x2  }
0x49d: {  	s0 =	rddreg [dreg:$0x0];
	s2 =	stileid.u32  }
0x49e: {  	s1 =	rddreg [dreg:$0x1];
	p0 =	sne.s32 s2, $0x0  }
0x49f: {  	s3 =	rddreg [dreg:$0x2];
	[bflag:$0x3] =	sbarrier.arrive $0xFFFF;
	s2 =	simm.s32 @!p0 $0x1C03  }
0x4a0: {  	[timem:s3], [sflag:s2] =	dma.local @!p0 [hbm:s0], s1  }
0x4a1: {  	s0 =	simm.s32 @!p0 $0x3  }
0x4a2: {  	_ =	swait.ge @!p0 [sflag:s0], s1  }
0x4a3: {  	s1 =	ssub.s32 @!p0 $0x0, s1;
	[sflag:s0] =	ssyncset.done @!p0 $0x0  }
0x4a4: {  	[sflag:s0] =	ssyncadd.s32 @!p0 s1  }
0x4a5: {  	[bflag:$0x3] =	sbarrier.arrive $0xFFFF  }
0x4a6: {  	_ =	shalt  }

</sc_bundles>
